<compile_context>
chip_gen: v7x
topology: tpu7x:2x2x1
jax: 0.10.2.dev20260603
libtpu: 0.0.44.dev20260713+nightly
codegen_flags: <defaults>
</compile_context>

<pallas_src>
import functools

import jax
import jax.numpy as jnp
from jax import lax
from jax.experimental import pallas as pl
from jax.experimental.pallas import tpu as pltpu
from jax.experimental.pallas import tpu_sc as plsc

_B = 16384
_D = 128
_ARITY = 6
_OUT = 16
_NW = 32
_RPW = _B // _NW
_L = 16
_CHUNKS = _RPW // _L
_NBLK = 2
_RPB = _RPW // _NBLK
_NB = 4

_INV_2PI = 0.15915494309189535
_RND = 12582912.0
_TWOPI_A = 6.283185482025146
_TWOPI_B = 1.7484556000744883e-07

_SIN_C = (0.9999996039189344, -0.1666655344570858, 0.008332407588418425,
          -0.00019808739902777523, 2.6998226315862184e-06,
          -2.0366224567913704e-08)
_COS_C = (0.9999992215572938, -0.4999942680288699, 0.04165982213216898,
          -0.0013858915735515667, 2.42043987961002e-05,
          -2.1978872144501338e-07)


def _reduce_2pi(v):
    kf = (v * _INV_2PI + _RND) - _RND
    return (v - kf * _TWOPI_A) + kf * _TWOPI_B


def _fast_sin(v):
    r = _reduce_2pi(v)
    r2 = r * r
    acc = _SIN_C[-1]
    for c in _SIN_C[-2::-1]:
        acc = acc * r2 + c
    return acc * r


def _fast_cos(v):
    r = _reduce_2pi(v)
    r2 = r * r
    acc = _COS_C[-1]
    for c in _COS_C[-2::-1]:
        acc = acc * r2 + c
    return acc


def _bases(g):
    return [_fast_sin(g[0]), _fast_cos(g[1]), g[2] * g[3], g[4] + g[5]]


def _sel4(c, h):
    return jnp.where(c == 0, h[0],
                     jnp.where(c == 1, h[1],
                               jnp.where(c == 2, h[2], h[3])))


@functools.cache
def _build():
    @functools.partial(
        pl.kernel,
        mesh=plsc.VectorSubcoreMesh(core_axis_name="c", subcore_axis_name="s"),
        compiler_params=pltpu.CompilerParams(
            needs_layout_passes=False, use_tc_tiling_on_sc=True,
            skip_device_barrier=True),
        out_type=jax.ShapeDtypeStruct((_OUT, _B), jnp.float32),
        scratch_types=[
            pltpu.VMEM((_RPW, _D), jnp.float32),
            pltpu.VMEM((_ARITY, _RPW), jnp.int32),
            pltpu.VMEM((_ARITY, _RPW), jnp.int32),
            pltpu.VMEM((_OUT, _RPW), jnp.int32),
            pltpu.VMEM((_OUT, _RPW), jnp.float32),
            pltpu.SemaphoreType.DMA,
            pltpu.SemaphoreType.DMA,
        ] + [pltpu.SemaphoreType.DMA] * _NBLK,
    )
    def _occam_sc(x_hbm, i1t_hbm, i2t_hbm, i3t_hbm, out_hbm,
                  x_v, i1_v, i2_v, i3_v, o_v, sem_i, sem_o, *sem_x):
        wid = lax.axis_index("s") * 2 + lax.axis_index("c")
        base = wid * _RPW
        xcopies = [
            pltpu.async_copy(
                x_hbm.at[pl.ds(base + blk * _RPB, _RPB)],
                x_v.at[pl.ds(blk * _RPB, _RPB)], sem_x[blk])
            for blk in range(_NBLK)
        ]
        c1 = pltpu.async_copy(i1t_hbm.at[:, pl.ds(base, _RPW)], i1_v, sem_i)
        c2 = pltpu.async_copy(i2t_hbm.at[:, pl.ds(base, _RPW)], i2_v, sem_i)
        c3 = pltpu.async_copy(i3t_hbm.at[:, pl.ds(base, _RPW)], i3_v, sem_i)
        c1.wait(); c2.wait(); c3.wait()

        lanes = lax.iota(jnp.int32, _L)

        def chunk(c):
            rows = lanes + c * _L
            cols = pl.ds(c * _L, _L)
            g1 = [plsc.load_gather(x_v, [rows, i1_v[j, cols]])
                  for j in range(_ARITY)]
            h1 = _bases(g1)
            g2 = [_sel4(i2_v[j, cols], h1) for j in range(_ARITY)]
            h2 = _bases(g2)
            for o in range(_OUT):
                o_v[o, cols] = _sel4(i3_v[o, cols], h2)

        cpb = _RPB // _L
        ocopies = []
        for blk in range(_NBLK):
            xcopies[blk].wait()
            plsc.parallel_loop(blk * cpb, (blk + 1) * cpb, unroll=4)(chunk)
            ocopies.append(pltpu.async_copy(
                o_v.at[:, pl.ds(blk * _RPB, _RPB)],
                out_hbm.at[:, pl.ds(base + blk * _RPB, _RPB)], sem_o))
        for oc in ocopies:
            oc.wait()

    return _occam_sc


def kernel(x, W1, W2, W3, idx1, idx2, idx3):
    del W1, W2, W3
    yt = _build()(x, idx1.T, idx2.T, idx3.T)
    return yt.T

# --- scband reference (transcript-rebuilt; emitter-appended) ---
"""Pipeline reference for scband-occam-net-38079180046536 (READ-ONLY COPY).

The authoritative reference and input builder live on the scoring server;
editing this copy changes nothing except your own understanding.
"""

import jax, jax.numpy as jnp
import numpy as np

B = 16384
D = 128
NB = 4          # bases per hidden layer: sin, cos, mul, add
ARITY_TOTAL = 6 # 1+1+2+2
OUT = 16

def setup_inputs(seed: int = 0) -> dict:
    key = jax.random.key(seed)
    k1, k2, k3, k4 = jax.random.split(key, 4)
    x = jax.random.normal(k1, (B, D), dtype=jnp.float32)
    # Tensorized encoding of `the_paths`: sampled input-wire indices per layer
    # (in the torch module these come from Categorical(softmax(W/T)) sampling).
    idx1 = jax.random.randint(k2, (B, ARITY_TOTAL), 0, D)    # wires from input layer
    idx2 = jax.random.randint(k3, (B, ARITY_TOTAL), 0, NB)   # wires from hidden layer 1
    idx3 = jax.random.randint(k4, (B, OUT), 0, NB)           # output gather wires
    # Learned softmax-wiring weight matrices (initialized to ones as in initialize_w_layer)
    W1 = jnp.ones((ARITY_TOTAL, D), dtype=jnp.float32)
    W2 = jnp.ones((ARITY_TOTAL, NB), dtype=jnp.float32)
    W3 = jnp.ones((OUT, NB), dtype=jnp.float32)
    return {"x": x, "W1": W1, "W2": W2, "W3": W3, "idx1": idx1, "idx2": idx2, "idx3": idx3}

def _apply_bases(g):
    # g: [B, 6] gathered wire values; bases = [sin(arity1), cos(arity1), mul(arity2), add(arity2)]
    return jnp.stack([
        jnp.sin(g[:, 0]),
        jnp.cos(g[:, 1]),
        g[:, 2] * g[:, 3],
        g[:, 4] + g[:, 5],
    ], axis=-1)  # [B, 4]

def reference(x, W1, W2, W3, idx1, idx2, idx3):
    # Vectorized, faithful evaluation of OccamNet.forward over nb_sampled_paths:
    # each sampled path gathers inputs per base function and applies the base,
    # layer by layer; final layer is identity gathers into the output slots.
    g1 = jnp.take_along_axis(x, idx1, axis=1)   # [B, 6] gather from inputs
    h1 = _apply_bases(g1)                       # [B, 4]
    g2 = jnp.take_along_axis(h1, idx2, axis=1)  # [B, 6] gather from layer-1 outputs
    h2 = _apply_bases(g2)                       # [B, 4]
    y = jnp.take_along_axis(h2, idx3, axis=1)   # [B, 16] 'ide' final bases
    return y

if __name__ == "__main__":
    import jax
    _d = setup_inputs()
    print(jax.jit(kernel)(*tuple(_d.values())))

</pallas_src>

<mosaic_0001>
#map = affine_map<(d0, d1) -> (0, 0)>
module attributes {stable_mosaic.version = 14 : i64} {
  func.func @_occam_sc(%arg0: i32, %arg1: i32, %arg2: memref<16384x128xf32, #tpu.memory_space<hbm>>, %arg3: memref<6x16384xi32, #tpu.memory_space<hbm>>, %arg4: memref<6x16384xi32, #tpu.memory_space<hbm>>, %arg5: memref<16x16384xi32, #tpu.memory_space<hbm>>, %arg6: memref<16x16384xf32, #tpu.memory_space<hbm>>, %arg7: memref<512x128xf32, #tpu.memory_space<vmem>>, %arg8: memref<6x512xi32, #tpu.memory_space<vmem>>, %arg9: memref<6x512xi32, #tpu.memory_space<vmem>>, %arg10: memref<16x512xi32, #tpu.memory_space<vmem>>, %arg11: memref<16x512xf32, #tpu.memory_space<vmem>>, %arg12: memref<!tpu.dma_semaphore, #tpu.memory_space<semaphore_mem>>, %arg13: memref<!tpu.dma_semaphore, #tpu.memory_space<semaphore_mem>>, %arg14: memref<!tpu.dma_semaphore, #tpu.memory_space<semaphore_mem>>, %arg15: memref<!tpu.dma_semaphore, #tpu.memory_space<semaphore_mem>>) attributes {dimension_semantics = [#tpu.dimension_semantics<core_parallel>, #tpu.dimension_semantics<subcore_parallel>], iteration_bounds = array<i64: 2, 16>, scalar_prefetch = 0 : i64, scratch_operands = 9 : i64, tpu.core_type = #tpu.core_type<sc_vector_subcore>, window_params = [{transform_indices = #map}, {transform_indices = #map}, {transform_indices = #map}, {transform_indices = #map}, {transform_indices = #map}]} {
    %mul3A = arith.constant 2 : i32
    %mul3A_0 = arith.muli %arg1, %mul3A : i32
    %add3A = arith.addi %mul3A_0, %arg0 : i32
    %mul3A_1 = arith.constant 512 : i32
    %mul3A_2 = arith.muli %add3A, %mul3A_1 : i32
    %add3A_3 = arith.constant 0 : i32
    %add3A_4 = arith.addi %mul3A_2, %add3A_3 : i32
    %dma_start3A = arith.constant 0 : i32
    %dma_start3A_5 = arith.constant 0 : i32
    %dma_start3A_6 = tpu.memref_slice %arg7[%dma_start3A, %dma_start3A_5] : memref<512x128xf32, #tpu.memory_space<vmem>> -> memref<256x128xf32, #tpu.memory_space<vmem>>
    %dma_start3A_7 = arith.constant 0 : i32
    %dma_start3A_8 = tpu.memref_slice %arg2[%add3A_4, %dma_start3A_7] : memref<16384x128xf32, #tpu.memory_space<hbm>> -> memref<256x128xf32, #tpu.memory_space<hbm>>
    %dma_start3A_9 = arith.constant 0 : i32
    %dma_start3A_10 = arith.constant 0 : i32
    %dma_start3A_11 = tpu.memref_slice %arg7[%dma_start3A_9, %dma_start3A_10] : memref<512x128xf32, #tpu.memory_space<vmem>> -> memref<256x128xf32, #tpu.memory_space<vmem>>
    %dma_start3A_12 = arith.constant 0 : i32
    %dma_start3A_13 = tpu.memref_slice %arg2[%add3A_4, %dma_start3A_12] : memref<16384x128xf32, #tpu.memory_space<hbm>> -> memref<256x128xf32, #tpu.memory_space<hbm>>
    tpu.enqueue_dma source(%dma_start3A_13 : memref<256x128xf32, #tpu.memory_space<hbm>>) target(%dma_start3A_11 : memref<256x128xf32, #tpu.memory_space<vmem>>) target_semaphore(%arg14 : memref<!tpu.dma_semaphore, #tpu.memory_space<semaphore_mem>>)
    %add3A_14 = arith.constant 256 : i32
    %add3A_15 = arith.addi %mul3A_2, %add3A_14 : i32
    %dma_start3A_16 = arith.constant 256 : i32
    %dma_start3A_17 = arith.constant 0 : i32
    %dma_start3A_18 = tpu.memref_slice %arg7[%dma_start3A_16, %dma_start3A_17] : memref<512x128xf32, #tpu.memory_space<vmem>> -> memref<256x128xf32, #tpu.memory_space<vmem>>
    %dma_start3A_19 = arith.constant 0 : i32
    %dma_start3A_20 = tpu.memref_slice %arg2[%add3A_15, %dma_start3A_19] : memref<16384x128xf32, #tpu.memory_space<hbm>> -> memref<256x128xf32, #tpu.memory_space<hbm>>
    %dma_start3A_21 = arith.constant 256 : i32
    %dma_start3A_22 = arith.constant 0 : i32
    %dma_start3A_23 = tpu.memref_slice %arg7[%dma_start3A_21, %dma_start3A_22] : memref<512x128xf32, #tpu.memory_space<vmem>> -> memref<256x128xf32, #tpu.memory_space<vmem>>
    %dma_start3A_24 = arith.constant 0 : i32
    %dma_start3A_25 = tpu.memref_slice %arg2[%add3A_15, %dma_start3A_24] : memref<16384x128xf32, #tpu.memory_space<hbm>> -> memref<256x128xf32, #tpu.memory_space<hbm>>
    tpu.enqueue_dma source(%dma_start3A_25 : memref<256x128xf32, #tpu.memory_space<hbm>>) target(%dma_start3A_23 : memref<256x128xf32, #tpu.memory_space<vmem>>) target_semaphore(%arg15 : memref<!tpu.dma_semaphore, #tpu.memory_space<semaphore_mem>>)
    %dma_start3A_26 = arith.constant 0 : i32
    %dma_start3A_27 = tpu.memref_slice %arg3[%dma_start3A_26, %mul3A_2] : memref<6x16384xi32, #tpu.memory_space<hbm>> -> memref<6x512xi32, #tpu.memory_space<hbm>>
    %dma_start3A_28 = arith.constant 0 : i32
    %dma_start3A_29 = tpu.memref_slice %arg3[%dma_start3A_28, %mul3A_2] : memref<6x16384xi32, #tpu.memory_space<hbm>> -> memref<6x512xi32, #tpu.memory_space<hbm>>
    tpu.enqueue_dma source(%dma_start3A_29 : memref<6x512xi32, #tpu.memory_space<hbm>>) target(%arg8 : memref<6x512xi32, #tpu.memory_space<vmem>>) target_semaphore(%arg12 : memref<!tpu.dma_semaphore, #tpu.memory_space<semaphore_mem>>)
    %dma_start3A_30 = arith.constant 0 : i32
    %dma_start3A_31 = tpu.memref_slice %arg4[%dma_start3A_30, %mul3A_2] : memref<6x16384xi32, #tpu.memory_space<hbm>> -> memref<6x512xi32, #tpu.memory_space<hbm>>
    %dma_start3A_32 = arith.constant 0 : i32
    %dma_start3A_33 = tpu.memref_slice %arg4[%dma_start3A_32, %mul3A_2] : memref<6x16384xi32, #tpu.memory_space<hbm>> -> memref<6x512xi32, #tpu.memory_space<hbm>>
    tpu.enqueue_dma source(%dma_start3A_33 : memref<6x512xi32, #tpu.memory_space<hbm>>) target(%arg9 : memref<6x512xi32, #tpu.memory_space<vmem>>) target_semaphore(%arg12 : memref<!tpu.dma_semaphore, #tpu.memory_space<semaphore_mem>>)
    %dma_start3A_34 = arith.constant 0 : i32
    %dma_start3A_35 = tpu.memref_slice %arg5[%dma_start3A_34, %mul3A_2] : memref<16x16384xi32, #tpu.memory_space<hbm>> -> memref<16x512xi32, #tpu.memory_space<hbm>>
    %dma_start3A_36 = arith.constant 0 : i32
    %dma_start3A_37 = tpu.memref_slice %arg5[%dma_start3A_36, %mul3A_2] : memref<16x16384xi32, #tpu.memory_space<hbm>> -> memref<16x512xi32, #tpu.memory_space<hbm>>
    tpu.enqueue_dma source(%dma_start3A_37 : memref<16x512xi32, #tpu.memory_space<hbm>>) target(%arg10 : memref<16x512xi32, #tpu.memory_space<vmem>>) target_semaphore(%arg12 : memref<!tpu.dma_semaphore, #tpu.memory_space<semaphore_mem>>)
    %dma_wait3A = arith.constant 0 : i32
    %dma_wait3A_38 = tpu.memref_slice %arg3[%dma_wait3A, %mul3A_2] : memref<6x16384xi32, #tpu.memory_space<hbm>> -> memref<6x512xi32, #tpu.memory_space<hbm>>
    %dma_wait3A_39 = arith.constant 0 : i32
    %dma_wait3A_40 = tpu.memref_slice %arg3[%dma_wait3A_39, %mul3A_2] : memref<6x16384xi32, #tpu.memory_space<hbm>> -> memref<6x512xi32, #tpu.memory_space<hbm>>
    tpu.wait_dma2 semaphore(%arg12 : memref<!tpu.dma_semaphore, #tpu.memory_space<semaphore_mem>>) src(%dma_wait3A_40 : memref<6x512xi32, #tpu.memory_space<hbm>>) dst(%arg8 : memref<6x512xi32, #tpu.memory_space<vmem>>)
    %dma_wait3A_41 = arith.constant 0 : i32
    %dma_wait3A_42 = tpu.memref_slice %arg4[%dma_wait3A_41, %mul3A_2] : memref<6x16384xi32, #tpu.memory_space<hbm>> -> memref<6x512xi32, #tpu.memory_space<hbm>>
    %dma_wait3A_43 = arith.constant 0 : i32
    %dma_wait3A_44 = tpu.memref_slice %arg4[%dma_wait3A_43, %mul3A_2] : memref<6x16384xi32, #tpu.memory_space<hbm>> -> memref<6x512xi32, #tpu.memory_space<hbm>>
    tpu.wait_dma2 semaphore(%arg12 : memref<!tpu.dma_semaphore, #tpu.memory_space<semaphore_mem>>) src(%dma_wait3A_44 : memref<6x512xi32, #tpu.memory_space<hbm>>) dst(%arg9 : memref<6x512xi32, #tpu.memory_space<vmem>>)
    %dma_wait3A_45 = arith.constant 0 : i32
    %dma_wait3A_46 = tpu.memref_slice %arg5[%dma_wait3A_45, %mul3A_2] : memref<16x16384xi32, #tpu.memory_space<hbm>> -> memref<16x512xi32, #tpu.memory_space<hbm>>
    %dma_wait3A_47 = arith.constant 0 : i32
    %dma_wait3A_48 = tpu.memref_slice %arg5[%dma_wait3A_47, %mul3A_2] : memref<16x16384xi32, #tpu.memory_space<hbm>> -> memref<16x512xi32, #tpu.memory_space<hbm>>
    tpu.wait_dma2 semaphore(%arg12 : memref<!tpu.dma_semaphore, #tpu.memory_space<semaphore_mem>>) src(%dma_wait3A_48 : memref<16x512xi32, #tpu.memory_space<hbm>>) dst(%arg10 : memref<16x512xi32, #tpu.memory_space<vmem>>)
    %iota3A = tpu.iota {dimensions = array<i32: 0>} : vector<16xi32>
    %dma_wait3A_49 = arith.constant 0 : i32
    %dma_wait3A_50 = arith.constant 0 : i32
    %dma_wait3A_51 = tpu.memref_slice %arg7[%dma_wait3A_49, %dma_wait3A_50] : memref<512x128xf32, #tpu.memory_space<vmem>> -> memref<256x128xf32, #tpu.memory_space<vmem>>
    %dma_wait3A_52 = arith.constant 0 : i32
    %dma_wait3A_53 = tpu.memref_slice %arg2[%add3A_4, %dma_wait3A_52] : memref<16384x128xf32, #tpu.memory_space<hbm>> -> memref<256x128xf32, #tpu.memory_space<hbm>>
    %dma_wait3A_54 = arith.constant 0 : i32
    %dma_wait3A_55 = arith.constant 0 : i32
    %dma_wait3A_56 = tpu.memref_slice %arg7[%dma_wait3A_54, %dma_wait3A_55] : memref<512x128xf32, #tpu.memory_space<vmem>> -> memref<256x128xf32, #tpu.memory_space<vmem>>
    %dma_wait3A_57 = arith.constant 0 : i32
    %dma_wait3A_58 = tpu.memref_slice %arg2[%add3A_4, %dma_wait3A_57] : memref<16384x128xf32, #tpu.memory_space<hbm>> -> memref<256x128xf32, #tpu.memory_space<hbm>>
    tpu.wait_dma2 semaphore(%arg14 : memref<!tpu.dma_semaphore, #tpu.memory_space<semaphore_mem>>) src(%dma_wait3A_58 : memref<256x128xf32, #tpu.memory_space<hbm>>) dst(%dma_wait3A_56 : memref<256x128xf32, #tpu.memory_space<vmem>>)
    %parallel_loop3A = arith.constant 0 : i32
    %parallel_loop3A_59 = arith.constant 16 : i32
    %parallel_loop3A_60 = arith.constant 1 : i32
    scf.for %parallel_loop3A_118 = %parallel_loop3A to %parallel_loop3A_59 step %parallel_loop3A_60  : i32 {
      %parallel_loop3A_119 = arith.constant 16 : i32
      %parallel_loop3A_120 = arith.muli %parallel_loop3A_118, %parallel_loop3A_119 : i32
      %parallel_loop3A_121 = vector.broadcast %parallel_loop3A_120 : i32 to vector<16xi32>
      %parallel_loop3A_122 = arith.addi %iota3A, %parallel_loop3A_121 : vector<16xi32>
      %parallel_loop3A_123 = arith.constant 16 : i32
      %parallel_loop3A_124 = arith.muli %parallel_loop3A_118, %parallel_loop3A_123 : i32
      %parallel_loop3A_125 = arith.constant 0 : i32
      %parallel_loop3A_126 = arith.index_cast %parallel_loop3A_125 : i32 to index
      %parallel_loop3A_127 = arith.index_cast %parallel_loop3A_124 : i32 to index
      %parallel_loop3A_128 = tpu.vector_load %arg8[%parallel_loop3A_126, %parallel_loop3A_127] {strides = array<i32>} : memref<6x512xi32, #tpu.memory_space<vmem>>, vector<16xi32>,
      %parallel_loop3A_129 = tpu.vector_load_idx %arg7[%parallel_loop3A_122, %parallel_loop3A_128] : memref<512x128xf32, #tpu.memory_space<vmem>>[vector<16xi32>, vector<16xi32>], vector<16xf32>,
      %parallel_loop3A_130 = arith.constant 1 : i32
      %parallel_loop3A_131 = arith.index_cast %parallel_loop3A_130 : i32 to index
      %parallel_loop3A_132 = arith.index_cast %parallel_loop3A_124 : i32 to index
      %parallel_loop3A_133 = tpu.vector_load %arg8[%parallel_loop3A_131, %parallel_loop3A_132] {strides = array<i32>} : memref<6x512xi32, #tpu.memory_space<vmem>>, vector<16xi32>,
      %parallel_loop3A_134 = tpu.vector_load_idx %arg7[%parallel_loop3A_122, %parallel_loop3A_133] : memref<512x128xf32, #tpu.memory_space<vmem>>[vector<16xi32>, vector<16xi32>], vector<16xf32>,
      %parallel_loop3A_135 = arith.constant 2 : i32
      %parallel_loop3A_136 = arith.index_cast %parallel_loop3A_135 : i32 to index
      %parallel_loop3A_137 = arith.index_cast %parallel_loop3A_124 : i32 to index
      %parallel_loop3A_138 = tpu.vector_load %arg8[%parallel_loop3A_136, %parallel_loop3A_137] {strides = array<i32>} : memref<6x512xi32, #tpu.memory_space<vmem>>, vector<16xi32>,
      %parallel_loop3A_139 = tpu.vector_load_idx %arg7[%parallel_loop3A_122, %parallel_loop3A_138] : memref<512x128xf32, #tpu.memory_space<vmem>>[vector<16xi32>, vector<16xi32>], vector<16xf32>,
      %parallel_loop3A_140 = arith.constant 3 : i32
      %parallel_loop3A_141 = arith.index_cast %parallel_loop3A_140 : i32 to index
      %parallel_loop3A_142 = arith.index_cast %parallel_loop3A_124 : i32 to index
      %parallel_loop3A_143 = tpu.vector_load %arg8[%parallel_loop3A_141, %parallel_loop3A_142] {strides = array<i32>} : memref<6x512xi32, #tpu.memory_space<vmem>>, vector<16xi32>,
      %parallel_loop3A_144 = tpu.vector_load_idx %arg7[%parallel_loop3A_122, %parallel_loop3A_143] : memref<512x128xf32, #tpu.memory_space<vmem>>[vector<16xi32>, vector<16xi32>], vector<16xf32>,
      %parallel_loop3A_145 = arith.constant 4 : i32
      %parallel_loop3A_146 = arith.index_cast %parallel_loop3A_145 : i32 to index
      %parallel_loop3A_147 = arith.index_cast %parallel_loop3A_124 : i32 to index
      %parallel_loop3A_148 = tpu.vector_load %arg8[%parallel_loop3A_146, %parallel_loop3A_147] {strides = array<i32>} : memref<6x512xi32, #tpu.memory_space<vmem>>, vector<16xi32>,
      %parallel_loop3A_149 = tpu.vector_load_idx %arg7[%parallel_loop3A_122, %parallel_loop3A_148] : memref<512x128xf32, #tpu.memory_space<vmem>>[vector<16xi32>, vector<16xi32>], vector<16xf32>,
      %parallel_loop3A_150 = arith.constant 5 : i32
      %parallel_loop3A_151 = arith.index_cast %parallel_loop3A_150 : i32 to index
      %parallel_loop3A_152 = arith.index_cast %parallel_loop3A_124 : i32 to index
      %parallel_loop3A_153 = tpu.vector_load %arg8[%parallel_loop3A_151, %parallel_loop3A_152] {strides = array<i32>} : memref<6x512xi32, #tpu.memory_space<vmem>>, vector<16xi32>,
      %parallel_loop3A_154 = tpu.vector_load_idx %arg7[%parallel_loop3A_122, %parallel_loop3A_153] : memref<512x128xf32, #tpu.memory_space<vmem>>[vector<16xi32>, vector<16xi32>], vector<16xf32>,
      %parallel_loop3A_155 = arith.constant 0.159154937 : f32
      %parallel_loop3A_156 = vector.broadcast %parallel_loop3A_155 : f32 to vector<16xf32>
      %parallel_loop3A_157 = arith.mulf %parallel_loop3A_129, %parallel_loop3A_156 : vector<16xf32>
      %parallel_loop3A_158 = arith.constant 0x4B400000 : f32
      %parallel_loop3A_159 = vector.broadcast %parallel_loop3A_158 : f32 to vector<16xf32>
      %parallel_loop3A_160 = arith.addf %parallel_loop3A_157, %parallel_loop3A_159 : vector<16xf32>
      %parallel_loop3A_161 = arith.constant 0x4B400000 : f32
      %parallel_loop3A_162 = vector.broadcast %parallel_loop3A_161 : f32 to vector<16xf32>
      %parallel_loop3A_163 = arith.subf %parallel_loop3A_160, %parallel_loop3A_162 : vector<16xf32>
      %parallel_loop3A_164 = arith.constant 6.28318548 : f32
      %parallel_loop3A_165 = vector.broadcast %parallel_loop3A_164 : f32 to vector<16xf32>
      %parallel_loop3A_166 = arith.mulf %parallel_loop3A_163, %parallel_loop3A_165 : vector<16xf32>
      %parallel_loop3A_167 = arith.subf %parallel_loop3A_129, %parallel_loop3A_166 : vector<16xf32>
      %parallel_loop3A_168 = arith.constant 1.74845553E-7 : f32
      %parallel_loop3A_169 = vector.broadcast %parallel_loop3A_168 : f32 to vector<16xf32>
      %parallel_loop3A_170 = arith.mulf %parallel_loop3A_163, %parallel_loop3A_169 : vector<16xf32>
      %parallel_loop3A_171 = arith.addf %parallel_loop3A_167, %parallel_loop3A_170 : vector<16xf32>
      %parallel_loop3A_172 = arith.mulf %parallel_loop3A_171, %parallel_loop3A_171 : vector<16xf32>
      %parallel_loop3A_173 = arith.constant -2.03662243E-8 : f32
      %parallel_loop3A_174 = vector.broadcast %parallel_loop3A_173 : f32 to vector<16xf32>
      %parallel_loop3A_175 = arith.mulf %parallel_loop3A_174, %parallel_loop3A_172 : vector<16xf32>
      %parallel_loop3A_176 = arith.constant 2.69982274E-6 : f32
      %parallel_loop3A_177 = vector.broadcast %parallel_loop3A_176 : f32 to vector<16xf32>
      %parallel_loop3A_178 = arith.addf %parallel_loop3A_175, %parallel_loop3A_177 : vector<16xf32>
      %parallel_loop3A_179 = arith.mulf %parallel_loop3A_178, %parallel_loop3A_172 : vector<16xf32>
      %parallel_loop3A_180 = arith.constant -1.98087393E-4 : f32
      %parallel_loop3A_181 = vector.broadcast %parallel_loop3A_180 : f32 to vector<16xf32>
      %parallel_loop3A_182 = arith.addf %parallel_loop3A_179, %parallel_loop3A_181 : vector<16xf32>
      %parallel_loop3A_183 = arith.mulf %parallel_loop3A_182, %parallel_loop3A_172 : vector<16xf32>
      %parallel_loop3A_184 = arith.constant 0.00833240803 : f32
      %parallel_loop3A_185 = vector.broadcast %parallel_loop3A_184 : f32 to vector<16xf32>
      %parallel_loop3A_186 = arith.addf %parallel_loop3A_183, %parallel_loop3A_185 : vector<16xf32>
      %parallel_loop3A_187 = arith.mulf %parallel_loop3A_186, %parallel_loop3A_172 : vector<16xf32>
      %parallel_loop3A_188 = arith.constant -0.166665539 : f32
      %parallel_loop3A_189 = vector.broadcast %parallel_loop3A_188 : f32 to vector<16xf32>
      %parallel_loop3A_190 = arith.addf %parallel_loop3A_187, %parallel_loop3A_189 : vector<16xf32>
      %parallel_loop3A_191 = arith.mulf %parallel_loop3A_190, %parallel_loop3A_172 : vector<16xf32>
      %parallel_loop3A_192 = arith.constant 0.999999582 : f32
      %parallel_loop3A_193 = vector.broadcast %parallel_loop3A_192 : f32 to vector<16xf32>
      %parallel_loop3A_194 = arith.addf %parallel_loop3A_191, %parallel_loop3A_193 : vector<16xf32>
      %parallel_loop3A_195 = arith.mulf %parallel_loop3A_194, %parallel_loop3A_171 : vector<16xf32>
      %parallel_loop3A_196 = arith.constant 0.159154937 : f32
      %parallel_loop3A_197 = vector.broadcast %parallel_loop3A_196 : f32 to vector<16xf32>
      %parallel_loop3A_198 = arith.mulf %parallel_loop3A_134, %parallel_loop3A_197 : vector<16xf32>
      %parallel_loop3A_199 = arith.constant 0x4B400000 : f32
      %parallel_loop3A_200 = vector.broadcast %parallel_loop3A_199 : f32 to vector<16xf32>
      %parallel_loop3A_201 = arith.addf %parallel_loop3A_198, %parallel_loop3A_200 : vector<16xf32>
      %parallel_loop3A_202 = arith.constant 0x4B400000 : f32
      %parallel_loop3A_203 = vector.broadcast %parallel_loop3A_202 : f32 to vector<16xf32>
      %parallel_loop3A_204 = arith.subf %parallel_loop3A_201, %parallel_loop3A_203 : vector<16xf32>
      %parallel_loop3A_205 = arith.constant 6.28318548 : f32
      %parallel_loop3A_206 = vector.broadcast %parallel_loop3A_205 : f32 to vector<16xf32>
      %parallel_loop3A_207 = arith.mulf %parallel_loop3A_204, %parallel_loop3A_206 : vector<16xf32>
      %parallel_loop3A_208 = arith.subf %parallel_loop3A_134, %parallel_loop3A_207 : vector<16xf32>
      %parallel_loop3A_209 = arith.constant 1.74845553E-7 : f32
      %parallel_loop3A_210 = vector.broadcast %parallel_loop3A_209 : f32 to vector<16xf32>
      %parallel_loop3A_211 = arith.mulf %parallel_loop3A_204, %parallel_loop3A_210 : vector<16xf32>
      %parallel_loop3A_212 = arith.addf %parallel_loop3A_208, %parallel_loop3A_211 : vector<16xf32>
      %parallel_loop3A_213 = arith.mulf %parallel_loop3A_212, %parallel_loop3A_212 : vector<16xf32>
      %parallel_loop3A_214 = arith.constant -2.19788717E-7 : f32
      %parallel_loop3A_215 = vector.broadcast %parallel_loop3A_214 : f32 to vector<16xf32>
      %parallel_loop3A_216 = arith.mulf %parallel_loop3A_215, %parallel_loop3A_213 : vector<16xf32>
      %parallel_loop3A_217 = arith.constant 2.42043989E-5 : f32
      %parallel_loop3A_218 = vector.broadcast %parallel_loop3A_217 : f32 to vector<16xf32>
      %parallel_loop3A_219 = arith.addf %parallel_loop3A_216, %parallel_loop3A_218 : vector<16xf32>
      %parallel_loop3A_220 = arith.mulf %parallel_loop3A_219, %parallel_loop3A_213 : vector<16xf32>
      %parallel_loop3A_221 = arith.constant -0.00138589158 : f32
      %parallel_loop3A_222 = vector.broadcast %parallel_loop3A_221 : f32 to vector<16xf32>
      %parallel_loop3A_223 = arith.addf %parallel_loop3A_220, %parallel_loop3A_222 : vector<16xf32>
      %parallel_loop3A_224 = arith.mulf %parallel_loop3A_223, %parallel_loop3A_213 : vector<16xf32>
      %parallel_loop3A_225 = arith.constant 0.0416598208 : f32
      %parallel_loop3A_226 = vector.broadcast %parallel_loop3A_225 : f32 to vector<16xf32>
      %parallel_loop3A_227 = arith.addf %parallel_loop3A_224, %parallel_loop3A_226 : vector<16xf32>
      %parallel_loop3A_228 = arith.mulf %parallel_loop3A_227, %parallel_loop3A_213 : vector<16xf32>
      %parallel_loop3A_229 = arith.constant -0.499994278 : f32
      %parallel_loop3A_230 = vector.broadcast %parallel_loop3A_229 : f32 to vector<16xf32>
      %parallel_loop3A_231 = arith.addf %parallel_loop3A_228, %parallel_loop3A_230 : vector<16xf32>
      %parallel_loop3A_232 = arith.mulf %parallel_loop3A_231, %parallel_loop3A_213 : vector<16xf32>
      %parallel_loop3A_233 = arith.constant 0.999999225 : f32
      %parallel_loop3A_234 = vector.broadcast %parallel_loop3A_233 : f32 to vector<16xf32>
      %parallel_loop3A_235 = arith.addf %parallel_loop3A_232, %parallel_loop3A_234 : vector<16xf32>
      %parallel_loop3A_236 = arith.mulf %parallel_loop3A_139, %parallel_loop3A_144 : vector<16xf32>
      %parallel_loop3A_237 = arith.addf %parallel_loop3A_149, %parallel_loop3A_154 : vector<16xf32>
      %parallel_loop3A_238 = arith.constant 0 : i32
      %parallel_loop3A_239 = arith.index_cast %parallel_loop3A_238 : i32 to index
      %parallel_loop3A_240 = arith.index_cast %parallel_loop3A_124 : i32 to index
      %parallel_loop3A_241 = tpu.vector_load %arg9[%parallel_loop3A_239, %parallel_loop3A_240] {strides = array<i32>} : memref<6x512xi32, #tpu.memory_space<vmem>>, vector<16xi32>,
      %parallel_loop3A_242 = arith.constant 0 : i32
      %parallel_loop3A_243 = vector.broadcast %parallel_loop3A_242 : i32 to vector<16xi32>
      %parallel_loop3A_244 = arith.cmpi eq, %parallel_loop3A_241, %parallel_loop3A_243 : vector<16xi32>
      %parallel_loop3A_245 = arith.constant 1 : i32
      %parallel_loop3A_246 = vector.broadcast %parallel_loop3A_245 : i32 to vector<16xi32>
      %parallel_loop3A_247 = arith.cmpi eq, %parallel_loop3A_241, %parallel_loop3A_246 : vector<16xi32>
      %parallel_loop3A_248 = arith.constant 2 : i32
      %parallel_loop3A_249 = vector.broadcast %parallel_loop3A_248 : i32 to vector<16xi32>
      %parallel_loop3A_250 = arith.cmpi eq, %parallel_loop3A_241, %parallel_loop3A_249 : vector<16xi32>
      %parallel_loop3A_251 = arith.select %parallel_loop3A_250, %parallel_loop3A_236, %parallel_loop3A_237 : vector<16xi1>, vector<16xf32>
      %parallel_loop3A_252 = arith.select %parallel_loop3A_247, %parallel_loop3A_235, %parallel_loop3A_251 : vector<16xi1>, vector<16xf32>
      %parallel_loop3A_253 = arith.select %parallel_loop3A_244, %parallel_loop3A_195, %parallel_loop3A_252 : vector<16xi1>, vector<16xf32>
      %parallel_loop3A_254 = arith.constant 1 : i32
      %parallel_loop3A_255 = arith.index_cast %parallel_loop3A_254 : i32 to index
      %parallel_loop3A_256 = arith.index_cast %parallel_loop3A_124 : i32 to index
      %parallel_loop3A_257 = tpu.vector_load %arg9[%parallel_loop3A_255, %parallel_loop3A_256] {strides = array<i32>} : memref<6x512xi32, #tpu.memory_space<vmem>>, vector<16xi32>,
      %parallel_loop3A_258 = arith.constant 0 : i32
      %parallel_loop3A_259 = vector.broadcast %parallel_loop3A_258 : i32 to vector<16xi32>
      %parallel_loop3A_260 = arith.cmpi eq, %parallel_loop3A_257, %parallel_loop3A_259 : vector<16xi32>
      %parallel_loop3A_261 = arith.constant 1 : i32
      %parallel_loop3A_262 = vector.broadcast %parallel_loop3A_261 : i32 to vector<16xi32>
      %parallel_loop3A_263 = arith.cmpi eq, %parallel_loop3A_257, %parallel_loop3A_262 : vector<16xi32>
      %parallel_loop3A_264 = arith.constant 2 : i32
      %parallel_loop3A_265 = vector.broadcast %parallel_loop3A_264 : i32 to vector<16xi32>
      %parallel_loop3A_266 = arith.cmpi eq, %parallel_loop3A_257, %parallel_loop3A_265 : vector<16xi32>
      %parallel_loop3A_267 = arith.select %parallel_loop3A_266, %parallel_loop3A_236, %parallel_loop3A_237 : vector<16xi1>, vector<16xf32>
      %parallel_loop3A_268 = arith.select %parallel_loop3A_263, %parallel_loop3A_235, %parallel_loop3A_267 : vector<16xi1>, vector<16xf32>
      %parallel_loop3A_269 = arith.select %parallel_loop3A_260, %parallel_loop3A_195, %parallel_loop3A_268 : vector<16xi1>, vector<16xf32>
      %parallel_loop3A_270 = arith.constant 2 : i32
      %parallel_loop3A_271 = arith.index_cast %parallel_loop3A_270 : i32 to index
      %parallel_loop3A_272 = arith.index_cast %parallel_loop3A_124 : i32 to index
      %parallel_loop3A_273 = tpu.vector_load %arg9[%parallel_loop3A_271, %parallel_loop3A_272] {strides = array<i32>} : memref<6x512xi32, #tpu.memory_space<vmem>>, vector<16xi32>,
      %parallel_loop3A_274 = arith.constant 0 : i32
      %parallel_loop3A_275 = vector.broadcast %parallel_loop3A_274 : i32 to vector<16xi32>
      %parallel_loop3A_276 = arith.cmpi eq, %parallel_loop3A_273, %parallel_loop3A_275 : vector<16xi32>
      %parallel_loop3A_277 = arith.constant 1 : i32
      %parallel_loop3A_278 = vector.broadcast %parallel_loop3A_277 : i32 to vector<16xi32>
      %parallel_loop3A_279 = arith.cmpi eq, %parallel_loop3A_273, %parallel_loop3A_278 : vector<16xi32>
      %parallel_loop3A_280 = arith.constant 2 : i32
      %parallel_loop3A_281 = vector.broadcast %parallel_loop3A_280 : i32 to vector<16xi32>
      %parallel_loop3A_282 = arith.cmpi eq, %parallel_loop3A_273, %parallel_loop3A_281 : vector<16xi32>
      %parallel_loop3A_283 = arith.select %parallel_loop3A_282, %parallel_loop3A_236, %parallel_loop3A_237 : vector<16xi1>, vector<16xf32>
      %parallel_loop3A_284 = arith.select %parallel_loop3A_279, %parallel_loop3A_235, %parallel_loop3A_283 : vector<16xi1>, vector<16xf32>
      %parallel_loop3A_285 = arith.select %parallel_loop3A_276, %parallel_loop3A_195, %parallel_loop3A_284 : vector<16xi1>, vector<16xf32>
      %parallel_loop3A_286 = arith.constant 3 : i32
      %parallel_loop3A_287 = arith.index_cast %parallel_loop3A_286 : i32 to index
      %parallel_loop3A_288 = arith.index_cast %parallel_loop3A_124 : i32 to index
      %parallel_loop3A_289 = tpu.vector_load %arg9[%parallel_loop3A_287, %parallel_loop3A_288] {strides = array<i32>} : memref<6x512xi32, #tpu.memory_space<vmem>>, vector<16xi32>,
      %parallel_loop3A_290 = arith.constant 0 : i32
      %parallel_loop3A_291 = vector.broadcast %parallel_loop3A_290 : i32 to vector<16xi32>
      %parallel_loop3A_292 = arith.cmpi eq, %parallel_loop3A_289, %parallel_loop3A_291 : vector<16xi32>
      %parallel_loop3A_293 = arith.constant 1 : i32
      %parallel_loop3A_294 = vector.broadcast %parallel_loop3A_293 : i32 to vector<16xi32>
      %parallel_loop3A_295 = arith.cmpi eq, %parallel_loop3A_289, %parallel_loop3A_294 : vector<16xi32>
      %parallel_loop3A_296 = arith.constant 2 : i32
      %parallel_loop3A_297 = vector.broadcast %parallel_loop3A_296 : i32 to vector<16xi32>
      %parallel_loop3A_298 = arith.cmpi eq, %parallel_loop3A_289, %parallel_loop3A_297 : vector<16xi32>
      %parallel_loop3A_299 = arith.select %parallel_loop3A_298, %parallel_loop3A_236, %parallel_loop3A_237 : vector<16xi1>, vector<16xf32>
      %parallel_loop3A_300 = arith.select %parallel_loop3A_295, %parallel_loop3A_235, %parallel_loop3A_299 : vector<16xi1>, vector<16xf32>
      %parallel_loop3A_301 = arith.select %parallel_loop3A_292, %parallel_loop3A_195, %parallel_loop3A_300 : vector<16xi1>, vector<16xf32>
      %parallel_loop3A_302 = arith.constant 4 : i32
      %parallel_loop3A_303 = arith.index_cast %parallel_loop3A_302 : i32 to index
      %parallel_loop3A_304 = arith.index_cast %parallel_loop3A_124 : i32 to index
      %parallel_loop3A_305 = tpu.vector_load %arg9[%parallel_loop3A_303, %parallel_loop3A_304] {strides = array<i32>} : memref<6x512xi32, #tpu.memory_space<vmem>>, vector<16xi32>,
      %parallel_loop3A_306 = arith.constant 0 : i32
      %parallel_loop3A_307 = vector.broadcast %parallel_loop3A_306 : i32 to vector<16xi32>
      %parallel_loop3A_308 = arith.cmpi eq, %parallel_loop3A_305, %parallel_loop3A_307 : vector<16xi32>
      %parallel_loop3A_309 = arith.constant 1 : i32
      %parallel_loop3A_310 = vector.broadcast %parallel_loop3A_309 : i32 to vector<16xi32>
      %parallel_loop3A_311 = arith.cmpi eq, %parallel_loop3A_305, %parallel_loop3A_310 : vector<16xi32>
      %parallel_loop3A_312 = arith.constant 2 : i32
      %parallel_loop3A_313 = vector.broadcast %parallel_loop3A_312 : i32 to vector<16xi32>
      %parallel_loop3A_314 = arith.cmpi eq, %parallel_loop3A_305, %parallel_loop3A_313 : vector<16xi32>
      %parallel_loop3A_315 = arith.select %parallel_loop3A_314, %parallel_loop3A_236, %parallel_loop3A_237 : vector<16xi1>, vector<16xf32>
      %parallel_loop3A_316 = arith.select %parallel_loop3A_311, %parallel_loop3A_235, %parallel_loop3A_315 : vector<16xi1>, vector<16xf32>
      %parallel_loop3A_317 = arith.select %parallel_loop3A_308, %parallel_loop3A_195, %parallel_loop3A_316 : vector<16xi1>, vector<16xf32>
      %parallel_loop3A_318 = arith.constant 5 : i32
      %parallel_loop3A_319 = arith.index_cast %parallel_loop3A_318 : i32 to index
      %parallel_loop3A_320 = arith.index_cast %parallel_loop3A_124 : i32 to index
      %parallel_loop3A_321 = tpu.vector_load %arg9[%parallel_loop3A_319, %parallel_loop3A_320] {strides = array<i32>} : memref<6x512xi32, #tpu.memory_space<vmem>>, vector<16xi32>,
      %parallel_loop3A_322 = arith.constant 0 : i32
      %parallel_loop3A_323 = vector.broadcast %parallel_loop3A_322 : i32 to vector<16xi32>
      %parallel_loop3A_324 = arith.cmpi eq, %parallel_loop3A_321, %parallel_loop3A_323 : vector<16xi32>
      %parallel_loop3A_325 = arith.constant 1 : i32
      %parallel_loop3A_326 = vector.broadcast %parallel_loop3A_325 : i32 to vector<16xi32>
      %parallel_loop3A_327 = arith.cmpi eq, %parallel_loop3A_321, %parallel_loop3A_326 : vector<16xi32>
      %parallel_loop3A_328 = arith.constant 2 : i32
      %parallel_loop3A_329 = vector.broadcast %parallel_loop3A_328 : i32 to vector<16xi32>
      %parallel_loop3A_330 = arith.cmpi eq, %parallel_loop3A_321, %parallel_loop3A_329 : vector<16xi32>
      %parallel_loop3A_331 = arith.select %parallel_loop3A_330, %parallel_loop3A_236, %parallel_loop3A_237 : vector<16xi1>, vector<16xf32>
      %parallel_loop3A_332 = arith.select %parallel_loop3A_327, %parallel_loop3A_235, %parallel_loop3A_331 : vector<16xi1>, vector<16xf32>
      %parallel_loop3A_333 = arith.select %parallel_loop3A_324, %parallel_loop3A_195, %parallel_loop3A_332 : vector<16xi1>, vector<16xf32>
      %parallel_loop3A_334 = arith.constant 0.159154937 : f32
      %parallel_loop3A_335 = vector.broadcast %parallel_loop3A_334 : f32 to vector<16xf32>
      %parallel_loop3A_336 = arith.mulf %parallel_loop3A_253, %parallel_loop3A_335 : vector<16xf32>
      %parallel_loop3A_337 = arith.constant 0x4B400000 : f32
      %parallel_loop3A_338 = vector.broadcast %parallel_loop3A_337 : f32 to vector<16xf32>
      %parallel_loop3A_339 = arith.addf %parallel_loop3A_336, %parallel_loop3A_338 : vector<16xf32>
      %parallel_loop3A_340 = arith.constant 0x4B400000 : f32
      %parallel_loop3A_341 = vector.broadcast %parallel_loop3A_340 : f32 to vector<16xf32>
      %parallel_loop3A_342 = arith.subf %parallel_loop3A_339, %parallel_loop3A_341 : vector<16xf32>
      %parallel_loop3A_343 = arith.constant 6.28318548 : f32
      %parallel_loop3A_344 = vector.broadcast %parallel_loop3A_343 : f32 to vector<16xf32>
      %parallel_loop3A_345 = arith.mulf %parallel_loop3A_342, %parallel_loop3A_344 : vector<16xf32>
      %parallel_loop3A_346 = arith.subf %parallel_loop3A_253, %parallel_loop3A_345 : vector<16xf32>
      %parallel_loop3A_347 = arith.constant 1.74845553E-7 : f32
      %parallel_loop3A_348 = vector.broadcast %parallel_loop3A_347 : f32 to vector<16xf32>
      %parallel_loop3A_349 = arith.mulf %parallel_loop3A_342, %parallel_loop3A_348 : vector<16xf32>
      %parallel_loop3A_350 = arith.addf %parallel_loop3A_346, %parallel_loop3A_349 : vector<16xf32>
      %parallel_loop3A_351 = arith.mulf %parallel_loop3A_350, %parallel_loop3A_350 : vector<16xf32>
      %parallel_loop3A_352 = arith.constant -2.03662243E-8 : f32
      %parallel_loop3A_353 = vector.broadcast %parallel_loop3A_352 : f32 to vector<16xf32>
      %parallel_loop3A_354 = arith.mulf %parallel_loop3A_353, %parallel_loop3A_351 : vector<16xf32>
      %parallel_loop3A_355 = arith.constant 2.69982274E-6 : f32
      %parallel_loop3A_356 = vector.broadcast %parallel_loop3A_355 : f32 to vector<16xf32>
      %parallel_loop3A_357 = arith.addf %parallel_loop3A_354, %parallel_loop3A_356 : vector<16xf32>
      %parallel_loop3A_358 = arith.mulf %parallel_loop3A_357, %parallel_loop3A_351 : vector<16xf32>
      %parallel_loop3A_359 = arith.constant -1.98087393E-4 : f32
      %parallel_loop3A_360 = vector.broadcast %parallel_loop3A_359 : f32 to vector<16xf32>
      %parallel_loop3A_361 = arith.addf %parallel_loop3A_358, %parallel_loop3A_360 : vector<16xf32>
      %parallel_loop3A_362 = arith.mulf %parallel_loop3A_361, %parallel_loop3A_351 : vector<16xf32>
      %parallel_loop3A_363 = arith.constant 0.00833240803 : f32
      %parallel_loop3A_364 = vector.broadcast %parallel_loop3A_363 : f32 to vector<16xf32>
      %parallel_loop3A_365 = arith.addf %parallel_loop3A_362, %parallel_loop3A_364 : vector<16xf32>
      %parallel_loop3A_366 = arith.mulf %parallel_loop3A_365, %parallel_loop3A_351 : vector<16xf32>
      %parallel_loop3A_367 = arith.constant -0.166665539 : f32
      %parallel_loop3A_368 = vector.broadcast %parallel_loop3A_367 : f32 to vector<16xf32>
      %parallel_loop3A_369 = arith.addf %parallel_loop3A_366, %parallel_loop3A_368 : vector<16xf32>
      %parallel_loop3A_370 = arith.mulf %parallel_loop3A_369, %parallel_loop3A_351 : vector<16xf32>
      %parallel_loop3A_371 = arith.constant 0.999999582 : f32
      %parallel_loop3A_372 = vector.broadcast %parallel_loop3A_371 : f32 to vector<16xf32>
      %parallel_loop3A_373 = arith.addf %parallel_loop3A_370, %parallel_loop3A_372 : vector<16xf32>
      %parallel_loop3A_374 = arith.mulf %parallel_loop3A_373, %parallel_loop3A_350 : vector<16xf32>
      %parallel_loop3A_375 = arith.constant 0.159154937 : f32
      %parallel_loop3A_376 = vector.broadcast %parallel_loop3A_375 : f32 to vector<16xf32>
      %parallel_loop3A_377 = arith.mulf %parallel_loop3A_269, %parallel_loop3A_376 : vector<16xf32>
      %parallel_loop3A_378 = arith.constant 0x4B400000 : f32
      %parallel_loop3A_379 = vector.broadcast %parallel_loop3A_378 : f32 to vector<16xf32>
      %parallel_loop3A_380 = arith.addf %parallel_loop3A_377, %parallel_loop3A_379 : vector<16xf32>
      %parallel_loop3A_381 = arith.constant 0x4B400000 : f32
      %parallel_loop3A_382 = vector.broadcast %parallel_loop3A_381 : f32 to vector<16xf32>
      %parallel_loop3A_383 = arith.subf %parallel_loop3A_380, %parallel_loop3A_382 : vector<16xf32>
      %parallel_loop3A_384 = arith.constant 6.28318548 : f32
      %parallel_loop3A_385 = vector.broadcast %parallel_loop3A_384 : f32 to vector<16xf32>
      %parallel_loop3A_386 = arith.mulf %parallel_loop3A_383, %parallel_loop3A_385 : vector<16xf32>
      %parallel_loop3A_387 = arith.subf %parallel_loop3A_269, %parallel_loop3A_386 : vector<16xf32>
      %parallel_loop3A_388 = arith.constant 1.74845553E-7 : f32
      %parallel_loop3A_389 = vector.broadcast %parallel_loop3A_388 : f32 to vector<16xf32>
      %parallel_loop3A_390 = arith.mulf %parallel_loop3A_383, %parallel_loop3A_389 : vector<16xf32>
      %parallel_loop3A_391 = arith.addf %parallel_loop3A_387, %parallel_loop3A_390 : vector<16xf32>
      %parallel_loop3A_392 = arith.mulf %parallel_loop3A_391, %parallel_loop3A_391 : vector<16xf32>
      %parallel_loop3A_393 = arith.constant -2.19788717E-7 : f32
      %parallel_loop3A_394 = vector.broadcast %parallel_loop3A_393 : f32 to vector<16xf32>
      %parallel_loop3A_395 = arith.mulf %parallel_loop3A_394, %parallel_loop3A_392 : vector<16xf32>
      %parallel_loop3A_396 = arith.constant 2.42043989E-5 : f32
      %parallel_loop3A_397 = vector.broadcast %parallel_loop3A_396 : f32 to vector<16xf32>
      %parallel_loop3A_398 = arith.addf %parallel_loop3A_395, %parallel_loop3A_397 : vector<16xf32>
      %parallel_loop3A_399 = arith.mulf %parallel_loop3A_398, %parallel_loop3A_392 : vector<16xf32>
      %parallel_loop3A_400 = arith.constant -0.00138589158 : f32
      %parallel_loop3A_401 = vector.broadcast %parallel_loop3A_400 : f32 to vector<16xf32>
      %parallel_loop3A_402 = arith.addf %parallel_loop3A_399, %parallel_loop3A_401 : vector<16xf32>
      %parallel_loop3A_403 = arith.mulf %parallel_loop3A_402, %parallel_loop3A_392 : vector<16xf32>
      %parallel_loop3A_404 = arith.constant 0.0416598208 : f32
      %parallel_loop3A_405 = vector.broadcast %parallel_loop3A_404 : f32 to vector<16xf32>
      %parallel_loop3A_406 = arith.addf %parallel_loop3A_403, %parallel_loop3A_405 : vector<16xf32>
      %parallel_loop3A_407 = arith.mulf %parallel_loop3A_406, %parallel_loop3A_392 : vector<16xf32>
      %parallel_loop3A_408 = arith.constant -0.499994278 : f32
      %parallel_loop3A_409 = vector.broadcast %parallel_loop3A_408 : f32 to vector<16xf32>
      %parallel_loop3A_410 = arith.addf %parallel_loop3A_407, %parallel_loop3A_409 : vector<16xf32>
      %parallel_loop3A_411 = arith.mulf %parallel_loop3A_410, %parallel_loop3A_392 : vector<16xf32>
      %parallel_loop3A_412 = arith.constant 0.999999225 : f32
      %parallel_loop3A_413 = vector.broadcast %parallel_loop3A_412 : f32 to vector<16xf32>
      %parallel_loop3A_414 = arith.addf %parallel_loop3A_411, %parallel_loop3A_413 : vector<16xf32>
      %parallel_loop3A_415 = arith.mulf %parallel_loop3A_285, %parallel_loop3A_301 : vector<16xf32>
      %parallel_loop3A_416 = arith.addf %parallel_loop3A_317, %parallel_loop3A_333 : vector<16xf32>
      %parallel_loop3A_417 = arith.constant 0 : i32
      %parallel_loop3A_418 = arith.index_cast %parallel_loop3A_417 : i32 to index
      %parallel_loop3A_419 = arith.index_cast %parallel_loop3A_124 : i32 to index
      %parallel_loop3A_420 = tpu.vector_load %arg10[%parallel_loop3A_418, %parallel_loop3A_419] {strides = array<i32>} : memref<16x512xi32, #tpu.memory_space<vmem>>, vector<16xi32>,
      %parallel_loop3A_421 = arith.constant 0 : i32
      %parallel_loop3A_422 = vector.broadcast %parallel_loop3A_421 : i32 to vector<16xi32>
      %parallel_loop3A_423 = arith.cmpi eq, %parallel_loop3A_420, %parallel_loop3A_422 : vector<16xi32>
      %parallel_loop3A_424 = arith.constant 1 : i32
      %parallel_loop3A_425 = vector.broadcast %parallel_loop3A_424 : i32 to vector<16xi32>
      %parallel_loop3A_426 = arith.cmpi eq, %parallel_loop3A_420, %parallel_loop3A_425 : vector<16xi32>
      %parallel_loop3A_427 = arith.constant 2 : i32
      %parallel_loop3A_428 = vector.broadcast %parallel_loop3A_427 : i32 to vector<16xi32>
      %parallel_loop3A_429 = arith.cmpi eq, %parallel_loop3A_420, %parallel_loop3A_428 : vector<16xi32>
      %parallel_loop3A_430 = arith.select %parallel_loop3A_429, %parallel_loop3A_415, %parallel_loop3A_416 : vector<16xi1>, vector<16xf32>
      %parallel_loop3A_431 = arith.select %parallel_loop3A_426, %parallel_loop3A_414, %parallel_loop3A_430 : vector<16xi1>, vector<16xf32>
      %parallel_loop3A_432 = arith.select %parallel_loop3A_423, %parallel_loop3A_374, %parallel_loop3A_431 : vector<16xi1>, vector<16xf32>
      %parallel_loop3A_433 = arith.constant 0 : i32
      %parallel_loop3A_434 = arith.index_cast %parallel_loop3A_433 : i32 to index
      %parallel_loop3A_435 = arith.index_cast %parallel_loop3A_124 : i32 to index
      %parallel_loop3A_436 = tpu.vector_load %arg11[%parallel_loop3A_434, %parallel_loop3A_435] {strides = array<i32>} : memref<16x512xf32, #tpu.memory_space<vmem>>, vector<16xf32>,
      tpu.vector_store %arg11[%parallel_loop3A_434, %parallel_loop3A_435], %parallel_loop3A_432 {strides = array<i32>} : memref<16x512xf32, #tpu.memory_space<vmem>>, vector<16xf32>,
      %parallel_loop3A_437 = arith.constant 1 : i32
      %parallel_loop3A_438 = arith.index_cast %parallel_loop3A_437 : i32 to index
      %parallel_loop3A_439 = arith.index_cast %parallel_loop3A_124 : i32 to index
      %parallel_loop3A_440 = tpu.vector_load %arg10[%parallel_loop3A_438, %parallel_loop3A_439] {strides = array<i32>} : memref<16x512xi32, #tpu.memory_space<vmem>>, vector<16xi32>,
      %parallel_loop3A_441 = arith.constant 0 : i32
      %parallel_loop3A_442 = vector.broadcast %parallel_loop3A_441 : i32 to vector<16xi32>
      %parallel_loop3A_443 = arith.cmpi eq, %parallel_loop3A_440, %parallel_loop3A_442 : vector<16xi32>
      %parallel_loop3A_444 = arith.constant 1 : i32
      %parallel_loop3A_445 = vector.broadcast %parallel_loop3A_444 : i32 to vector<16xi32>
      %parallel_loop3A_446 = arith.cmpi eq, %parallel_loop3A_440, %parallel_loop3A_445 : vector<16xi32>
      %parallel_loop3A_447 = arith.constant 2 : i32
      %parallel_loop3A_448 = vector.broadcast %parallel_loop3A_447 : i32 to vector<16xi32>
      %parallel_loop3A_449 = arith.cmpi eq, %parallel_loop3A_440, %parallel_loop3A_448 : vector<16xi32>
      %parallel_loop3A_450 = arith.select %parallel_loop3A_449, %parallel_loop3A_415, %parallel_loop3A_416 : vector<16xi1>, vector<16xf32>
      %parallel_loop3A_451 = arith.select %parallel_loop3A_446, %parallel_loop3A_414, %parallel_loop3A_450 : vector<16xi1>, vector<16xf32>
      %parallel_loop3A_452 = arith.select %parallel_loop3A_443, %parallel_loop3A_374, %parallel_loop3A_451 : vector<16xi1>, vector<16xf32>
      %parallel_loop3A_453 = arith.constant 1 : i32
      %parallel_loop3A_454 = arith.index_cast %parallel_loop3A_453 : i32 to index
      %parallel_loop3A_455 = arith.index_cast %parallel_loop3A_124 : i32 to index
      %parallel_loop3A_456 = tpu.vector_load %arg11[%parallel_loop3A_454, %parallel_loop3A_455] {strides = array<i32>} : memref<16x512xf32, #tpu.memory_space<vmem>>, vector<16xf32>,
      tpu.vector_store %arg11[%parallel_loop3A_454, %parallel_loop3A_455], %parallel_loop3A_452 {strides = array<i32>} : memref<16x512xf32, #tpu.memory_space<vmem>>, vector<16xf32>,
      %parallel_loop3A_457 = arith.constant 2 : i32
      %parallel_loop3A_458 = arith.index_cast %parallel_loop3A_457 : i32 to index
      %parallel_loop3A_459 = arith.index_cast %parallel_loop3A_124 : i32 to index
      %parallel_loop3A_460 = tpu.vector_load %arg10[%parallel_loop3A_458, %parallel_loop3A_459] {strides = array<i32>} : memref<16x512xi32, #tpu.memory_space<vmem>>, vector<16xi32>,
      %parallel_loop3A_461 = arith.constant 0 : i32
      %parallel_loop3A_462 = vector.broadcast %parallel_loop3A_461 : i32 to vector<16xi32>
      %parallel_loop3A_463 = arith.cmpi eq, %parallel_loop3A_460, %parallel_loop3A_462 : vector<16xi32>
      %parallel_loop3A_464 = arith.constant 1 : i32
      %parallel_loop3A_465 = vector.broadcast %parallel_loop3A_464 : i32 to vector<16xi32>
      %parallel_loop3A_466 = arith.cmpi eq, %parallel_loop3A_460, %parallel_loop3A_465 : vector<16xi32>
      %parallel_loop3A_467 = arith.constant 2 : i32
      %parallel_loop3A_468 = vector.broadcast %parallel_loop3A_467 : i32 to vector<16xi32>
      %parallel_loop3A_469 = arith.cmpi eq, %parallel_loop3A_460, %parallel_loop3A_468 : vector<16xi32>
      %parallel_loop3A_470 = arith.select %parallel_loop3A_469, %parallel_loop3A_415, %parallel_loop3A_416 : vector<16xi1>, vector<16xf32>
      %parallel_loop3A_471 = arith.select %parallel_loop3A_466, %parallel_loop3A_414, %parallel_loop3A_470 : vector<16xi1>, vector<16xf32>
      %parallel_loop3A_472 = arith.select %parallel_loop3A_463, %parallel_loop3A_374, %parallel_loop3A_471 : vector<16xi1>, vector<16xf32>
      %parallel_loop3A_473 = arith.constant 2 : i32
      %parallel_loop3A_474 = arith.index_cast %parallel_loop3A_473 : i32 to index
      %parallel_loop3A_475 = arith.index_cast %parallel_loop3A_124 : i32 to index
      %parallel_loop3A_476 = tpu.vector_load %arg11[%parallel_loop3A_474, %parallel_loop3A_475] {strides = array<i32>} : memref<16x512xf32, #tpu.memory_space<vmem>>, vector<16xf32>,
      tpu.vector_store %arg11[%parallel_loop3A_474, %parallel_loop3A_475], %parallel_loop3A_472 {strides = array<i32>} : memref<16x512xf32, #tpu.memory_space<vmem>>, vector<16xf32>,
      %parallel_loop3A_477 = arith.constant 3 : i32
      %parallel_loop3A_478 = arith.index_cast %parallel_loop3A_477 : i32 to index
      %parallel_loop3A_479 = arith.index_cast %parallel_loop3A_124 : i32 to index
      %parallel_loop3A_480 = tpu.vector_load %arg10[%parallel_loop3A_478, %parallel_loop3A_479] {strides = array<i32>} : memref<16x512xi32, #tpu.memory_space<vmem>>, vector<16xi32>,
      %parallel_loop3A_481 = arith.constant 0 : i32
      %parallel_loop3A_482 = vector.broadcast %parallel_loop3A_481 : i32 to vector<16xi32>
      %parallel_loop3A_483 = arith.cmpi eq, %parallel_loop3A_480, %parallel_loop3A_482 : vector<16xi32>
      %parallel_loop3A_484 = arith.constant 1 : i32
      %parallel_loop3A_485 = vector.broadcast %parallel_loop3A_484 : i32 to vector<16xi32>
      %parallel_loop3A_486 = arith.cmpi eq, %parallel_loop3A_480, %parallel_loop3A_485 : vector<16xi32>
      %parallel_loop3A_487 = arith.constant 2 : i32
      %parallel_loop3A_488 = vector.broadcast %parallel_loop3A_487 : i32 to vector<16xi32>
      %parallel_loop3A_489 = arith.cmpi eq, %parallel_loop3A_480, %parallel_loop3A_488 : vector<16xi32>
      %parallel_loop3A_490 = arith.select %parallel_loop3A_489, %parallel_loop3A_415, %parallel_loop3A_416 : vector<16xi1>, vector<16xf32>
      %parallel_loop3A_491 = arith.select %parallel_loop3A_486, %parallel_loop3A_414, %parallel_loop3A_490 : vector<16xi1>, vector<16xf32>
      %parallel_loop3A_492 = arith.select %parallel_loop3A_483, %parallel_loop3A_374, %parallel_loop3A_491 : vector<16xi1>, vector<16xf32>
      %parallel_loop3A_493 = arith.constant 3 : i32
      %parallel_loop3A_494 = arith.index_cast %parallel_loop3A_493 : i32 to index
      %parallel_loop3A_495 = arith.index_cast %parallel_loop3A_124 : i32 to index
      %parallel_loop3A_496 = tpu.vector_load %arg11[%parallel_loop3A_494, %parallel_loop3A_495] {strides = array<i32>} : memref<16x512xf32, #tpu.memory_space<vmem>>, vector<16xf32>,
      tpu.vector_store %arg11[%parallel_loop3A_494, %parallel_loop3A_495], %parallel_loop3A_492 {strides = array<i32>} : memref<16x512xf32, #tpu.memory_space<vmem>>, vector<16xf32>,
      %parallel_loop3A_497 = arith.constant 4 : i32
      %parallel_loop3A_498 = arith.index_cast %parallel_loop3A_497 : i32 to index
      %parallel_loop3A_499 = arith.index_cast %parallel_loop3A_124 : i32 to index
      %parallel_loop3A_500 = tpu.vector_load %arg10[%parallel_loop3A_498, %parallel_loop3A_499] {strides = array<i32>} : memref<16x512xi32, #tpu.memory_space<vmem>>, vector<16xi32>,
      %parallel_loop3A_501 = arith.constant 0 : i32
      %parallel_loop3A_502 = vector.broadcast %parallel_loop3A_501 : i32 to vector<16xi32>
      %parallel_loop3A_503 = arith.cmpi eq, %parallel_loop3A_500, %parallel_loop3A_502 : vector<16xi32>
      %parallel_loop3A_504 = arith.constant 1 : i32
      %parallel_loop3A_505 = vector.broadcast %parallel_loop3A_504 : i32 to vector<16xi32>
      %parallel_loop3A_506 = arith.cmpi eq, %parallel_loop3A_500, %parallel_loop3A_505 : vector<16xi32>
      %parallel_loop3A_507 = arith.constant 2 : i32
      %parallel_loop3A_508 = vector.broadcast %parallel_loop3A_507 : i32 to vector<16xi32>
      %parallel_loop3A_509 = arith.cmpi eq, %parallel_loop3A_500, %parallel_loop3A_508 : vector<16xi32>
      %parallel_loop3A_510 = arith.select %parallel_loop3A_509, %parallel_loop3A_415, %parallel_loop3A_416 : vector<16xi1>, vector<16xf32>
      %parallel_loop3A_511 = arith.select %parallel_loop3A_506, %parallel_loop3A_414, %parallel_loop3A_510 : vector<16xi1>, vector<16xf32>
      %parallel_loop3A_512 = arith.select %parallel_loop3A_503, %parallel_loop3A_374, %parallel_loop3A_511 : vector<16xi1>, vector<16xf32>
      %parallel_loop3A_513 = arith.constant 4 : i32
      %parallel_loop3A_514 = arith.index_cast %parallel_loop3A_513 : i32 to index
      %parallel_loop3A_515 = arith.index_cast %parallel_loop3A_124 : i32 to index
      %parallel_loop3A_516 = tpu.vector_load %arg11[%parallel_loop3A_514, %parallel_loop3A_515] {strides = array<i32>} : memref<16x512xf32, #tpu.memory_space<vmem>>, vector<16xf32>,
      tpu.vector_store %arg11[%parallel_loop3A_514, %parallel_loop3A_515], %parallel_loop3A_512 {strides = array<i32>} : memref<16x512xf32, #tpu.memory_space<vmem>>, vector<16xf32>,
      %parallel_loop3A_517 = arith.constant 5 : i32
      %parallel_loop3A_518 = arith.index_cast %parallel_loop3A_517 : i32 to index
      %parallel_loop3A_519 = arith.index_cast %parallel_loop3A_124 : i32 to index
      %parallel_loop3A_520 = tpu.vector_load %arg10[%parallel_loop3A_518, %parallel_loop3A_519] {strides = array<i32>} : memref<16x512xi32, #tpu.memory_space<vmem>>, vector<16xi32>,
      %parallel_loop3A_521 = arith.constant 0 : i32
      %parallel_loop3A_522 = vector.broadcast %parallel_loop3A_521 : i32 to vector<16xi32>
      %parallel_loop3A_523 = arith.cmpi eq, %parallel_loop3A_520, %parallel_loop3A_522 : vector<16xi32>
      %parallel_loop3A_524 = arith.constant 1 : i32
      %parallel_loop3A_525 = vector.broadcast %parallel_loop3A_524 : i32 to vector<16xi32>
      %parallel_loop3A_526 = arith.cmpi eq, %parallel_loop3A_520, %parallel_loop3A_525 : vector<16xi32>
      %parallel_loop3A_527 = arith.constant 2 : i32
      %parallel_loop3A_528 = vector.broadcast %parallel_loop3A_527 : i32 to vector<16xi32>
      %parallel_loop3A_529 = arith.cmpi eq, %parallel_loop3A_520, %parallel_loop3A_528 : vector<16xi32>
      %parallel_loop3A_530 = arith.select %parallel_loop3A_529, %parallel_loop3A_415, %parallel_loop3A_416 : vector<16xi1>, vector<16xf32>
      %parallel_loop3A_531 = arith.select %parallel_loop3A_526, %parallel_loop3A_414, %parallel_loop3A_530 : vector<16xi1>, vector<16xf32>
      %parallel_loop3A_532 = arith.select %parallel_loop3A_523, %parallel_loop3A_374, %parallel_loop3A_531 : vector<16xi1>, vector<16xf32>
      %parallel_loop3A_533 = arith.constant 5 : i32
      %parallel_loop3A_534 = arith.index_cast %parallel_loop3A_533 : i32 to index
      %parallel_loop3A_535 = arith.index_cast %parallel_loop3A_124 : i32 to index
      %parallel_loop3A_536 = tpu.vector_load %arg11[%parallel_loop3A_534, %parallel_loop3A_535] {strides = array<i32>} : memref<16x512xf32, #tpu.memory_space<vmem>>, vector<16xf32>,
      tpu.vector_store %arg11[%parallel_loop3A_534, %parallel_loop3A_535], %parallel_loop3A_532 {strides = array<i32>} : memref<16x512xf32, #tpu.memory_space<vmem>>, vector<16xf32>,
      %parallel_loop3A_537 = arith.constant 6 : i32
      %parallel_loop3A_538 = arith.index_cast %parallel_loop3A_537 : i32 to index
      %parallel_loop3A_539 = arith.index_cast %parallel_loop3A_124 : i32 to index
      %parallel_loop3A_540 = tpu.vector_load %arg10[%parallel_loop3A_538, %parallel_loop3A_539] {strides = array<i32>} : memref<16x512xi32, #tpu.memory_space<vmem>>, vector<16xi32>,
      %parallel_loop3A_541 = arith.constant 0 : i32
      %parallel_loop3A_542 = vector.broadcast %parallel_loop3A_541 : i32 to vector<16xi32>
      %parallel_loop3A_543 = arith.cmpi eq, %parallel_loop3A_540, %parallel_loop3A_542 : vector<16xi32>
      %parallel_loop3A_544 = arith.constant 1 : i32
      %parallel_loop3A_545 = vector.broadcast %parallel_loop3A_544 : i32 to vector<16xi32>
      %parallel_loop3A_546 = arith.cmpi eq, %parallel_loop3A_540, %parallel_loop3A_545 : vector<16xi32>
      %parallel_loop3A_547 = arith.constant 2 : i32
      %parallel_loop3A_548 = vector.broadcast %parallel_loop3A_547 : i32 to vector<16xi32>
      %parallel_loop3A_549 = arith.cmpi eq, %parallel_loop3A_540, %parallel_loop3A_548 : vector<16xi32>
      %parallel_loop3A_550 = arith.select %parallel_loop3A_549, %parallel_loop3A_415, %parallel_loop3A_416 : vector<16xi1>, vector<16xf32>
      %parallel_loop3A_551 = arith.select %parallel_loop3A_546, %parallel_loop3A_414, %parallel_loop3A_550 : vector<16xi1>, vector<16xf32>
      %parallel_loop3A_552 = arith.select %parallel_loop3A_543, %parallel_loop3A_374, %parallel_loop3A_551 : vector<16xi1>, vector<16xf32>
      %parallel_loop3A_553 = arith.constant 6 : i32
      %parallel_loop3A_554 = arith.index_cast %parallel_loop3A_553 : i32 to index
      %parallel_loop3A_555 = arith.index_cast %parallel_loop3A_124 : i32 to index
      %parallel_loop3A_556 = tpu.vector_load %arg11[%parallel_loop3A_554, %parallel_loop3A_555] {strides = array<i32>} : memref<16x512xf32, #tpu.memory_space<vmem>>, vector<16xf32>,
      tpu.vector_store %arg11[%parallel_loop3A_554, %parallel_loop3A_555], %parallel_loop3A_552 {strides = array<i32>} : memref<16x512xf32, #tpu.memory_space<vmem>>, vector<16xf32>,
      %parallel_loop3A_557 = arith.constant 7 : i32
      %parallel_loop3A_558 = arith.index_cast %parallel_loop3A_557 : i32 to index
      %parallel_loop3A_559 = arith.index_cast %parallel_loop3A_124 : i32 to index
      %parallel_loop3A_560 = tpu.vector_load %arg10[%parallel_loop3A_558, %parallel_loop3A_559] {strides = array<i32>} : memref<16x512xi32, #tpu.memory_space<vmem>>, vector<16xi32>,
      %parallel_loop3A_561 = arith.constant 0 : i32
      %parallel_loop3A_562 = vector.broadcast %parallel_loop3A_561 : i32 to vector<16xi32>
      %parallel_loop3A_563 = arith.cmpi eq, %parallel_loop3A_560, %parallel_loop3A_562 : vector<16xi32>
      %parallel_loop3A_564 = arith.constant 1 : i32
      %parallel_loop3A_565 = vector.broadcast %parallel_loop3A_564 : i32 to vector<16xi32>
      %parallel_loop3A_566 = arith.cmpi eq, %parallel_loop3A_560, %parallel_loop3A_565 : vector<16xi32>
      %parallel_loop3A_567 = arith.constant 2 : i32
      %parallel_loop3A_568 = vector.broadcast %parallel_loop3A_567 : i32 to vector<16xi32>
      %parallel_loop3A_569 = arith.cmpi eq, %parallel_loop3A_560, %parallel_loop3A_568 : vector<16xi32>
      %parallel_loop3A_570 = arith.select %parallel_loop3A_569, %parallel_loop3A_415, %parallel_loop3A_416 : vector<16xi1>, vector<16xf32>
      %parallel_loop3A_571 = arith.select %parallel_loop3A_566, %parallel_loop3A_414, %parallel_loop3A_570 : vector<16xi1>, vector<16xf32>
      %parallel_loop3A_572 = arith.select %parallel_loop3A_563, %parallel_loop3A_374, %parallel_loop3A_571 : vector<16xi1>, vector<16xf32>
      %parallel_loop3A_573 = arith.constant 7 : i32
      %parallel_loop3A_574 = arith.index_cast %parallel_loop3A_573 : i32 to index
      %parallel_loop3A_575 = arith.index_cast %parallel_loop3A_124 : i32 to index
      %parallel_loop3A_576 = tpu.vector_load %arg11[%parallel_loop3A_574, %parallel_loop3A_575] {strides = array<i32>} : memref<16x512xf32, #tpu.memory_space<vmem>>, vector<16xf32>,
      tpu.vector_store %arg11[%parallel_loop3A_574, %parallel_loop3A_575], %parallel_loop3A_572 {strides = array<i32>} : memref<16x512xf32, #tpu.memory_space<vmem>>, vector<16xf32>,
      %parallel_loop3A_577 = arith.constant 8 : i32
      %parallel_loop3A_578 = arith.index_cast %parallel_loop3A_577 : i32 to index
      %parallel_loop3A_579 = arith.index_cast %parallel_loop3A_124 : i32 to index
      %parallel_loop3A_580 = tpu.vector_load %arg10[%parallel_loop3A_578, %parallel_loop3A_579] {strides = array<i32>} : memref<16x512xi32, #tpu.memory_space<vmem>>, vector<16xi32>,
      %parallel_loop3A_581 = arith.constant 0 : i32
      %parallel_loop3A_582 = vector.broadcast %parallel_loop3A_581 : i32 to vector<16xi32>
      %parallel_loop3A_583 = arith.cmpi eq, %parallel_loop3A_580, %parallel_loop3A_582 : vector<16xi32>
      %parallel_loop3A_584 = arith.constant 1 : i32
      %parallel_loop3A_585 = vector.broadcast %parallel_loop3A_584 : i32 to vector<16xi32>
      %parallel_loop3A_586 = arith.cmpi eq, %parallel_loop3A_580, %parallel_loop3A_585 : vector<16xi32>
      %parallel_loop3A_587 = arith.constant 2 : i32
      %parallel_loop3A_588 = vector.broadcast %parallel_loop3A_587 : i32 to vector<16xi32>
      %parallel_loop3A_589 = arith.cmpi eq, %parallel_loop3A_580, %parallel_loop3A_588 : vector<16xi32>
      %parallel_loop3A_590 = arith.select %parallel_loop3A_589, %parallel_loop3A_415, %parallel_loop3A_416 : vector<16xi1>, vector<16xf32>
      %parallel_loop3A_591 = arith.select %parallel_loop3A_586, %parallel_loop3A_414, %parallel_loop3A_590 : vector<16xi1>, vector<16xf32>
      %parallel_loop3A_592 = arith.select %parallel_loop3A_583, %parallel_loop3A_374, %parallel_loop3A_591 : vector<16xi1>, vector<16xf32>
      %parallel_loop3A_593 = arith.constant 8 : i32
      %parallel_loop3A_594 = arith.index_cast %parallel_loop3A_593 : i32 to index
      %parallel_loop3A_595 = arith.index_cast %parallel_loop3A_124 : i32 to index
      %parallel_loop3A_596 = tpu.vector_load %arg11[%parallel_loop3A_594, %parallel_loop3A_595] {strides = array<i32>} : memref<16x512xf32, #tpu.memory_space<vmem>>, vector<16xf32>,
      tpu.vector_store %arg11[%parallel_loop3A_594, %parallel_loop3A_595], %parallel_loop3A_592 {strides = array<i32>} : memref<16x512xf32, #tpu.memory_space<vmem>>, vector<16xf32>,
      %parallel_loop3A_597 = arith.constant 9 : i32
      %parallel_loop3A_598 = arith.index_cast %parallel_loop3A_597 : i32 to index
      %parallel_loop3A_599 = arith.index_cast %parallel_loop3A_124 : i32 to index
      %parallel_loop3A_600 = tpu.vector_load %arg10[%parallel_loop3A_598, %parallel_loop3A_599] {strides = array<i32>} : memref<16x512xi32, #tpu.memory_space<vmem>>, vector<16xi32>,
      %parallel_loop3A_601 = arith.constant 0 : i32
      %parallel_loop3A_602 = vector.broadcast %parallel_loop3A_601 : i32 to vector<16xi32>
      %parallel_loop3A_603 = arith.cmpi eq, %parallel_loop3A_600, %parallel_loop3A_602 : vector<16xi32>
      %parallel_loop3A_604 = arith.constant 1 : i32
      %parallel_loop3A_605 = vector.broadcast %parallel_loop3A_604 : i32 to vector<16xi32>
      %parallel_loop3A_606 = arith.cmpi eq, %parallel_loop3A_600, %parallel_loop3A_605 : vector<16xi32>
      %parallel_loop3A_607 = arith.constant 2 : i32
      %parallel_loop3A_608 = vector.broadcast %parallel_loop3A_607 : i32 to vector<16xi32>
      %parallel_loop3A_609 = arith.cmpi eq, %parallel_loop3A_600, %parallel_loop3A_608 : vector<16xi32>
      %parallel_loop3A_610 = arith.select %parallel_loop3A_609, %parallel_loop3A_415, %parallel_loop3A_416 : vector<16xi1>, vector<16xf32>
      %parallel_loop3A_611 = arith.select %parallel_loop3A_606, %parallel_loop3A_414, %parallel_loop3A_610 : vector<16xi1>, vector<16xf32>
      %parallel_loop3A_612 = arith.select %parallel_loop3A_603, %parallel_loop3A_374, %parallel_loop3A_611 : vector<16xi1>, vector<16xf32>
      %parallel_loop3A_613 = arith.constant 9 : i32
      %parallel_loop3A_614 = arith.index_cast %parallel_loop3A_613 : i32 to index
      %parallel_loop3A_615 = arith.index_cast %parallel_loop3A_124 : i32 to index
      %parallel_loop3A_616 = tpu.vector_load %arg11[%parallel_loop3A_614, %parallel_loop3A_615] {strides = array<i32>} : memref<16x512xf32, #tpu.memory_space<vmem>>, vector<16xf32>,
      tpu.vector_store %arg11[%parallel_loop3A_614, %parallel_loop3A_615], %parallel_loop3A_612 {strides = array<i32>} : memref<16x512xf32, #tpu.memory_space<vmem>>, vector<16xf32>,
      %parallel_loop3A_617 = arith.constant 10 : i32
      %parallel_loop3A_618 = arith.index_cast %parallel_loop3A_617 : i32 to index
      %parallel_loop3A_619 = arith.index_cast %parallel_loop3A_124 : i32 to index
      %parallel_loop3A_620 = tpu.vector_load %arg10[%parallel_loop3A_618, %parallel_loop3A_619] {strides = array<i32>} : memref<16x512xi32, #tpu.memory_space<vmem>>, vector<16xi32>,
      %parallel_loop3A_621 = arith.constant 0 : i32
      %parallel_loop3A_622 = vector.broadcast %parallel_loop3A_621 : i32 to vector<16xi32>
      %parallel_loop3A_623 = arith.cmpi eq, %parallel_loop3A_620, %parallel_loop3A_622 : vector<16xi32>
      %parallel_loop3A_624 = arith.constant 1 : i32
      %parallel_loop3A_625 = vector.broadcast %parallel_loop3A_624 : i32 to vector<16xi32>
      %parallel_loop3A_626 = arith.cmpi eq, %parallel_loop3A_620, %parallel_loop3A_625 : vector<16xi32>
      %parallel_loop3A_627 = arith.constant 2 : i32
      %parallel_loop3A_628 = vector.broadcast %parallel_loop3A_627 : i32 to vector<16xi32>
      %parallel_loop3A_629 = arith.cmpi eq, %parallel_loop3A_620, %parallel_loop3A_628 : vector<16xi32>
      %parallel_loop3A_630 = arith.select %parallel_loop3A_629, %parallel_loop3A_415, %parallel_loop3A_416 : vector<16xi1>, vector<16xf32>
      %parallel_loop3A_631 = arith.select %parallel_loop3A_626, %parallel_loop3A_414, %parallel_loop3A_630 : vector<16xi1>, vector<16xf32>
      %parallel_loop3A_632 = arith.select %parallel_loop3A_623, %parallel_loop3A_374, %parallel_loop3A_631 : vector<16xi1>, vector<16xf32>
      %parallel_loop3A_633 = arith.constant 10 : i32
      %parallel_loop3A_634 = arith.index_cast %parallel_loop3A_633 : i32 to index
      %parallel_loop3A_635 = arith.index_cast %parallel_loop3A_124 : i32 to index
      %parallel_loop3A_636 = tpu.vector_load %arg11[%parallel_loop3A_634, %parallel_loop3A_635] {strides = array<i32>} : memref<16x512xf32, #tpu.memory_space<vmem>>, vector<16xf32>,
      tpu.vector_store %arg11[%parallel_loop3A_634, %parallel_loop3A_635], %parallel_loop3A_632 {strides = array<i32>} : memref<16x512xf32, #tpu.memory_space<vmem>>, vector<16xf32>,
      %parallel_loop3A_637 = arith.constant 11 : i32
      %parallel_loop3A_638 = arith.index_cast %parallel_loop3A_637 : i32 to index
      %parallel_loop3A_639 = arith.index_cast %parallel_loop3A_124 : i32 to index
      %parallel_loop3A_640 = tpu.vector_load %arg10[%parallel_loop3A_638, %parallel_loop3A_639] {strides = array<i32>} : memref<16x512xi32, #tpu.memory_space<vmem>>, vector<16xi32>,
      %parallel_loop3A_641 = arith.constant 0 : i32
      %parallel_loop3A_642 = vector.broadcast %parallel_loop3A_641 : i32 to vector<16xi32>
      %parallel_loop3A_643 = arith.cmpi eq, %parallel_loop3A_640, %parallel_loop3A_642 : vector<16xi32>
      %parallel_loop3A_644 = arith.constant 1 : i32
      %parallel_loop3A_645 = vector.broadcast %parallel_loop3A_644 : i32 to vector<16xi32>
      %parallel_loop3A_646 = arith.cmpi eq, %parallel_loop3A_640, %parallel_loop3A_645 : vector<16xi32>
      %parallel_loop3A_647 = arith.constant 2 : i32
      %parallel_loop3A_648 = vector.broadcast %parallel_loop3A_647 : i32 to vector<16xi32>
      %parallel_loop3A_649 = arith.cmpi eq, %parallel_loop3A_640, %parallel_loop3A_648 : vector<16xi32>
      %parallel_loop3A_650 = arith.select %parallel_loop3A_649, %parallel_loop3A_415, %parallel_loop3A_416 : vector<16xi1>, vector<16xf32>
      %parallel_loop3A_651 = arith.select %parallel_loop3A_646, %parallel_loop3A_414, %parallel_loop3A_650 : vector<16xi1>, vector<16xf32>
      %parallel_loop3A_652 = arith.select %parallel_loop3A_643, %parallel_loop3A_374, %parallel_loop3A_651 : vector<16xi1>, vector<16xf32>
      %parallel_loop3A_653 = arith.constant 11 : i32
      %parallel_loop3A_654 = arith.index_cast %parallel_loop3A_653 : i32 to index
      %parallel_loop3A_655 = arith.index_cast %parallel_loop3A_124 : i32 to index
      %parallel_loop3A_656 = tpu.vector_load %arg11[%parallel_loop3A_654, %parallel_loop3A_655] {strides = array<i32>} : memref<16x512xf32, #tpu.memory_space<vmem>>, vector<16xf32>,
      tpu.vector_store %arg11[%parallel_loop3A_654, %parallel_loop3A_655], %parallel_loop3A_652 {strides = array<i32>} : memref<16x512xf32, #tpu.memory_space<vmem>>, vector<16xf32>,
      %parallel_loop3A_657 = arith.constant 12 : i32
      %parallel_loop3A_658 = arith.index_cast %parallel_loop3A_657 : i32 to index
      %parallel_loop3A_659 = arith.index_cast %parallel_loop3A_124 : i32 to index
      %parallel_loop3A_660 = tpu.vector_load %arg10[%parallel_loop3A_658, %parallel_loop3A_659] {strides = array<i32>} : memref<16x512xi32, #tpu.memory_space<vmem>>, vector<16xi32>,
      %parallel_loop3A_661 = arith.constant 0 : i32
      %parallel_loop3A_662 = vector.broadcast %parallel_loop3A_661 : i32 to vector<16xi32>
      %parallel_loop3A_663 = arith.cmpi eq, %parallel_loop3A_660, %parallel_loop3A_662 : vector<16xi32>
      %parallel_loop3A_664 = arith.constant 1 : i32
      %parallel_loop3A_665 = vector.broadcast %parallel_loop3A_664 : i32 to vector<16xi32>
      %parallel_loop3A_666 = arith.cmpi eq, %parallel_loop3A_660, %parallel_loop3A_665 : vector<16xi32>
      %parallel_loop3A_667 = arith.constant 2 : i32
      %parallel_loop3A_668 = vector.broadcast %parallel_loop3A_667 : i32 to vector<16xi32>
      %parallel_loop3A_669 = arith.cmpi eq, %parallel_loop3A_660, %parallel_loop3A_668 : vector<16xi32>
      %parallel_loop3A_670 = arith.select %parallel_loop3A_669, %parallel_loop3A_415, %parallel_loop3A_416 : vector<16xi1>, vector<16xf32>
      %parallel_loop3A_671 = arith.select %parallel_loop3A_666, %parallel_loop3A_414, %parallel_loop3A_670 : vector<16xi1>, vector<16xf32>
      %parallel_loop3A_672 = arith.select %parallel_loop3A_663, %parallel_loop3A_374, %parallel_loop3A_671 : vector<16xi1>, vector<16xf32>
      %parallel_loop3A_673 = arith.constant 12 : i32
      %parallel_loop3A_674 = arith.index_cast %parallel_loop3A_673 : i32 to index
      %parallel_loop3A_675 = arith.index_cast %parallel_loop3A_124 : i32 to index
      %parallel_loop3A_676 = tpu.vector_load %arg11[%parallel_loop3A_674, %parallel_loop3A_675] {strides = array<i32>} : memref<16x512xf32, #tpu.memory_space<vmem>>, vector<16xf32>,
      tpu.vector_store %arg11[%parallel_loop3A_674, %parallel_loop3A_675], %parallel_loop3A_672 {strides = array<i32>} : memref<16x512xf32, #tpu.memory_space<vmem>>, vector<16xf32>,
      %parallel_loop3A_677 = arith.constant 13 : i32
      %parallel_loop3A_678 = arith.index_cast %parallel_loop3A_677 : i32 to index
      %parallel_loop3A_679 = arith.index_cast %parallel_loop3A_124 : i32 to index
      %parallel_loop3A_680 = tpu.vector_load %arg10[%parallel_loop3A_678, %parallel_loop3A_679] {strides = array<i32>} : memref<16x512xi32, #tpu.memory_space<vmem>>, vector<16xi32>,
      %parallel_loop3A_681 = arith.constant 0 : i32
      %parallel_loop3A_682 = vector.broadcast %parallel_loop3A_681 : i32 to vector<16xi32>
      %parallel_loop3A_683 = arith.cmpi eq, %parallel_loop3A_680, %parallel_loop3A_682 : vector<16xi32>
      %parallel_loop3A_684 = arith.constant 1 : i32
      %parallel_loop3A_685 = vector.broadcast %parallel_loop3A_684 : i32 to vector<16xi32>
      %parallel_loop3A_686 = arith.cmpi eq, %parallel_loop3A_680, %parallel_loop3A_685 : vector<16xi32>
      %parallel_loop3A_687 = arith.constant 2 : i32
      %parallel_loop3A_688 = vector.broadcast %parallel_loop3A_687 : i32 to vector<16xi32>
      %parallel_loop3A_689 = arith.cmpi eq, %parallel_loop3A_680, %parallel_loop3A_688 : vector<16xi32>
      %parallel_loop3A_690 = arith.select %parallel_loop3A_689, %parallel_loop3A_415, %parallel_loop3A_416 : vector<16xi1>, vector<16xf32>
      %parallel_loop3A_691 = arith.select %parallel_loop3A_686, %parallel_loop3A_414, %parallel_loop3A_690 : vector<16xi1>, vector<16xf32>
      %parallel_loop3A_692 = arith.select %parallel_loop3A_683, %parallel_loop3A_374, %parallel_loop3A_691 : vector<16xi1>, vector<16xf32>
      %parallel_loop3A_693 = arith.constant 13 : i32
      %parallel_loop3A_694 = arith.index_cast %parallel_loop3A_693 : i32 to index
      %parallel_loop3A_695 = arith.index_cast %parallel_loop3A_124 : i32 to index
      %parallel_loop3A_696 = tpu.vector_load %arg11[%parallel_loop3A_694, %parallel_loop3A_695] {strides = array<i32>} : memref<16x512xf32, #tpu.memory_space<vmem>>, vector<16xf32>,
      tpu.vector_store %arg11[%parallel_loop3A_694, %parallel_loop3A_695], %parallel_loop3A_692 {strides = array<i32>} : memref<16x512xf32, #tpu.memory_space<vmem>>, vector<16xf32>,
      %parallel_loop3A_697 = arith.constant 14 : i32
      %parallel_loop3A_698 = arith.index_cast %parallel_loop3A_697 : i32 to index
      %parallel_loop3A_699 = arith.index_cast %parallel_loop3A_124 : i32 to index
      %parallel_loop3A_700 = tpu.vector_load %arg10[%parallel_loop3A_698, %parallel_loop3A_699] {strides = array<i32>} : memref<16x512xi32, #tpu.memory_space<vmem>>, vector<16xi32>,
      %parallel_loop3A_701 = arith.constant 0 : i32
      %parallel_loop3A_702 = vector.broadcast %parallel_loop3A_701 : i32 to vector<16xi32>
      %parallel_loop3A_703 = arith.cmpi eq, %parallel_loop3A_700, %parallel_loop3A_702 : vector<16xi32>
      %parallel_loop3A_704 = arith.constant 1 : i32
      %parallel_loop3A_705 = vector.broadcast %parallel_loop3A_704 : i32 to vector<16xi32>
      %parallel_loop3A_706 = arith.cmpi eq, %parallel_loop3A_700, %parallel_loop3A_705 : vector<16xi32>
      %parallel_loop3A_707 = arith.constant 2 : i32
      %parallel_loop3A_708 = vector.broadcast %parallel_loop3A_707 : i32 to vector<16xi32>
      %parallel_loop3A_709 = arith.cmpi eq, %parallel_loop3A_700, %parallel_loop3A_708 : vector<16xi32>
      %parallel_loop3A_710 = arith.select %parallel_loop3A_709, %parallel_loop3A_415, %parallel_loop3A_416 : vector<16xi1>, vector<16xf32>
      %parallel_loop3A_711 = arith.select %parallel_loop3A_706, %parallel_loop3A_414, %parallel_loop3A_710 : vector<16xi1>, vector<16xf32>
      %parallel_loop3A_712 = arith.select %parallel_loop3A_703, %parallel_loop3A_374, %parallel_loop3A_711 : vector<16xi1>, vector<16xf32>
      %parallel_loop3A_713 = arith.constant 14 : i32
      %parallel_loop3A_714 = arith.index_cast %parallel_loop3A_713 : i32 to index
      %parallel_loop3A_715 = arith.index_cast %parallel_loop3A_124 : i32 to index
      %parallel_loop3A_716 = tpu.vector_load %arg11[%parallel_loop3A_714, %parallel_loop3A_715] {strides = array<i32>} : memref<16x512xf32, #tpu.memory_space<vmem>>, vector<16xf32>,
      tpu.vector_store %arg11[%parallel_loop3A_714, %parallel_loop3A_715], %parallel_loop3A_712 {strides = array<i32>} : memref<16x512xf32, #tpu.memory_space<vmem>>, vector<16xf32>,
      %parallel_loop3A_717 = arith.constant 15 : i32
      %parallel_loop3A_718 = arith.index_cast %parallel_loop3A_717 : i32 to index
      %parallel_loop3A_719 = arith.index_cast %parallel_loop3A_124 : i32 to index
      %parallel_loop3A_720 = tpu.vector_load %arg10[%parallel_loop3A_718, %parallel_loop3A_719] {strides = array<i32>} : memref<16x512xi32, #tpu.memory_space<vmem>>, vector<16xi32>,
      %parallel_loop3A_721 = arith.constant 0 : i32
      %parallel_loop3A_722 = vector.broadcast %parallel_loop3A_721 : i32 to vector<16xi32>
      %parallel_loop3A_723 = arith.cmpi eq, %parallel_loop3A_720, %parallel_loop3A_722 : vector<16xi32>
      %parallel_loop3A_724 = arith.constant 1 : i32
      %parallel_loop3A_725 = vector.broadcast %parallel_loop3A_724 : i32 to vector<16xi32>
      %parallel_loop3A_726 = arith.cmpi eq, %parallel_loop3A_720, %parallel_loop3A_725 : vector<16xi32>
      %parallel_loop3A_727 = arith.constant 2 : i32
      %parallel_loop3A_728 = vector.broadcast %parallel_loop3A_727 : i32 to vector<16xi32>
      %parallel_loop3A_729 = arith.cmpi eq, %parallel_loop3A_720, %parallel_loop3A_728 : vector<16xi32>
      %parallel_loop3A_730 = arith.select %parallel_loop3A_729, %parallel_loop3A_415, %parallel_loop3A_416 : vector<16xi1>, vector<16xf32>
      %parallel_loop3A_731 = arith.select %parallel_loop3A_726, %parallel_loop3A_414, %parallel_loop3A_730 : vector<16xi1>, vector<16xf32>
      %parallel_loop3A_732 = arith.select %parallel_loop3A_723, %parallel_loop3A_374, %parallel_loop3A_731 : vector<16xi1>, vector<16xf32>
      %parallel_loop3A_733 = arith.constant 15 : i32
      %parallel_loop3A_734 = arith.index_cast %parallel_loop3A_733 : i32 to index
      %parallel_loop3A_735 = arith.index_cast %parallel_loop3A_124 : i32 to index
      %parallel_loop3A_736 = tpu.vector_load %arg11[%parallel_loop3A_734, %parallel_loop3A_735] {strides = array<i32>} : memref<16x512xf32, #tpu.memory_space<vmem>>, vector<16xf32>,
      tpu.vector_store %arg11[%parallel_loop3A_734, %parallel_loop3A_735], %parallel_loop3A_732 {strides = array<i32>} : memref<16x512xf32, #tpu.memory_space<vmem>>, vector<16xf32>,
    } {sc.loop_unroll_factor = 4 : i64, sc.parallel_access}
    %add3A_61 = arith.constant 0 : i32
    %add3A_62 = arith.addi %mul3A_2, %add3A_61 : i32
    %dma_start3A_63 = arith.constant 0 : i32
    %dma_start3A_64 = arith.constant 0 : i32
    %dma_start3A_65 = tpu.memref_slice %arg11[%dma_start3A_63, %dma_start3A_64] : memref<16x512xf32, #tpu.memory_space<vmem>> -> memref<16x256xf32, #tpu.memory_space<vmem>>
    %dma_start3A_66 = arith.constant 0 : i32
    %dma_start3A_67 = tpu.memref_slice %arg6[%dma_start3A_66, %add3A_62] : memref<16x16384xf32, #tpu.memory_space<hbm>> -> memref<16x256xf32, #tpu.memory_space<hbm>>
    %dma_start3A_68 = arith.constant 0 : i32
    %dma_start3A_69 = tpu.memref_slice %arg6[%dma_start3A_68, %add3A_62] : memref<16x16384xf32, #tpu.memory_space<hbm>> -> memref<16x256xf32, #tpu.memory_space<hbm>>
    %dma_start3A_70 = arith.constant 0 : i32
    %dma_start3A_71 = arith.constant 0 : i32
    %dma_start3A_72 = tpu.memref_slice %arg11[%dma_start3A_70, %dma_start3A_71] : memref<16x512xf32, #tpu.memory_space<vmem>> -> memref<16x256xf32, #tpu.memory_space<vmem>>
    tpu.enqueue_dma source(%dma_start3A_72 : memref<16x256xf32, #tpu.memory_space<vmem>>) target(%dma_start3A_69 : memref<16x256xf32, #tpu.memory_space<hbm>>) target_semaphore(%arg13 : memref<!tpu.dma_semaphore, #tpu.memory_space<semaphore_mem>>)
    %dma_wait3A_73 = arith.constant 256 : i32
    %dma_wait3A_74 = arith.constant 0 : i32
    %dma_wait3A_75 = tpu.memref_slice %arg7[%dma_wait3A_73, %dma_wait3A_74] : memref<512x128xf32, #tpu.memory_space<vmem>> -> memref<256x128xf32, #tpu.memory_space<vmem>>
    %dma_wait3A_76 = arith.constant 0 : i32
    %dma_wait3A_77 = tpu.memref_slice %arg2[%add3A_15, %dma_wait3A_76] : memref<16384x128xf32, #tpu.memory_space<hbm>> -> memref<256x128xf32, #tpu.memory_space<hbm>>
    %dma_wait3A_78 = arith.constant 256 : i32
    %dma_wait3A_79 = arith.constant 0 : i32
    %dma_wait3A_80 = tpu.memref_slice %arg7[%dma_wait3A_78, %dma_wait3A_79] : memref<512x128xf32, #tpu.memory_space<vmem>> -> memref<256x128xf32, #tpu.memory_space<vmem>>
    %dma_wait3A_81 = arith.constant 0 : i32
    %dma_wait3A_82 = tpu.memref_slice %arg2[%add3A_15, %dma_wait3A_81] : memref<16384x128xf32, #tpu.memory_space<hbm>> -> memref<256x128xf32, #tpu.memory_space<hbm>>
    tpu.wait_dma2 semaphore(%arg15 : memref<!tpu.dma_semaphore, #tpu.memory_space<semaphore_mem>>) src(%dma_wait3A_82 : memref<256x128xf32, #tpu.memory_space<hbm>>) dst(%dma_wait3A_80 : memref<256x128xf32, #tpu.memory_space<vmem>>)
    %parallel_loop3A_83 = arith.constant 16 : i32
    %parallel_loop3A_84 = arith.constant 32 : i32
    %parallel_loop3A_85 = arith.constant 1 : i32
    scf.for %parallel_loop3A_118 = %parallel_loop3A_83 to %parallel_loop3A_84 step %parallel_loop3A_85  : i32 {
      %parallel_loop3A_119 = arith.constant 16 : i32
      %parallel_loop3A_120 = arith.muli %parallel_loop3A_118, %parallel_loop3A_119 : i32
      %parallel_loop3A_121 = vector.broadcast %parallel_loop3A_120 : i32 to vector<16xi32>
      %parallel_loop3A_122 = arith.addi %iota3A, %parallel_loop3A_121 : vector<16xi32>
      %parallel_loop3A_123 = arith.constant 16 : i32
      %parallel_loop3A_124 = arith.muli %parallel_loop3A_118, %parallel_loop3A_123 : i32
      %parallel_loop3A_125 = arith.constant 0 : i32
      %parallel_loop3A_126 = arith.index_cast %parallel_loop3A_125 : i32 to index
      %parallel_loop3A_127 = arith.index_cast %parallel_loop3A_124 : i32 to index
      %parallel_loop3A_128 = tpu.vector_load %arg8[%parallel_loop3A_126, %parallel_loop3A_127] {strides = array<i32>} : memref<6x512xi32, #tpu.memory_space<vmem>>, vector<16xi32>,
      %parallel_loop3A_129 = tpu.vector_load_idx %arg7[%parallel_loop3A_122, %parallel_loop3A_128] : memref<512x128xf32, #tpu.memory_space<vmem>>[vector<16xi32>, vector<16xi32>], vector<16xf32>,
      %parallel_loop3A_130 = arith.constant 1 : i32
      %parallel_loop3A_131 = arith.index_cast %parallel_loop3A_130 : i32 to index
      %parallel_loop3A_132 = arith.index_cast %parallel_loop3A_124 : i32 to index
      %parallel_loop3A_133 = tpu.vector_load %arg8[%parallel_loop3A_131, %parallel_loop3A_132] {strides = array<i32>} : memref<6x512xi32, #tpu.memory_space<vmem>>, vector<16xi32>,
      %parallel_loop3A_134 = tpu.vector_load_idx %arg7[%parallel_loop3A_122, %parallel_loop3A_133] : memref<512x128xf32, #tpu.memory_space<vmem>>[vector<16xi32>, vector<16xi32>], vector<16xf32>,
      %parallel_loop3A_135 = arith.constant 2 : i32
      %parallel_loop3A_136 = arith.index_cast %parallel_loop3A_135 : i32 to index
      %parallel_loop3A_137 = arith.index_cast %parallel_loop3A_124 : i32 to index
      %parallel_loop3A_138 = tpu.vector_load %arg8[%parallel_loop3A_136, %parallel_loop3A_137] {strides = array<i32>} : memref<6x512xi32, #tpu.memory_space<vmem>>, vector<16xi32>,
      %parallel_loop3A_139 = tpu.vector_load_idx %arg7[%parallel_loop3A_122, %parallel_loop3A_138] : memref<512x128xf32, #tpu.memory_space<vmem>>[vector<16xi32>, vector<16xi32>], vector<16xf32>,
      %parallel_loop3A_140 = arith.constant 3 : i32
      %parallel_loop3A_141 = arith.index_cast %parallel_loop3A_140 : i32 to index
      %parallel_loop3A_142 = arith.index_cast %parallel_loop3A_124 : i32 to index
      %parallel_loop3A_143 = tpu.vector_load %arg8[%parallel_loop3A_141, %parallel_loop3A_142] {strides = array<i32>} : memref<6x512xi32, #tpu.memory_space<vmem>>, vector<16xi32>,
      %parallel_loop3A_144 = tpu.vector_load_idx %arg7[%parallel_loop3A_122, %parallel_loop3A_143] : memref<512x128xf32, #tpu.memory_space<vmem>>[vector<16xi32>, vector<16xi32>], vector<16xf32>,
      %parallel_loop3A_145 = arith.constant 4 : i32
      %parallel_loop3A_146 = arith.index_cast %parallel_loop3A_145 : i32 to index
      %parallel_loop3A_147 = arith.index_cast %parallel_loop3A_124 : i32 to index
      %parallel_loop3A_148 = tpu.vector_load %arg8[%parallel_loop3A_146, %parallel_loop3A_147] {strides = array<i32>} : memref<6x512xi32, #tpu.memory_space<vmem>>, vector<16xi32>,
      %parallel_loop3A_149 = tpu.vector_load_idx %arg7[%parallel_loop3A_122, %parallel_loop3A_148] : memref<512x128xf32, #tpu.memory_space<vmem>>[vector<16xi32>, vector<16xi32>], vector<16xf32>,
      %parallel_loop3A_150 = arith.constant 5 : i32
      %parallel_loop3A_151 = arith.index_cast %parallel_loop3A_150 : i32 to index
      %parallel_loop3A_152 = arith.index_cast %parallel_loop3A_124 : i32 to index
      %parallel_loop3A_153 = tpu.vector_load %arg8[%parallel_loop3A_151, %parallel_loop3A_152] {strides = array<i32>} : memref<6x512xi32, #tpu.memory_space<vmem>>, vector<16xi32>,
      %parallel_loop3A_154 = tpu.vector_load_idx %arg7[%parallel_loop3A_122, %parallel_loop3A_153] : memref<512x128xf32, #tpu.memory_space<vmem>>[vector<16xi32>, vector<16xi32>], vector<16xf32>,
      %parallel_loop3A_155 = arith.constant 0.159154937 : f32
      %parallel_loop3A_156 = vector.broadcast %parallel_loop3A_155 : f32 to vector<16xf32>
      %parallel_loop3A_157 = arith.mulf %parallel_loop3A_129, %parallel_loop3A_156 : vector<16xf32>
      %parallel_loop3A_158 = arith.constant 0x4B400000 : f32
      %parallel_loop3A_159 = vector.broadcast %parallel_loop3A_158 : f32 to vector<16xf32>
      %parallel_loop3A_160 = arith.addf %parallel_loop3A_157, %parallel_loop3A_159 : vector<16xf32>
      %parallel_loop3A_161 = arith.constant 0x4B400000 : f32
      %parallel_loop3A_162 = vector.broadcast %parallel_loop3A_161 : f32 to vector<16xf32>
      %parallel_loop3A_163 = arith.subf %parallel_loop3A_160, %parallel_loop3A_162 : vector<16xf32>
      %parallel_loop3A_164 = arith.constant 6.28318548 : f32
      %parallel_loop3A_165 = vector.broadcast %parallel_loop3A_164 : f32 to vector<16xf32>
      %parallel_loop3A_166 = arith.mulf %parallel_loop3A_163, %parallel_loop3A_165 : vector<16xf32>
      %parallel_loop3A_167 = arith.subf %parallel_loop3A_129, %parallel_loop3A_166 : vector<16xf32>
      %parallel_loop3A_168 = arith.constant 1.74845553E-7 : f32
      %parallel_loop3A_169 = vector.broadcast %parallel_loop3A_168 : f32 to vector<16xf32>
      %parallel_loop3A_170 = arith.mulf %parallel_loop3A_163, %parallel_loop3A_169 : vector<16xf32>
      %parallel_loop3A_171 = arith.addf %parallel_loop3A_167, %parallel_loop3A_170 : vector<16xf32>
      %parallel_loop3A_172 = arith.mulf %parallel_loop3A_171, %parallel_loop3A_171 : vector<16xf32>
      %parallel_loop3A_173 = arith.constant -2.03662243E-8 : f32
      %parallel_loop3A_174 = vector.broadcast %parallel_loop3A_173 : f32 to vector<16xf32>
      %parallel_loop3A_175 = arith.mulf %parallel_loop3A_174, %parallel_loop3A_172 : vector<16xf32>
      %parallel_loop3A_176 = arith.constant 2.69982274E-6 : f32
      %parallel_loop3A_177 = vector.broadcast %parallel_loop3A_176 : f32 to vector<16xf32>
      %parallel_loop3A_178 = arith.addf %parallel_loop3A_175, %parallel_loop3A_177 : vector<16xf32>
      %parallel_loop3A_179 = arith.mulf %parallel_loop3A_178, %parallel_loop3A_172 : vector<16xf32>
      %parallel_loop3A_180 = arith.constant -1.98087393E-4 : f32
      %parallel_loop3A_181 = vector.broadcast %parallel_loop3A_180 : f32 to vector<16xf32>
      %parallel_loop3A_182 = arith.addf %parallel_loop3A_179, %parallel_loop3A_181 : vector<16xf32>
      %parallel_loop3A_183 = arith.mulf %parallel_loop3A_182, %parallel_loop3A_172 : vector<16xf32>
      %parallel_loop3A_184 = arith.constant 0.00833240803 : f32
      %parallel_loop3A_185 = vector.broadcast %parallel_loop3A_184 : f32 to vector<16xf32>
      %parallel_loop3A_186 = arith.addf %parallel_loop3A_183, %parallel_loop3A_185 : vector<16xf32>
      %parallel_loop3A_187 = arith.mulf %parallel_loop3A_186, %parallel_loop3A_172 : vector<16xf32>
      %parallel_loop3A_188 = arith.constant -0.166665539 : f32
      %parallel_loop3A_189 = vector.broadcast %parallel_loop3A_188 : f32 to vector<16xf32>
      %parallel_loop3A_190 = arith.addf %parallel_loop3A_187, %parallel_loop3A_189 : vector<16xf32>
      %parallel_loop3A_191 = arith.mulf %parallel_loop3A_190, %parallel_loop3A_172 : vector<16xf32>
      %parallel_loop3A_192 = arith.constant 0.999999582 : f32
      %parallel_loop3A_193 = vector.broadcast %parallel_loop3A_192 : f32 to vector<16xf32>
      %parallel_loop3A_194 = arith.addf %parallel_loop3A_191, %parallel_loop3A_193 : vector<16xf32>
      %parallel_loop3A_195 = arith.mulf %parallel_loop3A_194, %parallel_loop3A_171 : vector<16xf32>
      %parallel_loop3A_196 = arith.constant 0.159154937 : f32
      %parallel_loop3A_197 = vector.broadcast %parallel_loop3A_196 : f32 to vector<16xf32>
      %parallel_loop3A_198 = arith.mulf %parallel_loop3A_134, %parallel_loop3A_197 : vector<16xf32>
      %parallel_loop3A_199 = arith.constant 0x4B400000 : f32
      %parallel_loop3A_200 = vector.broadcast %parallel_loop3A_199 : f32 to vector<16xf32>
      %parallel_loop3A_201 = arith.addf %parallel_loop3A_198, %parallel_loop3A_200 : vector<16xf32>
      %parallel_loop3A_202 = arith.constant 0x4B400000 : f32
      %parallel_loop3A_203 = vector.broadcast %parallel_loop3A_202 : f32 to vector<16xf32>
      %parallel_loop3A_204 = arith.subf %parallel_loop3A_201, %parallel_loop3A_203 : vector<16xf32>
      %parallel_loop3A_205 = arith.constant 6.28318548 : f32
      %parallel_loop3A_206 = vector.broadcast %parallel_loop3A_205 : f32 to vector<16xf32>
      %parallel_loop3A_207 = arith.mulf %parallel_loop3A_204, %parallel_loop3A_206 : vector<16xf32>
      %parallel_loop3A_208 = arith.subf %parallel_loop3A_134, %parallel_loop3A_207 : vector<16xf32>
      %parallel_loop3A_209 = arith.constant 1.74845553E-7 : f32
      %parallel_loop3A_210 = vector.broadcast %parallel_loop3A_209 : f32 to vector<16xf32>
      %parallel_loop3A_211 = arith.mulf %parallel_loop3A_204, %parallel_loop3A_210 : vector<16xf32>
      %parallel_loop3A_212 = arith.addf %parallel_loop3A_208, %parallel_loop3A_211 : vector<16xf32>
      %parallel_loop3A_213 = arith.mulf %parallel_loop3A_212, %parallel_loop3A_212 : vector<16xf32>
      %parallel_loop3A_214 = arith.constant -2.19788717E-7 : f32
      %parallel_loop3A_215 = vector.broadcast %parallel_loop3A_214 : f32 to vector<16xf32>
      %parallel_loop3A_216 = arith.mulf %parallel_loop3A_215, %parallel_loop3A_213 : vector<16xf32>
      %parallel_loop3A_217 = arith.constant 2.42043989E-5 : f32
      %parallel_loop3A_218 = vector.broadcast %parallel_loop3A_217 : f32 to vector<16xf32>
      %parallel_loop3A_219 = arith.addf %parallel_loop3A_216, %parallel_loop3A_218 : vector<16xf32>
      %parallel_loop3A_220 = arith.mulf %parallel_loop3A_219, %parallel_loop3A_213 : vector<16xf32>
      %parallel_loop3A_221 = arith.constant -0.00138589158 : f32
      %parallel_loop3A_222 = vector.broadcast %parallel_loop3A_221 : f32 to vector<16xf32>
      %parallel_loop3A_223 = arith.addf %parallel_loop3A_220, %parallel_loop3A_222 : vector<16xf32>
      %parallel_loop3A_224 = arith.mulf %parallel_loop3A_223, %parallel_loop3A_213 : vector<16xf32>
      %parallel_loop3A_225 = arith.constant 0.0416598208 : f32
      %parallel_loop3A_226 = vector.broadcast %parallel_loop3A_225 : f32 to vector<16xf32>
      %parallel_loop3A_227 = arith.addf %parallel_loop3A_224, %parallel_loop3A_226 : vector<16xf32>
      %parallel_loop3A_228 = arith.mulf %parallel_loop3A_227, %parallel_loop3A_213 : vector<16xf32>
      %parallel_loop3A_229 = arith.constant -0.499994278 : f32
      %parallel_loop3A_230 = vector.broadcast %parallel_loop3A_229 : f32 to vector<16xf32>
      %parallel_loop3A_231 = arith.addf %parallel_loop3A_228, %parallel_loop3A_230 : vector<16xf32>
      %parallel_loop3A_232 = arith.mulf %parallel_loop3A_231, %parallel_loop3A_213 : vector<16xf32>
      %parallel_loop3A_233 = arith.constant 0.999999225 : f32
      %parallel_loop3A_234 = vector.broadcast %parallel_loop3A_233 : f32 to vector<16xf32>
      %parallel_loop3A_235 = arith.addf %parallel_loop3A_232, %parallel_loop3A_234 : vector<16xf32>
      %parallel_loop3A_236 = arith.mulf %parallel_loop3A_139, %parallel_loop3A_144 : vector<16xf32>
      %parallel_loop3A_237 = arith.addf %parallel_loop3A_149, %parallel_loop3A_154 : vector<16xf32>
      %parallel_loop3A_238 = arith.constant 0 : i32
      %parallel_loop3A_239 = arith.index_cast %parallel_loop3A_238 : i32 to index
      %parallel_loop3A_240 = arith.index_cast %parallel_loop3A_124 : i32 to index
      %parallel_loop3A_241 = tpu.vector_load %arg9[%parallel_loop3A_239, %parallel_loop3A_240] {strides = array<i32>} : memref<6x512xi32, #tpu.memory_space<vmem>>, vector<16xi32>,
      %parallel_loop3A_242 = arith.constant 0 : i32
      %parallel_loop3A_243 = vector.broadcast %parallel_loop3A_242 : i32 to vector<16xi32>
      %parallel_loop3A_244 = arith.cmpi eq, %parallel_loop3A_241, %parallel_loop3A_243 : vector<16xi32>
      %parallel_loop3A_245 = arith.constant 1 : i32
      %parallel_loop3A_246 = vector.broadcast %parallel_loop3A_245 : i32 to vector<16xi32>
      %parallel_loop3A_247 = arith.cmpi eq, %parallel_loop3A_241, %parallel_loop3A_246 : vector<16xi32>
      %parallel_loop3A_248 = arith.constant 2 : i32
      %parallel_loop3A_249 = vector.broadcast %parallel_loop3A_248 : i32 to vector<16xi32>
      %parallel_loop3A_250 = arith.cmpi eq, %parallel_loop3A_241, %parallel_loop3A_249 : vector<16xi32>
      %parallel_loop3A_251 = arith.select %parallel_loop3A_250, %parallel_loop3A_236, %parallel_loop3A_237 : vector<16xi1>, vector<16xf32>
      %parallel_loop3A_252 = arith.select %parallel_loop3A_247, %parallel_loop3A_235, %parallel_loop3A_251 : vector<16xi1>, vector<16xf32>
      %parallel_loop3A_253 = arith.select %parallel_loop3A_244, %parallel_loop3A_195, %parallel_loop3A_252 : vector<16xi1>, vector<16xf32>
      %parallel_loop3A_254 = arith.constant 1 : i32
      %parallel_loop3A_255 = arith.index_cast %parallel_loop3A_254 : i32 to index
      %parallel_loop3A_256 = arith.index_cast %parallel_loop3A_124 : i32 to index
      %parallel_loop3A_257 = tpu.vector_load %arg9[%parallel_loop3A_255, %parallel_loop3A_256] {strides = array<i32>} : memref<6x512xi32, #tpu.memory_space<vmem>>, vector<16xi32>,
      %parallel_loop3A_258 = arith.constant 0 : i32
      %parallel_loop3A_259 = vector.broadcast %parallel_loop3A_258 : i32 to vector<16xi32>
      %parallel_loop3A_260 = arith.cmpi eq, %parallel_loop3A_257, %parallel_loop3A_259 : vector<16xi32>
      %parallel_loop3A_261 = arith.constant 1 : i32
      %parallel_loop3A_262 = vector.broadcast %parallel_loop3A_261 : i32 to vector<16xi32>
      %parallel_loop3A_263 = arith.cmpi eq, %parallel_loop3A_257, %parallel_loop3A_262 : vector<16xi32>
      %parallel_loop3A_264 = arith.constant 2 : i32
      %parallel_loop3A_265 = vector.broadcast %parallel_loop3A_264 : i32 to vector<16xi32>
      %parallel_loop3A_266 = arith.cmpi eq, %parallel_loop3A_257, %parallel_loop3A_265 : vector<16xi32>
      %parallel_loop3A_267 = arith.select %parallel_loop3A_266, %parallel_loop3A_236, %parallel_loop3A_237 : vector<16xi1>, vector<16xf32>
      %parallel_loop3A_268 = arith.select %parallel_loop3A_263, %parallel_loop3A_235, %parallel_loop3A_267 : vector<16xi1>, vector<16xf32>
      %parallel_loop3A_269 = arith.select %parallel_loop3A_260, %parallel_loop3A_195, %parallel_loop3A_268 : vector<16xi1>, vector<16xf32>
      %parallel_loop3A_270 = arith.constant 2 : i32
      %parallel_loop3A_271 = arith.index_cast %parallel_loop3A_270 : i32 to index
      %parallel_loop3A_272 = arith.index_cast %parallel_loop3A_124 : i32 to index
      %parallel_loop3A_273 = tpu.vector_load %arg9[%parallel_loop3A_271, %parallel_loop3A_272] {strides = array<i32>} : memref<6x512xi32, #tpu.memory_space<vmem>>, vector<16xi32>,
      %parallel_loop3A_274 = arith.constant 0 : i32
      %parallel_loop3A_275 = vector.broadcast %parallel_loop3A_274 : i32 to vector<16xi32>
      %parallel_loop3A_276 = arith.cmpi eq, %parallel_loop3A_273, %parallel_loop3A_275 : vector<16xi32>
      %parallel_loop3A_277 = arith.constant 1 : i32
      %parallel_loop3A_278 = vector.broadcast %parallel_loop3A_277 : i32 to vector<16xi32>
      %parallel_loop3A_279 = arith.cmpi eq, %parallel_loop3A_273, %parallel_loop3A_278 : vector<16xi32>
      %parallel_loop3A_280 = arith.constant 2 : i32
      %parallel_loop3A_281 = vector.broadcast %parallel_loop3A_280 : i32 to vector<16xi32>
      %parallel_loop3A_282 = arith.cmpi eq, %parallel_loop3A_273, %parallel_loop3A_281 : vector<16xi32>
      %parallel_loop3A_283 = arith.select %parallel_loop3A_282, %parallel_loop3A_236, %parallel_loop3A_237 : vector<16xi1>, vector<16xf32>
      %parallel_loop3A_284 = arith.select %parallel_loop3A_279, %parallel_loop3A_235, %parallel_loop3A_283 : vector<16xi1>, vector<16xf32>
      %parallel_loop3A_285 = arith.select %parallel_loop3A_276, %parallel_loop3A_195, %parallel_loop3A_284 : vector<16xi1>, vector<16xf32>
      %parallel_loop3A_286 = arith.constant 3 : i32
      %parallel_loop3A_287 = arith.index_cast %parallel_loop3A_286 : i32 to index
      %parallel_loop3A_288 = arith.index_cast %parallel_loop3A_124 : i32 to index
      %parallel_loop3A_289 = tpu.vector_load %arg9[%parallel_loop3A_287, %parallel_loop3A_288] {strides = array<i32>} : memref<6x512xi32, #tpu.memory_space<vmem>>, vector<16xi32>,
      %parallel_loop3A_290 = arith.constant 0 : i32
      %parallel_loop3A_291 = vector.broadcast %parallel_loop3A_290 : i32 to vector<16xi32>
      %parallel_loop3A_292 = arith.cmpi eq, %parallel_loop3A_289, %parallel_loop3A_291 : vector<16xi32>
      %parallel_loop3A_293 = arith.constant 1 : i32
      %parallel_loop3A_294 = vector.broadcast %parallel_loop3A_293 : i32 to vector<16xi32>
      %parallel_loop3A_295 = arith.cmpi eq, %parallel_loop3A_289, %parallel_loop3A_294 : vector<16xi32>
      %parallel_loop3A_296 = arith.constant 2 : i32
      %parallel_loop3A_297 = vector.broadcast %parallel_loop3A_296 : i32 to vector<16xi32>
      %parallel_loop3A_298 = arith.cmpi eq, %parallel_loop3A_289, %parallel_loop3A_297 : vector<16xi32>
      %parallel_loop3A_299 = arith.select %parallel_loop3A_298, %parallel_loop3A_236, %parallel_loop3A_237 : vector<16xi1>, vector<16xf32>
      %parallel_loop3A_300 = arith.select %parallel_loop3A_295, %parallel_loop3A_235, %parallel_loop3A_299 : vector<16xi1>, vector<16xf32>
      %parallel_loop3A_301 = arith.select %parallel_loop3A_292, %parallel_loop3A_195, %parallel_loop3A_300 : vector<16xi1>, vector<16xf32>
      %parallel_loop3A_302 = arith.constant 4 : i32
      %parallel_loop3A_303 = arith.index_cast %parallel_loop3A_302 : i32 to index
      %parallel_loop3A_304 = arith.index_cast %parallel_loop3A_124 : i32 to index
      %parallel_loop3A_305 = tpu.vector_load %arg9[%parallel_loop3A_303, %parallel_loop3A_304] {strides = array<i32>} : memref<6x512xi32, #tpu.memory_space<vmem>>, vector<16xi32>,
      %parallel_loop3A_306 = arith.constant 0 : i32
      %parallel_loop3A_307 = vector.broadcast %parallel_loop3A_306 : i32 to vector<16xi32>
      %parallel_loop3A_308 = arith.cmpi eq, %parallel_loop3A_305, %parallel_loop3A_307 : vector<16xi32>
      %parallel_loop3A_309 = arith.constant 1 : i32
      %parallel_loop3A_310 = vector.broadcast %parallel_loop3A_309 : i32 to vector<16xi32>
      %parallel_loop3A_311 = arith.cmpi eq, %parallel_loop3A_305, %parallel_loop3A_310 : vector<16xi32>
      %parallel_loop3A_312 = arith.constant 2 : i32
      %parallel_loop3A_313 = vector.broadcast %parallel_loop3A_312 : i32 to vector<16xi32>
      %parallel_loop3A_314 = arith.cmpi eq, %parallel_loop3A_305, %parallel_loop3A_313 : vector<16xi32>
      %parallel_loop3A_315 = arith.select %parallel_loop3A_314, %parallel_loop3A_236, %parallel_loop3A_237 : vector<16xi1>, vector<16xf32>
      %parallel_loop3A_316 = arith.select %parallel_loop3A_311, %parallel_loop3A_235, %parallel_loop3A_315 : vector<16xi1>, vector<16xf32>
      %parallel_loop3A_317 = arith.select %parallel_loop3A_308, %parallel_loop3A_195, %parallel_loop3A_316 : vector<16xi1>, vector<16xf32>
      %parallel_loop3A_318 = arith.constant 5 : i32
      %parallel_loop3A_319 = arith.index_cast %parallel_loop3A_318 : i32 to index
      %parallel_loop3A_320 = arith.index_cast %parallel_loop3A_124 : i32 to index
      %parallel_loop3A_321 = tpu.vector_load %arg9[%parallel_loop3A_319, %parallel_loop3A_320] {strides = array<i32>} : memref<6x512xi32, #tpu.memory_space<vmem>>, vector<16xi32>,
      %parallel_loop3A_322 = arith.constant 0 : i32
      %parallel_loop3A_323 = vector.broadcast %parallel_loop3A_322 : i32 to vector<16xi32>
      %parallel_loop3A_324 = arith.cmpi eq, %parallel_loop3A_321, %parallel_loop3A_323 : vector<16xi32>
      %parallel_loop3A_325 = arith.constant 1 : i32
      %parallel_loop3A_326 = vector.broadcast %parallel_loop3A_325 : i32 to vector<16xi32>
      %parallel_loop3A_327 = arith.cmpi eq, %parallel_loop3A_321, %parallel_loop3A_326 : vector<16xi32>
      %parallel_loop3A_328 = arith.constant 2 : i32
      %parallel_loop3A_329 = vector.broadcast %parallel_loop3A_328 : i32 to vector<16xi32>
      %parallel_loop3A_330 = arith.cmpi eq, %parallel_loop3A_321, %parallel_loop3A_329 : vector<16xi32>
      %parallel_loop3A_331 = arith.select %parallel_loop3A_330, %parallel_loop3A_236, %parallel_loop3A_237 : vector<16xi1>, vector<16xf32>
      %parallel_loop3A_332 = arith.select %parallel_loop3A_327, %parallel_loop3A_235, %parallel_loop3A_331 : vector<16xi1>, vector<16xf32>
      %parallel_loop3A_333 = arith.select %parallel_loop3A_324, %parallel_loop3A_195, %parallel_loop3A_332 : vector<16xi1>, vector<16xf32>
      %parallel_loop3A_334 = arith.constant 0.159154937 : f32
      %parallel_loop3A_335 = vector.broadcast %parallel_loop3A_334 : f32 to vector<16xf32>
      %parallel_loop3A_336 = arith.mulf %parallel_loop3A_253, %parallel_loop3A_335 : vector<16xf32>
      %parallel_loop3A_337 = arith.constant 0x4B400000 : f32
      %parallel_loop3A_338 = vector.broadcast %parallel_loop3A_337 : f32 to vector<16xf32>
      %parallel_loop3A_339 = arith.addf %parallel_loop3A_336, %parallel_loop3A_338 : vector<16xf32>
      %parallel_loop3A_340 = arith.constant 0x4B400000 : f32
      %parallel_loop3A_341 = vector.broadcast %parallel_loop3A_340 : f32 to vector<16xf32>
      %parallel_loop3A_342 = arith.subf %parallel_loop3A_339, %parallel_loop3A_341 : vector<16xf32>
      %parallel_loop3A_343 = arith.constant 6.28318548 : f32
      %parallel_loop3A_344 = vector.broadcast %parallel_loop3A_343 : f32 to vector<16xf32>
      %parallel_loop3A_345 = arith.mulf %parallel_loop3A_342, %parallel_loop3A_344 : vector<16xf32>
      %parallel_loop3A_346 = arith.subf %parallel_loop3A_253, %parallel_loop3A_345 : vector<16xf32>
      %parallel_loop3A_347 = arith.constant 1.74845553E-7 : f32
      %parallel_loop3A_348 = vector.broadcast %parallel_loop3A_347 : f32 to vector<16xf32>
      %parallel_loop3A_349 = arith.mulf %parallel_loop3A_342, %parallel_loop3A_348 : vector<16xf32>
      %parallel_loop3A_350 = arith.addf %parallel_loop3A_346, %parallel_loop3A_349 : vector<16xf32>
      %parallel_loop3A_351 = arith.mulf %parallel_loop3A_350, %parallel_loop3A_350 : vector<16xf32>
      %parallel_loop3A_352 = arith.constant -2.03662243E-8 : f32
      %parallel_loop3A_353 = vector.broadcast %parallel_loop3A_352 : f32 to vector<16xf32>
      %parallel_loop3A_354 = arith.mulf %parallel_loop3A_353, %parallel_loop3A_351 : vector<16xf32>
      %parallel_loop3A_355 = arith.constant 2.69982274E-6 : f32
      %parallel_loop3A_356 = vector.broadcast %parallel_loop3A_355 : f32 to vector<16xf32>
      %parallel_loop3A_357 = arith.addf %parallel_loop3A_354, %parallel_loop3A_356 : vector<16xf32>
      %parallel_loop3A_358 = arith.mulf %parallel_loop3A_357, %parallel_loop3A_351 : vector<16xf32>
      %parallel_loop3A_359 = arith.constant -1.98087393E-4 : f32
      %parallel_loop3A_360 = vector.broadcast %parallel_loop3A_359 : f32 to vector<16xf32>
      %parallel_loop3A_361 = arith.addf %parallel_loop3A_358, %parallel_loop3A_360 : vector<16xf32>
      %parallel_loop3A_362 = arith.mulf %parallel_loop3A_361, %parallel_loop3A_351 : vector<16xf32>
      %parallel_loop3A_363 = arith.constant 0.00833240803 : f32
      %parallel_loop3A_364 = vector.broadcast %parallel_loop3A_363 : f32 to vector<16xf32>
      %parallel_loop3A_365 = arith.addf %parallel_loop3A_362, %parallel_loop3A_364 : vector<16xf32>
      %parallel_loop3A_366 = arith.mulf %parallel_loop3A_365, %parallel_loop3A_351 : vector<16xf32>
      %parallel_loop3A_367 = arith.constant -0.166665539 : f32
      %parallel_loop3A_368 = vector.broadcast %parallel_loop3A_367 : f32 to vector<16xf32>
      %parallel_loop3A_369 = arith.addf %parallel_loop3A_366, %parallel_loop3A_368 : vector<16xf32>
      %parallel_loop3A_370 = arith.mulf %parallel_loop3A_369, %parallel_loop3A_351 : vector<16xf32>
      %parallel_loop3A_371 = arith.constant 0.999999582 : f32
      %parallel_loop3A_372 = vector.broadcast %parallel_loop3A_371 : f32 to vector<16xf32>
      %parallel_loop3A_373 = arith.addf %parallel_loop3A_370, %parallel_loop3A_372 : vector<16xf32>
      %parallel_loop3A_374 = arith.mulf %parallel_loop3A_373, %parallel_loop3A_350 : vector<16xf32>
      %parallel_loop3A_375 = arith.constant 0.159154937 : f32
      %parallel_loop3A_376 = vector.broadcast %parallel_loop3A_375 : f32 to vector<16xf32>
      %parallel_loop3A_377 = arith.mulf %parallel_loop3A_269, %parallel_loop3A_376 : vector<16xf32>
      %parallel_loop3A_378 = arith.constant 0x4B400000 : f32
      %parallel_loop3A_379 = vector.broadcast %parallel_loop3A_378 : f32 to vector<16xf32>
      %parallel_loop3A_380 = arith.addf %parallel_loop3A_377, %parallel_loop3A_379 : vector<16xf32>
      %parallel_loop3A_381 = arith.constant 0x4B400000 : f32
      %parallel_loop3A_382 = vector.broadcast %parallel_loop3A_381 : f32 to vector<16xf32>
      %parallel_loop3A_383 = arith.subf %parallel_loop3A_380, %parallel_loop3A_382 : vector<16xf32>
      %parallel_loop3A_384 = arith.constant 6.28318548 : f32
      %parallel_loop3A_385 = vector.broadcast %parallel_loop3A_384 : f32 to vector<16xf32>
      %parallel_loop3A_386 = arith.mulf %parallel_loop3A_383, %parallel_loop3A_385 : vector<16xf32>
      %parallel_loop3A_387 = arith.subf %parallel_loop3A_269, %parallel_loop3A_386 : vector<16xf32>
      %parallel_loop3A_388 = arith.constant 1.74845553E-7 : f32
      %parallel_loop3A_389 = vector.broadcast %parallel_loop3A_388 : f32 to vector<16xf32>
      %parallel_loop3A_390 = arith.mulf %parallel_loop3A_383, %parallel_loop3A_389 : vector<16xf32>
      %parallel_loop3A_391 = arith.addf %parallel_loop3A_387, %parallel_loop3A_390 : vector<16xf32>
      %parallel_loop3A_392 = arith.mulf %parallel_loop3A_391, %parallel_loop3A_391 : vector<16xf32>
      %parallel_loop3A_393 = arith.constant -2.19788717E-7 : f32
      %parallel_loop3A_394 = vector.broadcast %parallel_loop3A_393 : f32 to vector<16xf32>
      %parallel_loop3A_395 = arith.mulf %parallel_loop3A_394, %parallel_loop3A_392 : vector<16xf32>
      %parallel_loop3A_396 = arith.constant 2.42043989E-5 : f32
      %parallel_loop3A_397 = vector.broadcast %parallel_loop3A_396 : f32 to vector<16xf32>
      %parallel_loop3A_398 = arith.addf %parallel_loop3A_395, %parallel_loop3A_397 : vector<16xf32>
      %parallel_loop3A_399 = arith.mulf %parallel_loop3A_398, %parallel_loop3A_392 : vector<16xf32>
      %parallel_loop3A_400 = arith.constant -0.00138589158 : f32
      %parallel_loop3A_401 = vector.broadcast %parallel_loop3A_400 : f32 to vector<16xf32>
      %parallel_loop3A_402 = arith.addf %parallel_loop3A_399, %parallel_loop3A_401 : vector<16xf32>
      %parallel_loop3A_403 = arith.mulf %parallel_loop3A_402, %parallel_loop3A_392 : vector<16xf32>
      %parallel_loop3A_404 = arith.constant 0.0416598208 : f32
      %parallel_loop3A_405 = vector.broadcast %parallel_loop3A_404 : f32 to vector<16xf32>
      %parallel_loop3A_406 = arith.addf %parallel_loop3A_403, %parallel_loop3A_405 : vector<16xf32>
      %parallel_loop3A_407 = arith.mulf %parallel_loop3A_406, %parallel_loop3A_392 : vector<16xf32>
      %parallel_loop3A_408 = arith.constant -0.499994278 : f32
      %parallel_loop3A_409 = vector.broadcast %parallel_loop3A_408 : f32 to vector<16xf32>
      %parallel_loop3A_410 = arith.addf %parallel_loop3A_407, %parallel_loop3A_409 : vector<16xf32>
      %parallel_loop3A_411 = arith.mulf %parallel_loop3A_410, %parallel_loop3A_392 : vector<16xf32>
      %parallel_loop3A_412 = arith.constant 0.999999225 : f32
      %parallel_loop3A_413 = vector.broadcast %parallel_loop3A_412 : f32 to vector<16xf32>
      %parallel_loop3A_414 = arith.addf %parallel_loop3A_411, %parallel_loop3A_413 : vector<16xf32>
      %parallel_loop3A_415 = arith.mulf %parallel_loop3A_285, %parallel_loop3A_301 : vector<16xf32>
      %parallel_loop3A_416 = arith.addf %parallel_loop3A_317, %parallel_loop3A_333 : vector<16xf32>
      %parallel_loop3A_417 = arith.constant 0 : i32
      %parallel_loop3A_418 = arith.index_cast %parallel_loop3A_417 : i32 to index
      %parallel_loop3A_419 = arith.index_cast %parallel_loop3A_124 : i32 to index
      %parallel_loop3A_420 = tpu.vector_load %arg10[%parallel_loop3A_418, %parallel_loop3A_419] {strides = array<i32>} : memref<16x512xi32, #tpu.memory_space<vmem>>, vector<16xi32>,
      %parallel_loop3A_421 = arith.constant 0 : i32
      %parallel_loop3A_422 = vector.broadcast %parallel_loop3A_421 : i32 to vector<16xi32>
      %parallel_loop3A_423 = arith.cmpi eq, %parallel_loop3A_420, %parallel_loop3A_422 : vector<16xi32>
      %parallel_loop3A_424 = arith.constant 1 : i32
      %parallel_loop3A_425 = vector.broadcast %parallel_loop3A_424 : i32 to vector<16xi32>
      %parallel_loop3A_426 = arith.cmpi eq, %parallel_loop3A_420, %parallel_loop3A_425 : vector<16xi32>
      %parallel_loop3A_427 = arith.constant 2 : i32
      %parallel_loop3A_428 = vector.broadcast %parallel_loop3A_427 : i32 to vector<16xi32>
      %parallel_loop3A_429 = arith.cmpi eq, %parallel_loop3A_420, %parallel_loop3A_428 : vector<16xi32>
      %parallel_loop3A_430 = arith.select %parallel_loop3A_429, %parallel_loop3A_415, %parallel_loop3A_416 : vector<16xi1>, vector<16xf32>
      %parallel_loop3A_431 = arith.select %parallel_loop3A_426, %parallel_loop3A_414, %parallel_loop3A_430 : vector<16xi1>, vector<16xf32>
      %parallel_loop3A_432 = arith.select %parallel_loop3A_423, %parallel_loop3A_374, %parallel_loop3A_431 : vector<16xi1>, vector<16xf32>
      %parallel_loop3A_433 = arith.constant 0 : i32
      %parallel_loop3A_434 = arith.index_cast %parallel_loop3A_433 : i32 to index
      %parallel_loop3A_435 = arith.index_cast %parallel_loop3A_124 : i32 to index
      %parallel_loop3A_436 = tpu.vector_load %arg11[%parallel_loop3A_434, %parallel_loop3A_435] {strides = array<i32>} : memref<16x512xf32, #tpu.memory_space<vmem>>, vector<16xf32>,
      tpu.vector_store %arg11[%parallel_loop3A_434, %parallel_loop3A_435], %parallel_loop3A_432 {strides = array<i32>} : memref<16x512xf32, #tpu.memory_space<vmem>>, vector<16xf32>,
      %parallel_loop3A_437 = arith.constant 1 : i32
      %parallel_loop3A_438 = arith.index_cast %parallel_loop3A_437 : i32 to index
      %parallel_loop3A_439 = arith.index_cast %parallel_loop3A_124 : i32 to index
      %parallel_loop3A_440 = tpu.vector_load %arg10[%parallel_loop3A_438, %parallel_loop3A_439] {strides = array<i32>} : memref<16x512xi32, #tpu.memory_space<vmem>>, vector<16xi32>,
      %parallel_loop3A_441 = arith.constant 0 : i32
      %parallel_loop3A_442 = vector.broadcast %parallel_loop3A_441 : i32 to vector<16xi32>
      %parallel_loop3A_443 = arith.cmpi eq, %parallel_loop3A_440, %parallel_loop3A_442 : vector<16xi32>
      %parallel_loop3A_444 = arith.constant 1 : i32
      %parallel_loop3A_445 = vector.broadcast %parallel_loop3A_444 : i32 to vector<16xi32>
      %parallel_loop3A_446 = arith.cmpi eq, %parallel_loop3A_440, %parallel_loop3A_445 : vector<16xi32>
      %parallel_loop3A_447 = arith.constant 2 : i32
      %parallel_loop3A_448 = vector.broadcast %parallel_loop3A_447 : i32 to vector<16xi32>
      %parallel_loop3A_449 = arith.cmpi eq, %parallel_loop3A_440, %parallel_loop3A_448 : vector<16xi32>
      %parallel_loop3A_450 = arith.select %parallel_loop3A_449, %parallel_loop3A_415, %parallel_loop3A_416 : vector<16xi1>, vector<16xf32>
      %parallel_loop3A_451 = arith.select %parallel_loop3A_446, %parallel_loop3A_414, %parallel_loop3A_450 : vector<16xi1>, vector<16xf32>
      %parallel_loop3A_452 = arith.select %parallel_loop3A_443, %parallel_loop3A_374, %parallel_loop3A_451 : vector<16xi1>, vector<16xf32>
      %parallel_loop3A_453 = arith.constant 1 : i32
      %parallel_loop3A_454 = arith.index_cast %parallel_loop3A_453 : i32 to index
      %parallel_loop3A_455 = arith.index_cast %parallel_loop3A_124 : i32 to index
      %parallel_loop3A_456 = tpu.vector_load %arg11[%parallel_loop3A_454, %parallel_loop3A_455] {strides = array<i32>} : memref<16x512xf32, #tpu.memory_space<vmem>>, vector<16xf32>,
      tpu.vector_store %arg11[%parallel_loop3A_454, %parallel_loop3A_455], %parallel_loop3A_452 {strides = array<i32>} : memref<16x512xf32, #tpu.memory_space<vmem>>, vector<16xf32>,
      %parallel_loop3A_457 = arith.constant 2 : i32
      %parallel_loop3A_458 = arith.index_cast %parallel_loop3A_457 : i32 to index
      %parallel_loop3A_459 = arith.index_cast %parallel_loop3A_124 : i32 to index
      %parallel_loop3A_460 = tpu.vector_load %arg10[%parallel_loop3A_458, %parallel_loop3A_459] {strides = array<i32>} : memref<16x512xi32, #tpu.memory_space<vmem>>, vector<16xi32>,
      %parallel_loop3A_461 = arith.constant 0 : i32
      %parallel_loop3A_462 = vector.broadcast %parallel_loop3A_461 : i32 to vector<16xi32>
      %parallel_loop3A_463 = arith.cmpi eq, %parallel_loop3A_460, %parallel_loop3A_462 : vector<16xi32>
      %parallel_loop3A_464 = arith.constant 1 : i32
      %parallel_loop3A_465 = vector.broadcast %parallel_loop3A_464 : i32 to vector<16xi32>
      %parallel_loop3A_466 = arith.cmpi eq, %parallel_loop3A_460, %parallel_loop3A_465 : vector<16xi32>
      %parallel_loop3A_467 = arith.constant 2 : i32
      %parallel_loop3A_468 = vector.broadcast %parallel_loop3A_467 : i32 to vector<16xi32>
      %parallel_loop3A_469 = arith.cmpi eq, %parallel_loop3A_460, %parallel_loop3A_468 : vector<16xi32>
      %parallel_loop3A_470 = arith.select %parallel_loop3A_469, %parallel_loop3A_415, %parallel_loop3A_416 : vector<16xi1>, vector<16xf32>
      %parallel_loop3A_471 = arith.select %parallel_loop3A_466, %parallel_loop3A_414, %parallel_loop3A_470 : vector<16xi1>, vector<16xf32>
      %parallel_loop3A_472 = arith.select %parallel_loop3A_463, %parallel_loop3A_374, %parallel_loop3A_471 : vector<16xi1>, vector<16xf32>
      %parallel_loop3A_473 = arith.constant 2 : i32
      %parallel_loop3A_474 = arith.index_cast %parallel_loop3A_473 : i32 to index
      %parallel_loop3A_475 = arith.index_cast %parallel_loop3A_124 : i32 to index
      %parallel_loop3A_476 = tpu.vector_load %arg11[%parallel_loop3A_474, %parallel_loop3A_475] {strides = array<i32>} : memref<16x512xf32, #tpu.memory_space<vmem>>, vector<16xf32>,
      tpu.vector_store %arg11[%parallel_loop3A_474, %parallel_loop3A_475], %parallel_loop3A_472 {strides = array<i32>} : memref<16x512xf32, #tpu.memory_space<vmem>>, vector<16xf32>,
      %parallel_loop3A_477 = arith.constant 3 : i32
      %parallel_loop3A_478 = arith.index_cast %parallel_loop3A_477 : i32 to index
      %parallel_loop3A_479 = arith.index_cast %parallel_loop3A_124 : i32 to index
      %parallel_loop3A_480 = tpu.vector_load %arg10[%parallel_loop3A_478, %parallel_loop3A_479] {strides = array<i32>} : memref<16x512xi32, #tpu.memory_space<vmem>>, vector<16xi32>,
      %parallel_loop3A_481 = arith.constant 0 : i32
      %parallel_loop3A_482 = vector.broadcast %parallel_loop3A_481 : i32 to vector<16xi32>
      %parallel_loop3A_483 = arith.cmpi eq, %parallel_loop3A_480, %parallel_loop3A_482 : vector<16xi32>
      %parallel_loop3A_484 = arith.constant 1 : i32
      %parallel_loop3A_485 = vector.broadcast %parallel_loop3A_484 : i32 to vector<16xi32>
      %parallel_loop3A_486 = arith.cmpi eq, %parallel_loop3A_480, %parallel_loop3A_485 : vector<16xi32>
      %parallel_loop3A_487 = arith.constant 2 : i32
      %parallel_loop3A_488 = vector.broadcast %parallel_loop3A_487 : i32 to vector<16xi32>
      %parallel_loop3A_489 = arith.cmpi eq, %parallel_loop3A_480, %parallel_loop3A_488 : vector<16xi32>
      %parallel_loop3A_490 = arith.select %parallel_loop3A_489, %parallel_loop3A_415, %parallel_loop3A_416 : vector<16xi1>, vector<16xf32>
      %parallel_loop3A_491 = arith.select %parallel_loop3A_486, %parallel_loop3A_414, %parallel_loop3A_490 : vector<16xi1>, vector<16xf32>
      %parallel_loop3A_492 = arith.select %parallel_loop3A_483, %parallel_loop3A_374, %parallel_loop3A_491 : vector<16xi1>, vector<16xf32>
      %parallel_loop3A_493 = arith.constant 3 : i32
      %parallel_loop3A_494 = arith.index_cast %parallel_loop3A_493 : i32 to index
      %parallel_loop3A_495 = arith.index_cast %parallel_loop3A_124 : i32 to index
      %parallel_loop3A_496 = tpu.vector_load %arg11[%parallel_loop3A_494, %parallel_loop3A_495] {strides = array<i32>} : memref<16x512xf32, #tpu.memory_space<vmem>>, vector<16xf32>,
      tpu.vector_store %arg11[%parallel_loop3A_494, %parallel_loop3A_495], %parallel_loop3A_492 {strides = array<i32>} : memref<16x512xf32, #tpu.memory_space<vmem>>, vector<16xf32>,
      %parallel_loop3A_497 = arith.constant 4 : i32
      %parallel_loop3A_498 = arith.index_cast %parallel_loop3A_497 : i32 to index
      %parallel_loop3A_499 = arith.index_cast %parallel_loop3A_124 : i32 to index
      %parallel_loop3A_500 = tpu.vector_load %arg10[%parallel_loop3A_498, %parallel_loop3A_499] {strides = array<i32>} : memref<16x512xi32, #tpu.memory_space<vmem>>, vector<16xi32>,
      %parallel_loop3A_501 = arith.constant 0 : i32
      %parallel_loop3A_502 = vector.broadcast %parallel_loop3A_501 : i32 to vector<16xi32>
      %parallel_loop3A_503 = arith.cmpi eq, %parallel_loop3A_500, %parallel_loop3A_502 : vector<16xi32>
      %parallel_loop3A_504 = arith.constant 1 : i32
      %parallel_loop3A_505 = vector.broadcast %parallel_loop3A_504 : i32 to vector<16xi32>
      %parallel_loop3A_506 = arith.cmpi eq, %parallel_loop3A_500, %parallel_loop3A_505 : vector<16xi32>
      %parallel_loop3A_507 = arith.constant 2 : i32
      %parallel_loop3A_508 = vector.broadcast %parallel_loop3A_507 : i32 to vector<16xi32>
      %parallel_loop3A_509 = arith.cmpi eq, %parallel_loop3A_500, %parallel_loop3A_508 : vector<16xi32>
      %parallel_loop3A_510 = arith.select %parallel_loop3A_509, %parallel_loop3A_415, %parallel_loop3A_416 : vector<16xi1>, vector<16xf32>
      %parallel_loop3A_511 = arith.select %parallel_loop3A_506, %parallel_loop3A_414, %parallel_loop3A_510 : vector<16xi1>, vector<16xf32>
      %parallel_loop3A_512 = arith.select %parallel_loop3A_503, %parallel_loop3A_374, %parallel_loop3A_511 : vector<16xi1>, vector<16xf32>
      %parallel_loop3A_513 = arith.constant 4 : i32
      %parallel_loop3A_514 = arith.index_cast %parallel_loop3A_513 : i32 to index
      %parallel_loop3A_515 = arith.index_cast %parallel_loop3A_124 : i32 to index
      %parallel_loop3A_516 = tpu.vector_load %arg11[%parallel_loop3A_514, %parallel_loop3A_515] {strides = array<i32>} : memref<16x512xf32, #tpu.memory_space<vmem>>, vector<16xf32>,
      tpu.vector_store %arg11[%parallel_loop3A_514, %parallel_loop3A_515], %parallel_loop3A_512 {strides = array<i32>} : memref<16x512xf32, #tpu.memory_space<vmem>>, vector<16xf32>,
      %parallel_loop3A_517 = arith.constant 5 : i32
      %parallel_loop3A_518 = arith.index_cast %parallel_loop3A_517 : i32 to index
      %parallel_loop3A_519 = arith.index_cast %parallel_loop3A_124 : i32 to index
      %parallel_loop3A_520 = tpu.vector_load %arg10[%parallel_loop3A_518, %parallel_loop3A_519] {strides = array<i32>} : memref<16x512xi32, #tpu.memory_space<vmem>>, vector<16xi32>,
      %parallel_loop3A_521 = arith.constant 0 : i32
      %parallel_loop3A_522 = vector.broadcast %parallel_loop3A_521 : i32 to vector<16xi32>
      %parallel_loop3A_523 = arith.cmpi eq, %parallel_loop3A_520, %parallel_loop3A_522 : vector<16xi32>
      %parallel_loop3A_524 = arith.constant 1 : i32
      %parallel_loop3A_525 = vector.broadcast %parallel_loop3A_524 : i32 to vector<16xi32>
      %parallel_loop3A_526 = arith.cmpi eq, %parallel_loop3A_520, %parallel_loop3A_525 : vector<16xi32>
      %parallel_loop3A_527 = arith.constant 2 : i32
      %parallel_loop3A_528 = vector.broadcast %parallel_loop3A_527 : i32 to vector<16xi32>
      %parallel_loop3A_529 = arith.cmpi eq, %parallel_loop3A_520, %parallel_loop3A_528 : vector<16xi32>
      %parallel_loop3A_530 = arith.select %parallel_loop3A_529, %parallel_loop3A_415, %parallel_loop3A_416 : vector<16xi1>, vector<16xf32>
      %parallel_loop3A_531 = arith.select %parallel_loop3A_526, %parallel_loop3A_414, %parallel_loop3A_530 : vector<16xi1>, vector<16xf32>
      %parallel_loop3A_532 = arith.select %parallel_loop3A_523, %parallel_loop3A_374, %parallel_loop3A_531 : vector<16xi1>, vector<16xf32>
      %parallel_loop3A_533 = arith.constant 5 : i32
      %parallel_loop3A_534 = arith.index_cast %parallel_loop3A_533 : i32 to index
      %parallel_loop3A_535 = arith.index_cast %parallel_loop3A_124 : i32 to index
      %parallel_loop3A_536 = tpu.vector_load %arg11[%parallel_loop3A_534, %parallel_loop3A_535] {strides = array<i32>} : memref<16x512xf32, #tpu.memory_space<vmem>>, vector<16xf32>,
      tpu.vector_store %arg11[%parallel_loop3A_534, %parallel_loop3A_535], %parallel_loop3A_532 {strides = array<i32>} : memref<16x512xf32, #tpu.memory_space<vmem>>, vector<16xf32>,
      %parallel_loop3A_537 = arith.constant 6 : i32
      %parallel_loop3A_538 = arith.index_cast %parallel_loop3A_537 : i32 to index
      %parallel_loop3A_539 = arith.index_cast %parallel_loop3A_124 : i32 to index
      %parallel_loop3A_540 = tpu.vector_load %arg10[%parallel_loop3A_538, %parallel_loop3A_539] {strides = array<i32>} : memref<16x512xi32, #tpu.memory_space<vmem>>, vector<16xi32>,
      %parallel_loop3A_541 = arith.constant 0 : i32
      %parallel_loop3A_542 = vector.broadcast %parallel_loop3A_541 : i32 to vector<16xi32>
      %parallel_loop3A_543 = arith.cmpi eq, %parallel_loop3A_540, %parallel_loop3A_542 : vector<16xi32>
      %parallel_loop3A_544 = arith.constant 1 : i32
      %parallel_loop3A_545 = vector.broadcast %parallel_loop3A_544 : i32 to vector<16xi32>
      %parallel_loop3A_546 = arith.cmpi eq, %parallel_loop3A_540, %parallel_loop3A_545 : vector<16xi32>
      %parallel_loop3A_547 = arith.constant 2 : i32
      %parallel_loop3A_548 = vector.broadcast %parallel_loop3A_547 : i32 to vector<16xi32>
      %parallel_loop3A_549 = arith.cmpi eq, %parallel_loop3A_540, %parallel_loop3A_548 : vector<16xi32>
      %parallel_loop3A_550 = arith.select %parallel_loop3A_549, %parallel_loop3A_415, %parallel_loop3A_416 : vector<16xi1>, vector<16xf32>
      %parallel_loop3A_551 = arith.select %parallel_loop3A_546, %parallel_loop3A_414, %parallel_loop3A_550 : vector<16xi1>, vector<16xf32>
      %parallel_loop3A_552 = arith.select %parallel_loop3A_543, %parallel_loop3A_374, %parallel_loop3A_551 : vector<16xi1>, vector<16xf32>
      %parallel_loop3A_553 = arith.constant 6 : i32
      %parallel_loop3A_554 = arith.index_cast %parallel_loop3A_553 : i32 to index
      %parallel_loop3A_555 = arith.index_cast %parallel_loop3A_124 : i32 to index
      %parallel_loop3A_556 = tpu.vector_load %arg11[%parallel_loop3A_554, %parallel_loop3A_555] {strides = array<i32>} : memref<16x512xf32, #tpu.memory_space<vmem>>, vector<16xf32>,
      tpu.vector_store %arg11[%parallel_loop3A_554, %parallel_loop3A_555], %parallel_loop3A_552 {strides = array<i32>} : memref<16x512xf32, #tpu.memory_space<vmem>>, vector<16xf32>,
      %parallel_loop3A_557 = arith.constant 7 : i32
      %parallel_loop3A_558 = arith.index_cast %parallel_loop3A_557 : i32 to index
      %parallel_loop3A_559 = arith.index_cast %parallel_loop3A_124 : i32 to index
      %parallel_loop3A_560 = tpu.vector_load %arg10[%parallel_loop3A_558, %parallel_loop3A_559] {strides = array<i32>} : memref<16x512xi32, #tpu.memory_space<vmem>>, vector<16xi32>,
      %parallel_loop3A_561 = arith.constant 0 : i32
      %parallel_loop3A_562 = vector.broadcast %parallel_loop3A_561 : i32 to vector<16xi32>
      %parallel_loop3A_563 = arith.cmpi eq, %parallel_loop3A_560, %parallel_loop3A_562 : vector<16xi32>
      %parallel_loop3A_564 = arith.constant 1 : i32
      %parallel_loop3A_565 = vector.broadcast %parallel_loop3A_564 : i32 to vector<16xi32>
      %parallel_loop3A_566 = arith.cmpi eq, %parallel_loop3A_560, %parallel_loop3A_565 : vector<16xi32>
      %parallel_loop3A_567 = arith.constant 2 : i32
      %parallel_loop3A_568 = vector.broadcast %parallel_loop3A_567 : i32 to vector<16xi32>
      %parallel_loop3A_569 = arith.cmpi eq, %parallel_loop3A_560, %parallel_loop3A_568 : vector<16xi32>
      %parallel_loop3A_570 = arith.select %parallel_loop3A_569, %parallel_loop3A_415, %parallel_loop3A_416 : vector<16xi1>, vector<16xf32>
      %parallel_loop3A_571 = arith.select %parallel_loop3A_566, %parallel_loop3A_414, %parallel_loop3A_570 : vector<16xi1>, vector<16xf32>
      %parallel_loop3A_572 = arith.select %parallel_loop3A_563, %parallel_loop3A_374, %parallel_loop3A_571 : vector<16xi1>, vector<16xf32>
      %parallel_loop3A_573 = arith.constant 7 : i32
      %parallel_loop3A_574 = arith.index_cast %parallel_loop3A_573 : i32 to index
      %parallel_loop3A_575 = arith.index_cast %parallel_loop3A_124 : i32 to index
      %parallel_loop3A_576 = tpu.vector_load %arg11[%parallel_loop3A_574, %parallel_loop3A_575] {strides = array<i32>} : memref<16x512xf32, #tpu.memory_space<vmem>>, vector<16xf32>,
      tpu.vector_store %arg11[%parallel_loop3A_574, %parallel_loop3A_575], %parallel_loop3A_572 {strides = array<i32>} : memref<16x512xf32, #tpu.memory_space<vmem>>, vector<16xf32>,
      %parallel_loop3A_577 = arith.constant 8 : i32
      %parallel_loop3A_578 = arith.index_cast %parallel_loop3A_577 : i32 to index
      %parallel_loop3A_579 = arith.index_cast %parallel_loop3A_124 : i32 to index
      %parallel_loop3A_580 = tpu.vector_load %arg10[%parallel_loop3A_578, %parallel_loop3A_579] {strides = array<i32>} : memref<16x512xi32, #tpu.memory_space<vmem>>, vector<16xi32>,
      %parallel_loop3A_581 = arith.constant 0 : i32
      %parallel_loop3A_582 = vector.broadcast %parallel_loop3A_581 : i32 to vector<16xi32>
      %parallel_loop3A_583 = arith.cmpi eq, %parallel_loop3A_580, %parallel_loop3A_582 : vector<16xi32>
      %parallel_loop3A_584 = arith.constant 1 : i32
      %parallel_loop3A_585 = vector.broadcast %parallel_loop3A_584 : i32 to vector<16xi32>
      %parallel_loop3A_586 = arith.cmpi eq, %parallel_loop3A_580, %parallel_loop3A_585 : vector<16xi32>
      %parallel_loop3A_587 = arith.constant 2 : i32
      %parallel_loop3A_588 = vector.broadcast %parallel_loop3A_587 : i32 to vector<16xi32>
      %parallel_loop3A_589 = arith.cmpi eq, %parallel_loop3A_580, %parallel_loop3A_588 : vector<16xi32>
      %parallel_loop3A_590 = arith.select %parallel_loop3A_589, %parallel_loop3A_415, %parallel_loop3A_416 : vector<16xi1>, vector<16xf32>
      %parallel_loop3A_591 = arith.select %parallel_loop3A_586, %parallel_loop3A_414, %parallel_loop3A_590 : vector<16xi1>, vector<16xf32>
      %parallel_loop3A_592 = arith.select %parallel_loop3A_583, %parallel_loop3A_374, %parallel_loop3A_591 : vector<16xi1>, vector<16xf32>
      %parallel_loop3A_593 = arith.constant 8 : i32
      %parallel_loop3A_594 = arith.index_cast %parallel_loop3A_593 : i32 to index
      %parallel_loop3A_595 = arith.index_cast %parallel_loop3A_124 : i32 to index
      %parallel_loop3A_596 = tpu.vector_load %arg11[%parallel_loop3A_594, %parallel_loop3A_595] {strides = array<i32>} : memref<16x512xf32, #tpu.memory_space<vmem>>, vector<16xf32>,
      tpu.vector_store %arg11[%parallel_loop3A_594, %parallel_loop3A_595], %parallel_loop3A_592 {strides = array<i32>} : memref<16x512xf32, #tpu.memory_space<vmem>>, vector<16xf32>,
      %parallel_loop3A_597 = arith.constant 9 : i32
      %parallel_loop3A_598 = arith.index_cast %parallel_loop3A_597 : i32 to index
      %parallel_loop3A_599 = arith.index_cast %parallel_loop3A_124 : i32 to index
      %parallel_loop3A_600 = tpu.vector_load %arg10[%parallel_loop3A_598, %parallel_loop3A_599] {strides = array<i32>} : memref<16x512xi32, #tpu.memory_space<vmem>>, vector<16xi32>,
      %parallel_loop3A_601 = arith.constant 0 : i32
      %parallel_loop3A_602 = vector.broadcast %parallel_loop3A_601 : i32 to vector<16xi32>
      %parallel_loop3A_603 = arith.cmpi eq, %parallel_loop3A_600, %parallel_loop3A_602 : vector<16xi32>
      %parallel_loop3A_604 = arith.constant 1 : i32
      %parallel_loop3A_605 = vector.broadcast %parallel_loop3A_604 : i32 to vector<16xi32>
      %parallel_loop3A_606 = arith.cmpi eq, %parallel_loop3A_600, %parallel_loop3A_605 : vector<16xi32>
      %parallel_loop3A_607 = arith.constant 2 : i32
      %parallel_loop3A_608 = vector.broadcast %parallel_loop3A_607 : i32 to vector<16xi32>
      %parallel_loop3A_609 = arith.cmpi eq, %parallel_loop3A_600, %parallel_loop3A_608 : vector<16xi32>
      %parallel_loop3A_610 = arith.select %parallel_loop3A_609, %parallel_loop3A_415, %parallel_loop3A_416 : vector<16xi1>, vector<16xf32>
      %parallel_loop3A_611 = arith.select %parallel_loop3A_606, %parallel_loop3A_414, %parallel_loop3A_610 : vector<16xi1>, vector<16xf32>
      %parallel_loop3A_612 = arith.select %parallel_loop3A_603, %parallel_loop3A_374, %parallel_loop3A_611 : vector<16xi1>, vector<16xf32>
      %parallel_loop3A_613 = arith.constant 9 : i32
      %parallel_loop3A_614 = arith.index_cast %parallel_loop3A_613 : i32 to index
      %parallel_loop3A_615 = arith.index_cast %parallel_loop3A_124 : i32 to index
      %parallel_loop3A_616 = tpu.vector_load %arg11[%parallel_loop3A_614, %parallel_loop3A_615] {strides = array<i32>} : memref<16x512xf32, #tpu.memory_space<vmem>>, vector<16xf32>,
      tpu.vector_store %arg11[%parallel_loop3A_614, %parallel_loop3A_615], %parallel_loop3A_612 {strides = array<i32>} : memref<16x512xf32, #tpu.memory_space<vmem>>, vector<16xf32>,
      %parallel_loop3A_617 = arith.constant 10 : i32
      %parallel_loop3A_618 = arith.index_cast %parallel_loop3A_617 : i32 to index
      %parallel_loop3A_619 = arith.index_cast %parallel_loop3A_124 : i32 to index
      %parallel_loop3A_620 = tpu.vector_load %arg10[%parallel_loop3A_618, %parallel_loop3A_619] {strides = array<i32>} : memref<16x512xi32, #tpu.memory_space<vmem>>, vector<16xi32>,
      %parallel_loop3A_621 = arith.constant 0 : i32
      %parallel_loop3A_622 = vector.broadcast %parallel_loop3A_621 : i32 to vector<16xi32>
      %parallel_loop3A_623 = arith.cmpi eq, %parallel_loop3A_620, %parallel_loop3A_622 : vector<16xi32>
      %parallel_loop3A_624 = arith.constant 1 : i32
      %parallel_loop3A_625 = vector.broadcast %parallel_loop3A_624 : i32 to vector<16xi32>
      %parallel_loop3A_626 = arith.cmpi eq, %parallel_loop3A_620, %parallel_loop3A_625 : vector<16xi32>
      %parallel_loop3A_627 = arith.constant 2 : i32
      %parallel_loop3A_628 = vector.broadcast %parallel_loop3A_627 : i32 to vector<16xi32>
      %parallel_loop3A_629 = arith.cmpi eq, %parallel_loop3A_620, %parallel_loop3A_628 : vector<16xi32>
      %parallel_loop3A_630 = arith.select %parallel_loop3A_629, %parallel_loop3A_415, %parallel_loop3A_416 : vector<16xi1>, vector<16xf32>
      %parallel_loop3A_631 = arith.select %parallel_loop3A_626, %parallel_loop3A_414, %parallel_loop3A_630 : vector<16xi1>, vector<16xf32>
      %parallel_loop3A_632 = arith.select %parallel_loop3A_623, %parallel_loop3A_374, %parallel_loop3A_631 : vector<16xi1>, vector<16xf32>
      %parallel_loop3A_633 = arith.constant 10 : i32
      %parallel_loop3A_634 = arith.index_cast %parallel_loop3A_633 : i32 to index
      %parallel_loop3A_635 = arith.index_cast %parallel_loop3A_124 : i32 to index
      %parallel_loop3A_636 = tpu.vector_load %arg11[%parallel_loop3A_634, %parallel_loop3A_635] {strides = array<i32>} : memref<16x512xf32, #tpu.memory_space<vmem>>, vector<16xf32>,
      tpu.vector_store %arg11[%parallel_loop3A_634, %parallel_loop3A_635], %parallel_loop3A_632 {strides = array<i32>} : memref<16x512xf32, #tpu.memory_space<vmem>>, vector<16xf32>,
      %parallel_loop3A_637 = arith.constant 11 : i32
      %parallel_loop3A_638 = arith.index_cast %parallel_loop3A_637 : i32 to index
      %parallel_loop3A_639 = arith.index_cast %parallel_loop3A_124 : i32 to index
      %parallel_loop3A_640 = tpu.vector_load %arg10[%parallel_loop3A_638, %parallel_loop3A_639] {strides = array<i32>} : memref<16x512xi32, #tpu.memory_space<vmem>>, vector<16xi32>,
      %parallel_loop3A_641 = arith.constant 0 : i32
      %parallel_loop3A_642 = vector.broadcast %parallel_loop3A_641 : i32 to vector<16xi32>
      %parallel_loop3A_643 = arith.cmpi eq, %parallel_loop3A_640, %parallel_loop3A_642 : vector<16xi32>
      %parallel_loop3A_644 = arith.constant 1 : i32
      %parallel_loop3A_645 = vector.broadcast %parallel_loop3A_644 : i32 to vector<16xi32>
      %parallel_loop3A_646 = arith.cmpi eq, %parallel_loop3A_640, %parallel_loop3A_645 : vector<16xi32>
      %parallel_loop3A_647 = arith.constant 2 : i32
      %parallel_loop3A_648 = vector.broadcast %parallel_loop3A_647 : i32 to vector<16xi32>
      %parallel_loop3A_649 = arith.cmpi eq, %parallel_loop3A_640, %parallel_loop3A_648 : vector<16xi32>
      %parallel_loop3A_650 = arith.select %parallel_loop3A_649, %parallel_loop3A_415, %parallel_loop3A_416 : vector<16xi1>, vector<16xf32>
      %parallel_loop3A_651 = arith.select %parallel_loop3A_646, %parallel_loop3A_414, %parallel_loop3A_650 : vector<16xi1>, vector<16xf32>
      %parallel_loop3A_652 = arith.select %parallel_loop3A_643, %parallel_loop3A_374, %parallel_loop3A_651 : vector<16xi1>, vector<16xf32>
      %parallel_loop3A_653 = arith.constant 11 : i32
      %parallel_loop3A_654 = arith.index_cast %parallel_loop3A_653 : i32 to index
      %parallel_loop3A_655 = arith.index_cast %parallel_loop3A_124 : i32 to index
      %parallel_loop3A_656 = tpu.vector_load %arg11[%parallel_loop3A_654, %parallel_loop3A_655] {strides = array<i32>} : memref<16x512xf32, #tpu.memory_space<vmem>>, vector<16xf32>,
      tpu.vector_store %arg11[%parallel_loop3A_654, %parallel_loop3A_655], %parallel_loop3A_652 {strides = array<i32>} : memref<16x512xf32, #tpu.memory_space<vmem>>, vector<16xf32>,
      %parallel_loop3A_657 = arith.constant 12 : i32
      %parallel_loop3A_658 = arith.index_cast %parallel_loop3A_657 : i32 to index
      %parallel_loop3A_659 = arith.index_cast %parallel_loop3A_124 : i32 to index
      %parallel_loop3A_660 = tpu.vector_load %arg10[%parallel_loop3A_658, %parallel_loop3A_659] {strides = array<i32>} : memref<16x512xi32, #tpu.memory_space<vmem>>, vector<16xi32>,
      %parallel_loop3A_661 = arith.constant 0 : i32
      %parallel_loop3A_662 = vector.broadcast %parallel_loop3A_661 : i32 to vector<16xi32>
      %parallel_loop3A_663 = arith.cmpi eq, %parallel_loop3A_660, %parallel_loop3A_662 : vector<16xi32>
      %parallel_loop3A_664 = arith.constant 1 : i32
      %parallel_loop3A_665 = vector.broadcast %parallel_loop3A_664 : i32 to vector<16xi32>
      %parallel_loop3A_666 = arith.cmpi eq, %parallel_loop3A_660, %parallel_loop3A_665 : vector<16xi32>
      %parallel_loop3A_667 = arith.constant 2 : i32
      %parallel_loop3A_668 = vector.broadcast %parallel_loop3A_667 : i32 to vector<16xi32>
      %parallel_loop3A_669 = arith.cmpi eq, %parallel_loop3A_660, %parallel_loop3A_668 : vector<16xi32>
      %parallel_loop3A_670 = arith.select %parallel_loop3A_669, %parallel_loop3A_415, %parallel_loop3A_416 : vector<16xi1>, vector<16xf32>
      %parallel_loop3A_671 = arith.select %parallel_loop3A_666, %parallel_loop3A_414, %parallel_loop3A_670 : vector<16xi1>, vector<16xf32>
      %parallel_loop3A_672 = arith.select %parallel_loop3A_663, %parallel_loop3A_374, %parallel_loop3A_671 : vector<16xi1>, vector<16xf32>
      %parallel_loop3A_673 = arith.constant 12 : i32
      %parallel_loop3A_674 = arith.index_cast %parallel_loop3A_673 : i32 to index
      %parallel_loop3A_675 = arith.index_cast %parallel_loop3A_124 : i32 to index
      %parallel_loop3A_676 = tpu.vector_load %arg11[%parallel_loop3A_674, %parallel_loop3A_675] {strides = array<i32>} : memref<16x512xf32, #tpu.memory_space<vmem>>, vector<16xf32>,
      tpu.vector_store %arg11[%parallel_loop3A_674, %parallel_loop3A_675], %parallel_loop3A_672 {strides = array<i32>} : memref<16x512xf32, #tpu.memory_space<vmem>>, vector<16xf32>,
      %parallel_loop3A_677 = arith.constant 13 : i32
      %parallel_loop3A_678 = arith.index_cast %parallel_loop3A_677 : i32 to index
      %parallel_loop3A_679 = arith.index_cast %parallel_loop3A_124 : i32 to index
      %parallel_loop3A_680 = tpu.vector_load %arg10[%parallel_loop3A_678, %parallel_loop3A_679] {strides = array<i32>} : memref<16x512xi32, #tpu.memory_space<vmem>>, vector<16xi32>,
      %parallel_loop3A_681 = arith.constant 0 : i32
      %parallel_loop3A_682 = vector.broadcast %parallel_loop3A_681 : i32 to vector<16xi32>
      %parallel_loop3A_683 = arith.cmpi eq, %parallel_loop3A_680, %parallel_loop3A_682 : vector<16xi32>
      %parallel_loop3A_684 = arith.constant 1 : i32
      %parallel_loop3A_685 = vector.broadcast %parallel_loop3A_684 : i32 to vector<16xi32>
      %parallel_loop3A_686 = arith.cmpi eq, %parallel_loop3A_680, %parallel_loop3A_685 : vector<16xi32>
      %parallel_loop3A_687 = arith.constant 2 : i32
      %parallel_loop3A_688 = vector.broadcast %parallel_loop3A_687 : i32 to vector<16xi32>
      %parallel_loop3A_689 = arith.cmpi eq, %parallel_loop3A_680, %parallel_loop3A_688 : vector<16xi32>
      %parallel_loop3A_690 = arith.select %parallel_loop3A_689, %parallel_loop3A_415, %parallel_loop3A_416 : vector<16xi1>, vector<16xf32>
      %parallel_loop3A_691 = arith.select %parallel_loop3A_686, %parallel_loop3A_414, %parallel_loop3A_690 : vector<16xi1>, vector<16xf32>
      %parallel_loop3A_692 = arith.select %parallel_loop3A_683, %parallel_loop3A_374, %parallel_loop3A_691 : vector<16xi1>, vector<16xf32>
      %parallel_loop3A_693 = arith.constant 13 : i32
      %parallel_loop3A_694 = arith.index_cast %parallel_loop3A_693 : i32 to index
      %parallel_loop3A_695 = arith.index_cast %parallel_loop3A_124 : i32 to index
      %parallel_loop3A_696 = tpu.vector_load %arg11[%parallel_loop3A_694, %parallel_loop3A_695] {strides = array<i32>} : memref<16x512xf32, #tpu.memory_space<vmem>>, vector<16xf32>,
      tpu.vector_store %arg11[%parallel_loop3A_694, %parallel_loop3A_695], %parallel_loop3A_692 {strides = array<i32>} : memref<16x512xf32, #tpu.memory_space<vmem>>, vector<16xf32>,
      %parallel_loop3A_697 = arith.constant 14 : i32
      %parallel_loop3A_698 = arith.index_cast %parallel_loop3A_697 : i32 to index
      %parallel_loop3A_699 = arith.index_cast %parallel_loop3A_124 : i32 to index
      %parallel_loop3A_700 = tpu.vector_load %arg10[%parallel_loop3A_698, %parallel_loop3A_699] {strides = array<i32>} : memref<16x512xi32, #tpu.memory_space<vmem>>, vector<16xi32>,
      %parallel_loop3A_701 = arith.constant 0 : i32
      %parallel_loop3A_702 = vector.broadcast %parallel_loop3A_701 : i32 to vector<16xi32>
      %parallel_loop3A_703 = arith.cmpi eq, %parallel_loop3A_700, %parallel_loop3A_702 : vector<16xi32>
      %parallel_loop3A_704 = arith.constant 1 : i32
      %parallel_loop3A_705 = vector.broadcast %parallel_loop3A_704 : i32 to vector<16xi32>
      %parallel_loop3A_706 = arith.cmpi eq, %parallel_loop3A_700, %parallel_loop3A_705 : vector<16xi32>
      %parallel_loop3A_707 = arith.constant 2 : i32
      %parallel_loop3A_708 = vector.broadcast %parallel_loop3A_707 : i32 to vector<16xi32>
      %parallel_loop3A_709 = arith.cmpi eq, %parallel_loop3A_700, %parallel_loop3A_708 : vector<16xi32>
      %parallel_loop3A_710 = arith.select %parallel_loop3A_709, %parallel_loop3A_415, %parallel_loop3A_416 : vector<16xi1>, vector<16xf32>
      %parallel_loop3A_711 = arith.select %parallel_loop3A_706, %parallel_loop3A_414, %parallel_loop3A_710 : vector<16xi1>, vector<16xf32>
      %parallel_loop3A_712 = arith.select %parallel_loop3A_703, %parallel_loop3A_374, %parallel_loop3A_711 : vector<16xi1>, vector<16xf32>
      %parallel_loop3A_713 = arith.constant 14 : i32
      %parallel_loop3A_714 = arith.index_cast %parallel_loop3A_713 : i32 to index
      %parallel_loop3A_715 = arith.index_cast %parallel_loop3A_124 : i32 to index
      %parallel_loop3A_716 = tpu.vector_load %arg11[%parallel_loop3A_714, %parallel_loop3A_715] {strides = array<i32>} : memref<16x512xf32, #tpu.memory_space<vmem>>, vector<16xf32>,
      tpu.vector_store %arg11[%parallel_loop3A_714, %parallel_loop3A_715], %parallel_loop3A_712 {strides = array<i32>} : memref<16x512xf32, #tpu.memory_space<vmem>>, vector<16xf32>,
      %parallel_loop3A_717 = arith.constant 15 : i32
      %parallel_loop3A_718 = arith.index_cast %parallel_loop3A_717 : i32 to index
      %parallel_loop3A_719 = arith.index_cast %parallel_loop3A_124 : i32 to index
      %parallel_loop3A_720 = tpu.vector_load %arg10[%parallel_loop3A_718, %parallel_loop3A_719] {strides = array<i32>} : memref<16x512xi32, #tpu.memory_space<vmem>>, vector<16xi32>,
      %parallel_loop3A_721 = arith.constant 0 : i32
      %parallel_loop3A_722 = vector.broadcast %parallel_loop3A_721 : i32 to vector<16xi32>
      %parallel_loop3A_723 = arith.cmpi eq, %parallel_loop3A_720, %parallel_loop3A_722 : vector<16xi32>
      %parallel_loop3A_724 = arith.constant 1 : i32
      %parallel_loop3A_725 = vector.broadcast %parallel_loop3A_724 : i32 to vector<16xi32>
      %parallel_loop3A_726 = arith.cmpi eq, %parallel_loop3A_720, %parallel_loop3A_725 : vector<16xi32>
      %parallel_loop3A_727 = arith.constant 2 : i32
      %parallel_loop3A_728 = vector.broadcast %parallel_loop3A_727 : i32 to vector<16xi32>
      %parallel_loop3A_729 = arith.cmpi eq, %parallel_loop3A_720, %parallel_loop3A_728 : vector<16xi32>
      %parallel_loop3A_730 = arith.select %parallel_loop3A_729, %parallel_loop3A_415, %parallel_loop3A_416 : vector<16xi1>, vector<16xf32>
      %parallel_loop3A_731 = arith.select %parallel_loop3A_726, %parallel_loop3A_414, %parallel_loop3A_730 : vector<16xi1>, vector<16xf32>
      %parallel_loop3A_732 = arith.select %parallel_loop3A_723, %parallel_loop3A_374, %parallel_loop3A_731 : vector<16xi1>, vector<16xf32>
      %parallel_loop3A_733 = arith.constant 15 : i32
      %parallel_loop3A_734 = arith.index_cast %parallel_loop3A_733 : i32 to index
      %parallel_loop3A_735 = arith.index_cast %parallel_loop3A_124 : i32 to index
      %parallel_loop3A_736 = tpu.vector_load %arg11[%parallel_loop3A_734, %parallel_loop3A_735] {strides = array<i32>} : memref<16x512xf32, #tpu.memory_space<vmem>>, vector<16xf32>,
      tpu.vector_store %arg11[%parallel_loop3A_734, %parallel_loop3A_735], %parallel_loop3A_732 {strides = array<i32>} : memref<16x512xf32, #tpu.memory_space<vmem>>, vector<16xf32>,
    } {sc.loop_unroll_factor = 4 : i64, sc.parallel_access}
    %add3A_86 = arith.constant 256 : i32
    %add3A_87 = arith.addi %mul3A_2, %add3A_86 : i32
    %dma_start3A_88 = arith.constant 0 : i32
    %dma_start3A_89 = arith.constant 256 : i32
    %dma_start3A_90 = tpu.memref_slice %arg11[%dma_start3A_88, %dma_start3A_89] : memref<16x512xf32, #tpu.memory_space<vmem>> -> memref<16x256xf32, #tpu.memory_space<vmem>>
    %dma_start3A_91 = arith.constant 0 : i32
    %dma_start3A_92 = tpu.memref_slice %arg6[%dma_start3A_91, %add3A_87] : memref<16x16384xf32, #tpu.memory_space<hbm>> -> memref<16x256xf32, #tpu.memory_space<hbm>>
    %dma_start3A_93 = arith.constant 0 : i32
    %dma_start3A_94 = tpu.memref_slice %arg6[%dma_start3A_93, %add3A_87] : memref<16x16384xf32, #tpu.memory_space<hbm>> -> memref<16x256xf32, #tpu.memory_space<hbm>>
    %dma_start3A_95 = arith.constant 0 : i32
    %dma_start3A_96 = arith.constant 256 : i32
    %dma_start3A_97 = tpu.memref_slice %arg11[%dma_start3A_95, %dma_start3A_96] : memref<16x512xf32, #tpu.memory_space<vmem>> -> memref<16x256xf32, #tpu.memory_space<vmem>>
    tpu.enqueue_dma source(%dma_start3A_97 : memref<16x256xf32, #tpu.memory_space<vmem>>) target(%dma_start3A_94 : memref<16x256xf32, #tpu.memory_space<hbm>>) target_semaphore(%arg13 : memref<!tpu.dma_semaphore, #tpu.memory_space<semaphore_mem>>)
    %dma_wait3A_98 = arith.constant 0 : i32
    %dma_wait3A_99 = arith.constant 0 : i32
    %dma_wait3A_100 = tpu.memref_slice %arg11[%dma_wait3A_98, %dma_wait3A_99] : memref<16x512xf32, #tpu.memory_space<vmem>> -> memref<16x256xf32, #tpu.memory_space<vmem>>
    %dma_wait3A_101 = arith.constant 0 : i32
    %dma_wait3A_102 = tpu.memref_slice %arg6[%dma_wait3A_101, %add3A_62] : memref<16x16384xf32, #tpu.memory_space<hbm>> -> memref<16x256xf32, #tpu.memory_space<hbm>>
    %dma_wait3A_103 = arith.constant 0 : i32
    %dma_wait3A_104 = tpu.memref_slice %arg6[%dma_wait3A_103, %add3A_62] : memref<16x16384xf32, #tpu.memory_space<hbm>> -> memref<16x256xf32, #tpu.memory_space<hbm>>
    %dma_wait3A_105 = arith.constant 0 : i32
    %dma_wait3A_106 = arith.constant 0 : i32
    %dma_wait3A_107 = tpu.memref_slice %arg11[%dma_wait3A_105, %dma_wait3A_106] : memref<16x512xf32, #tpu.memory_space<vmem>> -> memref<16x256xf32, #tpu.memory_space<vmem>>
    tpu.wait_dma2 semaphore(%arg13 : memref<!tpu.dma_semaphore, #tpu.memory_space<semaphore_mem>>) src(%dma_wait3A_107 : memref<16x256xf32, #tpu.memory_space<vmem>>) dst(%dma_wait3A_104 : memref<16x256xf32, #tpu.memory_space<hbm>>)
    %dma_wait3A_108 = arith.constant 0 : i32
    %dma_wait3A_109 = arith.constant 256 : i32
    %dma_wait3A_110 = tpu.memref_slice %arg11[%dma_wait3A_108, %dma_wait3A_109] : memref<16x512xf32, #tpu.memory_space<vmem>> -> memref<16x256xf32, #tpu.memory_space<vmem>>
    %dma_wait3A_111 = arith.constant 0 : i32
    %dma_wait3A_112 = tpu.memref_slice %arg6[%dma_wait3A_111, %add3A_87] : memref<16x16384xf32, #tpu.memory_space<hbm>> -> memref<16x256xf32, #tpu.memory_space<hbm>>
    %dma_wait3A_113 = arith.constant 0 : i32
    %dma_wait3A_114 = tpu.memref_slice %arg6[%dma_wait3A_113, %add3A_87] : memref<16x16384xf32, #tpu.memory_space<hbm>> -> memref<16x256xf32, #tpu.memory_space<hbm>>
    %dma_wait3A_115 = arith.constant 0 : i32
    %dma_wait3A_116 = arith.constant 256 : i32
    %dma_wait3A_117 = tpu.memref_slice %arg11[%dma_wait3A_115, %dma_wait3A_116] : memref<16x512xf32, #tpu.memory_space<vmem>> -> memref<16x256xf32, #tpu.memory_space<vmem>>
    tpu.wait_dma2 semaphore(%arg13 : memref<!tpu.dma_semaphore, #tpu.memory_space<semaphore_mem>>) src(%dma_wait3A_117 : memref<16x256xf32, #tpu.memory_space<vmem>>) dst(%dma_wait3A_114 : memref<16x256xf32, #tpu.memory_space<hbm>>)
    return
  }
}

</mosaic_0001>

<sc_bundles>
// kernel: kernel.3.cloned.1.call-start
scs
__scs_entry_jumppad:
0x0: {  	(pc) =	sbr.rel $0x88, $3  }
0x1: {  	(tag) =	ssettag $0x0;
	lr =	simm.s32 $0x1  }
0x2: {  	[smem:$0x3F9D] =	sst lr;
	_ =	strace $0xD0000000  }
0x3: {  	_ = 	snop  }
0x4: {  	_ = 	snop  }
0x5: {  	_ = 	snop  }
0x6: {  	_ = 	snop  }
0x7: {  	_ = 	snop  }
__scs_overlays_trampoline_lowered:
0x8: {  	[smem:$0x3FAC] =	sst s0  }
0x9: {  	[smem:$0x3FAD] =	sst s1  }
0xa: {  	[smem:$0x3FAE] =	sst s2  }
0xb: {  	[smem:$0x3FAF] =	sst s3  }
0xc: {  	[smem:$0x3FB0] =	sst s4  }
0xd: {  	[smem:$0x3FB1] =	sst s5  }
0xe: {  	[smem:$0x3FB2] =	sst s6  }
0xf: {  	[smem:$0x3FB3] =	sst s7  }
0x10: {  	[smem:$0x3FB4] =	sst s8  }
0x11: {  	[smem:$0x3FB5] =	sst s9;
	s0 =	simm.s32 @!p0 $0x0  }
0x12: {  	s1 =	sld [smem:$0x3F9B];
	s0 =	simm.s32 @p0 $0x1  }
0x13: {  	[smem:$0x3FB6] =	sst s0;
	s0 =	simm.s32 @!p1 $0x0  }
0x14: {  	s2 =	sld [smem:$0x3F9A];
	s0 =	simm.s32 @p1 $0x1  }
0x15: {  	[smem:$0x3FB7] =	sst s0;
	s0 =	simm.s32 @!p2 $0x0  }
0x16: {  	s3 =	sld [smem:$0x3FDB];
	s0 =	simm.s32 @p2 $0x1  }
0x17: {  	s4 =	simm.s32 $0x1BF5;
	[smem:$0x3FB9] =	sst s0  }
0x18: {  	s0 =	sld [smem:$0x3F9C];
	_ =	swait.ge [sflag:s4], $0x0  }
0x19: {  	s7 =	sld [smem:$0x3F9D]  }
0x1a: {  	s8 =	sadd.s32 $0xFFFFE003, lr  }
0x1b: {  	s9 =	sadd.s32 $0xFFFFFEF7, lr;
	s5 =	simm.s32 $0xFFFFFFFF;
	p2 =	slt.u32 s8, $0xFFFFF086  }
0x1c: {  	p1 =	slt.u32 s9, $0xF7A;
	s5 =	simm.s32 @!p2 $0x0  }
0x1d: {  	s5 =	simm.s32 @p1 $0x1;
	p0 =	seq.s32 s7, s2  }
0x1e: {  	s7 =	smul.u32 @!p0 $0xF7A, s2;
	p2 =	seq.s32 @!p0 s5, $0x0  }
0x1f: {  	s9 =	smul.u32 $0xF7A, s1;
	s8 =	simm.s32 @!p0 $0x1BF5;
	p2 =	por !p2, p0  }
0x20: {  	[sflag:s8] =	ssyncset.s32 @!p0 $0xFFFFF086;
	s6 =	sadd.s32 @!p0 s3, s7;
	s7 =	simm.s32 @!p0 $0x108  }
0x21: {  	s3 =	sadd.s32 s3, s9;
	s6 =	sadd.s32 @!p0 $0x88, s6;
	s7 =	simm.s32 @p2 $0x1082  }
0x22: {  	[simem:s7], [sflag:s8] =	dma.local @!p0 [hbm:s6], $0xF7A  }
0x23: {  	s9 =	sor.u32 $0xD0000000, s2;
	s6 =	simm.s32 $0x108;
	_ =	swait.ge @!p0 [sflag:s8], $0x0  }
0x24: {  	s3 =	sadd.s32 $0x88, s3;
	s6 =	simm.s32 @!p1 $0x1082;
	[sflag:s4] =	ssyncset.s32 $0xFFFFF086  }
0x25: {  	[simem:s6], [sflag:s4] =	dma.local [hbm:s3], $0xF7A  }
0x26: {  	[smem:$0x3F9D] =	sst s1;
	(tag) =	ssettag s2;
	_ =	strace s9  }
0x27: {  	s1 =	sld [smem:$0x3FAD]  }
0x28: {  	s2 =	sld [smem:$0x3FAE]  }
0x29: {  	s4 =	sld [smem:$0x3FB0]  }
0x2a: {  	p0 =	seq.s32 s5, $0x0;
	s5 =	sld [smem:$0x3FB1]  }
0x2b: {  	s6 =	sld [smem:$0x3FB2]  }
0x2c: {  	s7 =	sld [smem:$0x3FB3]  }
0x2d: {  	s3 =	simm.s32 $0x108;
	s8 =	sld [smem:$0x3FB4]  }
0x2e: {  	s3 =	simm.s32 @!p0 $0x1082;
	s9 =	sld [smem:$0x3FB5]  }
0x2f: {  	lr =	sadd.s32 s0, s3;
	s0 =	sld [smem:$0x3FAC]  }
0x30: {  	s3 =	sld [smem:$0x3FAF]  }
0x31: {  	[smem:$0x3FB8] =	sst s10  }
0x32: {  	s10 =	sld [smem:$0x3FB6];
	_ =	sdelay $0x3  }
0x33: {  	p0 =	seq.s32 s10, $0x1;
	s10 =	sld [smem:$0x3FB8];
	_ =	sdelay $0x3  }
0x34: {  	[smem:$0x3FB8] =	sst s10  }
0x35: {  	s10 =	sld [smem:$0x3FB7];
	_ =	sdelay $0x3  }
0x36: {  	p1 =	seq.s32 s10, $0x1;
	s10 =	sld [smem:$0x3FB8];
	_ =	sdelay $0x3  }
0x37: {  	[smem:$0x3FB8] =	sst s10  }
0x38: {  	s10 =	sld [smem:$0x3FB9]  }
0x39: {  	_ = 	snop;
	(pc) =	sbr.ind lr, $3  }
0x3a: {  	_ = 	snop  }
0x3b: {  	_ = 	snop  }
0x3c: {  	p2 =	seq.s32 s10, $0x1;
	s10 =	sld [smem:$0x3FB8]  }
0x3d: {  	_ =	shalt  }
0x3e: {  	_ =	shalt  }
0x3f: {  	_ =	shalt  }
0x40: {  	_ =	shalt  }
0x41: {  	_ =	shalt  }
0x42: {  	_ =	shalt  }
0x43: {  	_ =	shalt  }
0x44: {  	_ =	shalt  }
0x45: {  	_ =	shalt  }
0x46: {  	_ =	shalt  }
0x47: {  	_ =	shalt  }
0x48: {  	_ =	shalt  }
0x49: {  	_ =	shalt  }
0x4a: {  	_ =	shalt  }
0x4b: {  	_ =	shalt  }
0x4c: {  	_ =	shalt  }
0x4d: {  	_ =	shalt  }
0x4e: {  	_ =	shalt  }
0x4f: {  	_ =	shalt  }
0x50: {  	_ =	shalt  }
0x51: {  	_ =	shalt  }
0x52: {  	_ =	shalt  }
0x53: {  	_ =	shalt  }
0x54: {  	_ =	shalt  }
0x55: {  	_ =	shalt  }
0x56: {  	_ =	shalt  }
0x57: {  	_ =	shalt  }
0x58: {  	_ =	shalt  }
0x59: {  	_ =	shalt  }
0x5a: {  	_ =	shalt  }
0x5b: {  	_ =	shalt  }
0x5c: {  	_ =	shalt  }
0x5d: {  	_ =	shalt  }
0x5e: {  	_ =	shalt  }
0x5f: {  	_ =	shalt  }
0x60: {  	_ =	shalt  }
0x61: {  	_ =	shalt  }
0x62: {  	_ =	shalt  }
0x63: {  	_ =	shalt  }
0x64: {  	_ =	shalt  }
0x65: {  	_ =	shalt  }
0x66: {  	_ =	shalt  }
0x67: {  	_ =	shalt  }
0x68: {  	_ =	shalt  }
0x69: {  	_ =	shalt  }
0x6a: {  	_ =	shalt  }
0x6b: {  	_ =	shalt  }
0x6c: {  	_ =	shalt  }
0x6d: {  	_ =	shalt  }
0x6e: {  	_ =	shalt  }
0x6f: {  	_ =	shalt  }
0x70: {  	_ =	shalt  }
0x71: {  	_ =	shalt  }
0x72: {  	_ =	shalt  }
0x73: {  	_ =	shalt  }
0x74: {  	_ =	shalt  }
0x75: {  	_ =	shalt  }
0x76: {  	_ =	shalt  }
0x77: {  	_ =	shalt  }
0x78: {  	_ =	shalt  }
0x79: {  	_ =	shalt  }
0x7a: {  	_ =	shalt  }
0x7b: {  	_ =	shalt  }
0x7c: {  	_ =	shalt  }
0x7d: {  	_ =	shalt  }
0x7e: {  	_ =	shalt  }
0x7f: {  	_ =	shalt  }
0x80: {  	_ =	shalt  }
0x81: {  	_ =	shalt  }
0x82: {  	_ =	shalt  }
0x83: {  	_ =	shalt  }
0x84: {  	_ =	shalt  }
0x85: {  	_ =	shalt  }
0x86: {  	_ =	shalt  }
0x87: {  	_ =	shalt  }
.Lfunc_end0:
.L_simem_size_0:
called_computation_lowered:
.L_overlay_start_0:
0x88: {  	s2 =	sld [smem:$0x3FD9]  }
0x89: {  	s3 =	sld [smem:$0x3FFE];
	_ =	sdelay $0x1  }
0x8a: {  	s1 =	srdreg.scid  }
0x8b: {  	s0 =	sand.u32 $0x1, s1  }
0x8c: {  	s18 =	sshll.u32 s0, $0xA;
	s2 =	sadd.s32 s3, s2  }
0x8d: {  	s2 =	sadd.s32 s2, s18  }
0x8e: {  	[smem:$0x3FC4] =	sst s2  }
0x8f: {  	_ = 	snop  }
0x90: {  	s2 =	sld [smem:$0x3FC9]  }
0x91: {  	s19 =	sld [smem:$0x3FC8]  }
0x92: {  	s4 =	sld [smem:$0x3FC7]  }
0x93: {  	s5 =	sld [smem:$0x3FC6]  }
0x94: {  	s6 =	sld [smem:$0x3FD0];
	(tm) =	ssettm $0x1  }
0x95: {  	s7 =	sld [smem:$0x3FFB];
	_ =	sdelay $0x3  }
0x96: {  	_ =	strace s7  }
0x97: {  	s7 =	sld [smem:$0x3FFC];
	_ =	sdelay $0x3  }
0x98: {  	_ =	strace s7  }
0x99: {  	s7 =	sld [smem:$0x3FFD];
	_ =	sdelay $0x3  }
0x9a: {  	_ =	strace s7  }
0x9b: {  	_ =	strace $0x8FFFFFFF  }
0x9c: {  	s20 =	sld [smem:$0x3FDB];
	_ =	sdelay $0x1  }
0x9d: {  	s8 =	simm.s32 $_scs_section_size  }
0x9e: {  	s9 =	simm.s32 $_size__tile_overlayer_lowered;
	s10 =	simm.s32 $_tile_overlayer_lowered  }
0x9f: {  	s23 =	simm.s32 $0x1BFF;
	s22 =	sshll.u32 s10, $0x1;
	s7 =	sadd.s32 s8, s20  }
0xa0: {  	s11 =	simm.s32 $0x0;
	s21 =	sshll.u32 s9, $0x1;
	s9 =	sadd.s32 s22, s7  }
0xa1: {  	[timem:s11], [sflag:s23] =	dma.local [hbm:s9], s21  }
0xa2: {  	_ =	swait.ge [sflag:s23], s21  }
0xa3: {  	s8 =	ssub.s32 $0x0, s21;
	[sflag:s23] =	ssyncset.done $0x0  }
0xa4: {  	[sflag:s23] =	ssyncadd.s32 s8;
	_ =	sdelay $0x1  }
0xa5: {  	s24 =	simm.s32 $0x1B8B  }
0xa6: {  	_ =	swait.ge [sflag:s24], $0x1  }
0xa7: {  	[sflag:s24] =	ssyncset.done $0x0  }
0xa8: {  	s25 =	simm.s32 $0x1B8E;
	[sflag:s24] =	ssyncadd.s32 $0xFFFFFFFF  }
0xa9: {  	s26 =	simm.s32 $execute0_lowered;
	[smem:$0x3FD2] =	sst s25  }
0xaa: {  	s8 =	sshll.u32 s26, $0x1;
	_ =	strace $0x80000046;
	[dreg:$0x1] =	wrdreg $0xFFFFFFFF  }
0xab: {  	s28 =	simm.s32 $_size_execute0_lowered;
	s7 =	sadd.s32 s7, s8;
	[dreg:$0x0] =	wrdreg $0x0  }
0xac: {  	s8 =	sshll.u32 s28, $0x1;
	[dreg:$0x2] =	wrdreg s7  }
0xad: {  	[dreg:$0x3] =	wrdreg s8  }
0xae: {  	[dreg:$0x4] =	wrdreg $0xC0  }
0xaf: {  	_ =	task [dreg:s11], $0x5FFFF  }
0xb0: {  	[dreg:$0x1] =	wrdreg $0xFFFFFFFF  }
0xb1: {  	[dreg:$0x0] =	wrdreg $0x60  }
0xb2: {  	[dreg:$0x2] =	wrdreg s2  }
0xb3: {  	[dreg:$0x3] =	wrdreg s19  }
0xb4: {  	[dreg:$0x4] =	wrdreg s4  }
0xb5: {  	[dreg:$0x5] =	wrdreg s5  }
0xb6: {  	[dreg:$0x6] =	wrdreg s6  }
0xb7: {  	[dreg:$0x7] =	wrdreg $0x9  }
0xb8: {  	_ =	task.clear_ibuf [dreg:s11], $0x8FFFF;
	_ =	strace $0x90000046  }
0xb9: {  	s29 =	simm.s32 $0x9;
	_ =	strace $0x80000048  }
0xba: {  	_ =	swait.ge [sflag:s29], $0x1  }
0xbb: {  	[sflag:s29] =	ssyncadd.s32 $0xFFFFFFFF  }
0xbc: {  	_ =	strace $0x90000048  }
0xbd: {  	_ =	sfence  }
0xbe: {  	s30 =	sld [smem:$0x0];
	_ =	sdelay $0x2  }
0xbf: {  	s31 =	sshll.u32 s1, $0xD;
	s1 =	sshrl.u32 s1, $0x2  }
0xc0: {  	s3 =	sand.u32 $0x4000, s31;
	s1 =	sadd.s32 s1, s30  }
0xc1: {  	s0 =	sor.u32 s3, s0;
	s1 =	sshll.u32 s1, $0x11  }
0xc2: {  	s0 =	sor.u32 s1, s0  }
0xc3: {  	s0 =	sadd.s32 $0x8F2B, s0  }
0xc4: {  	[sflag:s0] =	ssyncadd.remote.s32 $0x1  }
0xc5: {  	_ =	sfence.sel $0xFFFF  }
0xc6: {  	[dreg:$0x0] =	wrdreg $0xFFFFFFFF;
	(pc) =	sbr.abs _section_cstart, $3  }
0xc7: {  	[dreg:$0x1] =	wrdreg $0xFFFFFFFF  }
0xc8: {  	_ =	task.clear_ibuf [dreg:s11], $0x2FFFF;
	_ =	strace $0x9FFFFFFF  }
0xc9: {  	(tm) =	ssettm $0x7FFFFFFF  }
tec
execute0_lowered:
.L_overlay_start_1:
0x0: {  	(tag) =	ssettag $0x1  }
0x1: {  	s0 =	rddreg [dreg:$0x0]  }
0x2: {  	s1 =	rddreg [dreg:$0x1];
	s2 =	srdreg.scid  }
0x3: {  	s3 =	rddreg [dreg:$0x2];
	s7 =	stileid.u32;
	s6 =	sand.u32 $0x1, s2  }
0x4: {  	s4 =	rddreg [dreg:$0x3];
	s7 =	sshll.u32 s7, $0xA;
	s8 =	sshll.u32 s6, $0x9  }
0x5: {  	s5 =	rddreg [dreg:$0x4];
	s2 =	simm.s32 $0x0;
	s7 =	sor.u32 s8, s7  }
0x6: {  	[smem:$0x7FF] =	sst s2;
	s6 =	ssub.s32 $0x2, s6;
	s25 =	sadd.s32 s1, s7  }
0x7: {  	_ =	strace $0x80000047;
	s26 =	sadd.s32 s3, s7;
	[dreg:$0x8] =	wrdreg s25  }
0x8: {  	s9 =	sshrl.u32 s6, $0x1;
	s28 =	sadd.s32 s4, s7;
	[dreg:$0x9] =	wrdreg s26  }
0x9: {  	s10 =	sshll.u32 s7, $0x4;
	s29 =	sadd.s32 s5, s7;
	[dreg:$0xa] =	wrdreg s28  }
0xa: {  	s8 =	sor.u32 $0x100, s7;
	s24 =	sadd.s32 s0, s10;
	[dreg:$0xb] =	wrdreg s29  }
0xb: {  	s6 =	ssub.s32 s6, s9;
	s30 =	sadd.s32 s5, s8;
	[dreg:$0x6] =	wrdreg s24  }
0xc: {  	s11 =	sshll.u32 s8, $0x4;
	s31 =	smax.u32 s6, $0x1;
	[dreg:$0xc] =	wrdreg s30  }
0xd: {  	v0 =	vlaneseq.u32;
	s0 =	sadd.s32 s0, s11;
	[dreg:$0xd] =	wrdreg s31  }
0xe: {  	v0 =	vmul.u32 $0x80, v0;
	s3 =	simm.s32 $0x0;
	[dreg:$0x7] =	wrdreg s0  }
.LBB2_1:
0xf: {  	[dreg:$0xe] =	wrdreg s3  }
0x10: {  	s0 =	rddreg [dreg:$0x6]  }
0x11: {  	s18 =	rddreg [dreg:$0x7]  }
0x12: {  	[tilespmem:s2], [sflag:$0x3] =	stream.linear.gather [hbm4b:s0+s2], $0x8000, $0x38;
	[tilespmem:$0x16000] =	vst v63  }
0x13: {  	s1 =	simm.s32 $0x8000;
	s19 =	rddreg [dreg:$0x8]  }
0x14: {  	[tilespmem:s1], [sflag:$0x4] =	stream.linear.gather [hbm4b:s18+s2], $0x8000, $0x38;
	[tilespmem:$0x16000] =	vst v63  }
0x15: {  	s20 =	simm.s32 $0x10000;
	s21 =	rddreg [dreg:$0x9]  }
0x16: {  	[tilespmem:s20], [sflag:$0x1] =	stream.linear.gather [hbm4b:s19+s2], $0x1000, $0x38;
	[tilespmem:$0x16000] =	vst v63  }
0x17: {  	s22 =	simm.s32 $0x11000;
	s23 =	rddreg [dreg:$0xa];
	s24 =	simm.s32 $0x1000  }
0x18: {  	[tilespmem:s22], [sflag:$0x1] =	stream.linear.gather [hbm4b:s21+s2], $0x1000, $0x38;
	[tilespmem:$0x16000] =	vst v63  }
0x19: {  	s25 =	simm.s32 $0x20000;
	s4 =	simm.s32 $0x12000;
	s26 =	simm.s32 $0x1  }
0x1a: {  	[tilespmem:s4], [sflag:$0x1] =	stream.strided.gather [hbm4b:s23+s24], $0x2000, s25, s24, $0x38;
	[tilespmem:$0x16000] =	vst v63  }
0x1b: {  	_ =	swait.ge [sflag:s26], $0x1000  }
0x1c: {  	[sflag:s26] =	ssyncset.done $0x0  }
0x1d: {  	[sflag:s26] =	ssyncadd.s32 $0xFFFFF000  }
0x1e: {  	_ =	swait.ge [sflag:s26], $0x1000  }
0x1f: {  	[sflag:s26] =	ssyncset.done $0x0  }
0x20: {  	[sflag:s26] =	ssyncadd.s32 $0xFFFFF000  }
0x21: {  	_ =	swait.ge [sflag:s26], $0x2000  }
0x22: {  	[sflag:s26] =	ssyncset.done $0x0  }
0x23: {  	s30 =	simm.s32 $0x3;
	s28 =	simm.s32 $0x30;
	[sflag:s26] =	ssyncadd.s32 $0xFFFFE000  }
0x24: {  	p0 =	por $0x0, $0x0;
	s29 =	simm.s32 $0x0;
	_ =	swait.ge [sflag:s30], $0x8000  }
0x25: {  	s15 =	simm.s32 $0x0;
	s31 =	simm.s32 $0x0;
	[sflag:s30] =	ssyncset.done $0x0  }
0x26: {  	s0 =	simm.s32 $0x0;
	s1 =	simm.s32 $0xFFFFFFFC;
	[sflag:s30] =	ssyncadd.s32 $0xFFFF8000  }
.LBB2_2:
0x27: {  	s13 =	sand.u32 $0x40, s29;
	s18 =	sand.u32 $0x400, s31;
	s8 =	sand.u32 $0xFFFFFC00, s31  }
0x28: {  	s12 =	sor.u32 s13, s18;
	s13 =	sadd.s32 s8, s29  }
0x29: {  	v1 =	vld [tilespmem:s12+$0x10000];
	s7 =	sor.u32 $0x80, s13  }
0x2a: {  	v2 =	vld [tilespmem:s7+$0x10000];
	_ =	sdelay $0x1  }
0x2b: {  	v3 =	vmov s29  }
0x2c: {  	v3 =	vshll.u32 v3, $0x7  }
0x2d: {  	v3 =	vor.u32 v0, v3;
	v4 =	vand.u32 $0xFFFFFF80, v1  }
0x2e: {  	v1 =	vand.u32 $0x7F, v1;
	v4 =	vadd.s32 v3, v4;
	v31 =	vand.u32 $0xFFFFFF80, v2  }
0x2f: {  	v2 =	vand.u32 $0x7F, v2;
	v1 =	vor.u32 v1, v4;
	v4 =	vadd.s32 v3, v31  }
0x30: {  	v2 =	vor.u32 v2, v4;
	_ =	sdelay $0x3  }
0x31: {  	v1 =	vld.idx.msk [tilespmem:v1+s2+$0x0], $0xffff  }
0x32: {  	v2 =	vld.idx.msk [tilespmem:v2+s2+$0x0], $0xffff;
	_ =	sdelay $0x3  }
0x33: {  	v32 =	vmul.f32 $1.591549370e-01, v1  }
0x34: {  	v5 =	vmul.f32 $1.591549370e-01, v2  }
0x35: {  	v4 =	vadd.f32 $1.258291200e+07, v32  }
0x36: {  	v5 =	vadd.f32 $1.258291200e+07, v5  }
0x37: {  	v4 =	vadd.f32 $-1.258291200e+07, v4  }
0x38: {  	v5 =	vadd.f32 $-1.258291200e+07, v5  }
0x39: {  	s14 =	sadd.s32 $0xFFFFFFD0, s28;
	v6 =	vmul.f32 $6.283185480e+00, v4  }
0x3a: {  	s22 =	sor.u32 $0x280, s14;
	v7 =	vld [tilespmem:s12+$0x10100];
	v33 =	vmul.f32 $6.283185480e+00, v5  }
0x3b: {  	[dreg:$0xf] =	wrdreg s1;
	s1 =	simm.s32 $0x1;
	v10 =	vld [tilespmem:s22+$0x10000];
	v4 =	vmul.f32 $1.748455530e-07, v4;
	v1 =	vsub.f32 v1, v6  }
0x3c: {  	s1 =	simm.s32 @!p0 $0x0;
	v43 =	vld [tilespmem:s12+$0x11000];
	v34 =	vmul.f32 $1.748455530e-07, v5;
	v2 =	vsub.f32 v2, v33  }
0x3d: {  	s16 =	sadd.s32 $0x10, s29;
	s1 =	sshll.u32 s1, $0x6;
	s6 =	sor.u32 $0x180, s13;
	v1 =	vadd.f32 v1, v4  }
0x3e: {  	v48 =	vmov s16;
	v35 =	vld [tilespmem:s6+$0x10000];
	s1 =	sadd.s32 s1, s31;
	v2 =	vadd.f32 v2, v34  }
0x3f: {  	s4 =	sor.u32 $0x200, s1;
	v9 =	vand.u32 $0xFFFFFF80, v7;
	v7 =	vand.u32 $0x7F, v7;
	v36 =	vmul.f32 v1, v1  }
0x40: {  	v37 =	vld [tilespmem:s4+$0x10000];
	v40 =	vand.u32 $0xFFFFFF80, v10;
	v10 =	vand.u32 $0x7F, v10;
	v2 =	vmul.f32 v2, v2  }
0x41: {  	vm0 =	veq.s32 v43, $0x2;
	vm1 =	veq.s32 v43, $0x1;
	v8 =	vmul.f32 $2.036622430e-08, v36  }
0x42: {  	s3 =	sand.u32 $0x50, s16;
	vm8 =	veq.s32 v43, $0x0;
	v9 =	vadd.s32 v3, v9;
	v11 =	vmul.f32 $2.197887170e-07, v2  }
0x43: {  	s19 =	sor.u32 s18, s3;
	v54 =	vld [tilespmem:s12+$0x11100];
	v38 =	vand.u32 $0xFFFFFF80, v35;
	v7 =	vor.u32 v7, v9;
	v8 =	vsub.f32 $2.699822740e-06, v8  }
0x44: {  	v46 =	vld [tilespmem:s19+$0x10000];
	v9 =	vadd.s32 v3, v38;
	v5 =	vand.u32 $0x7F, v35;
	v11 =	vsub.f32 $2.420439890e-05, v11  }
0x45: {  	s20 =	sand.u32 $0x7, s0;
	v50 =	vld [tilespmem:s7+$0x11000];
	v39 =	vand.u32 $0xFFFFFF80, v37;
	v5 =	vor.u32 v5, v9;
	v8 =	vmul.f32 v8, v36  }
0x46: {  	s17 =	sadd.s32 $0x10, s13;
	v14 =	vld [tilespmem:s6+$0x11000];
	[dreg:$0x12] =	wrdreg s1;
	s1 =	sshll.u32 s20, $0x4;
	v9 =	vadd.s32 v3, v39;
	v3 =	vadd.s32 v3, v40;
	v11 =	vmul.f32 v11, v2  }
0x47: {  	[dreg:$0x11] =	wrdreg s14;
	s24 =	sor.u32 $0x80, s17;
	v30 =	vld [tilespmem:s19+$0x10100];
	s14 =	sadd.s32 s31, s1;
	v3 =	vor.u32 v10, v3;
	v4 =	vand.u32 $0x7F, v37;
	v8 =	vadd.f32 $-1.980873930e-04, v8  }
0x48: {  	v47 =	vld [tilespmem:s24+$0x10000];
	s1 =	sadd.s32 $0x10, s14;
	vm12 =	veq.s32 v54, $0x0;
	v4 =	vor.u32 v4, v9;
	v41 =	vadd.f32 $-1.385891580e-03, v11  }
0x49: {  	v18 =	vld [tilespmem:s4+$0x11000];
	vm13 =	veq.s32 v54, $0x1;
	vm2 =	veq.s32 v54, $0x2;
	s9 =	sor.u32 $0x200, s1;
	v8 =	vmul.f32 v8, v36  }
0x4a: {  	v49 =	vand.u32 $0xFFFFFF80, v46;
	vm9 =	veq.s32 v50, $0x2;
	v19 =	vld [tilespmem:s9+$0x10000];
	v9 =	vmul.f32 v41, v2  }
0x4b: {  	vm10 =	veq.s32 v50, $0x1;
	vm11 =	veq.s32 v50, $0x0;
	v7 =	vld.idx.msk [tilespmem:v7+s2+$0x0], $0xffff;
	v8 =	vadd.f32 $8.332408030e-03, v8  }
0x4c: {  	vm14 =	veq.s32 v14, $0x0;
	vm15 =	veq.s32 v14, $0x1;
	v10 =	vld.idx.msk [tilespmem:v3+s2+$0x0], $0xffff;
	v9 =	vadd.f32 $4.165982080e-02, v9  }
0x4d: {  	vm4 =	veq.s32 v14, $0x2;
	v20 =	vand.u32 $0xFFFFFF80, v30;
	v4 =	vld.idx.msk [tilespmem:v4+s2+$0x0], $0xffff;
	v8 =	vmul.f32 v8, v36  }
0x4e: {  	v14 =	vand.u32 $0x7F, v30;
	v51 =	vand.u32 $0xFFFFFF80, v47;
	v5 =	vld.idx.msk [tilespmem:v5+s2+$0x0], $0xffff;
	v42 =	vmul.f32 v9, v2  }
0x4f: {  	vm5 =	veq.s32 v18, $0x0;
	vm6 =	veq.s32 v18, $0x2;
	v3 =	vadd.f32 $-1.666655390e-01, v8  }
0x50: {  	s21 =	sadd.s32 $0xFFFFFFE0, s28;
	vm7 =	veq.s32 v18, $0x1;
	v38 =	vand.u32 $0xFFFFFF80, v19;
	v44 =	vadd.f32 $-4.999942780e-01, v42  }
0x51: {  	s10 =	sor.u32 $0x280, s21;
	v6 =	vand.u32 $0x7F, v46;
	v8 =	vshll.u32 v48, $0x7;
	v3 =	vmul.f32 v3, v36  }
0x52: {  	v22 =	vld [tilespmem:s10+$0x10000];
	[dreg:$0x13] =	wrdreg s17;
	s17 =	sor.u32 $0x180, s17;
	v4 =	vadd.f32 v10, v4;
	v8 =	vor.u32 v0, v8;
	v2 =	vmul.f32 v44, v2  }
0x53: {  	v33 =	vld [tilespmem:s17+$0x10000];
	v9 =	vadd.s32 v8, v49;
	v45 =	vadd.f32 $9.999995820e-01, v3;
	v3 =	vmul.f32 v5, v7  }
0x54: {  	v52 =	vadd.s32 v8, v51;
	v6 =	vor.u32 v6, v9;
	v2 =	vadd.f32 $9.999992250e-01, v2  }
0x55: {  	v5 =	vand.u32 $0x7F, v47;
	v1 =	vmul.f32 v45, v1;
	v7 =	vsel vm0, v3, v4  }
0x56: {  	v24 =	vld [tilespmem:s22+$0x11000];
	v19 =	vand.u32 $0x7F, v19;
	v5 =	vor.u32 v5, v52;
	v7 =	vsel vm1, v2, v7  }
0x57: {  	v39 =	vand.u32 $0xFFFFFF80, v22;
	v22 =	vand.u32 $0x7F, v22;
	v7 =	vsel vm8, v1, v7  }
0x58: {  	v43 =	vld [tilespmem:s19+$0x11000];
	v37 =	vand.u32 $0xFFFFFF80, v33;
	v20 =	vadd.s32 v8, v20;
	v53 =	vmul.f32 $1.591549370e-01, v7  }
0x59: {  	v14 =	vor.u32 v14, v20;
	v20 =	vadd.s32 v8, v37;
	v12 =	vsel vm9, v3, v4  }
0x5a: {  	v15 =	vsel vm2, v3, v4;
	v31 =	vsel vm4, v3, v4;
	v6 =	vld.idx.msk [tilespmem:v6+s2+$0x0], $0xffff;
	v11 =	vadd.f32 $1.258291200e+07, v53  }
0x5b: {  	v41 =	vsel vm6, v3, v4;
	vm9 =	veq.s32 v24, $0x1;
	v55 =	vsel vm10, v2, v12;
	v5 =	vld.idx.msk [tilespmem:v5+s2+$0x0], $0xffff  }
0x5c: {  	s11 =	sadd.s32 $0x20, s29;
	v62 =	vsel vm13, v2, v15;
	v32 =	vsel vm15, v2, v31;
	v11 =	vadd.f32 $-1.258291200e+07, v11  }
0x5d: {  	s23 =	sand.u32 $0x60, s11;
	v18 =	vsel vm7, v2, v41;
	vm10 =	veq.s32 v24, $0x0;
	vm13 =	veq.s32 v43, $0x0  }
0x5e: {  	s3 =	sor.u32 s18, s23;
	v12 =	vsel vm11, v1, v55;
	v10 =	vsel vm12, v1, v62;
	v56 =	vmul.f32 $6.283185480e+00, v11  }
0x5f: {  	v48 =	vld [tilespmem:s3+$0x10000];
	v34 =	vsel vm14, v1, v32;
	v13 =	vmul.f32 $1.591549370e-01, v12;
	v59 =	vmul.f32 $1.591549370e-01, v6  }
0x60: {  	v57 =	vmul.f32 $1.748455530e-07, v11;
	v61 =	vmul.f32 $1.591549370e-01, v5;
	v7 =	vsub.f32 v7, v56  }
0x61: {  	v47 =	vld [tilespmem:s24+$0x11000];
	vm8 =	veq.s32 v24, $0x2;
	v58 =	vadd.f32 $1.258291200e+07, v13;
	v13 =	vadd.f32 $1.258291200e+07, v59  }
0x62: {  	vm11 =	veq.s32 v43, $0x2;
	v60 =	vadd.f32 v7, v57;
	v7 =	vadd.f32 $1.258291200e+07, v61  }
0x63: {  	vm12 =	veq.s32 v43, $0x1;
	v11 =	vadd.f32 $-1.258291200e+07, v58;
	v13 =	vadd.f32 $-1.258291200e+07, v13  }
0x64: {  	v49 =	vsel vm5, v1, v18;
	v55 =	vand.u32 $0xFFFFFF80, v48;
	v7 =	vadd.f32 $-1.258291200e+07, v7  }
0x65: {  	v3 =	vsel vm8, v3, v4;
	v16 =	vmul.f32 $6.283185480e+00, v11;
	v25 =	vmul.f32 $6.283185480e+00, v13  }
0x66: {  	vm14 =	veq.s32 v47, $0x0;
	v11 =	vmul.f32 $1.748455530e-07, v11;
	v27 =	vmul.f32 $6.283185480e+00, v7  }
0x67: {  	v12 =	vsub.f32 v12, v16;
	v28 =	vmul.f32 $1.748455530e-07, v13;
	v6 =	vsub.f32 v6, v25  }
0x68: {  	vm15 =	veq.s32 v47, $0x2;
	v7 =	vmul.f32 $1.748455530e-07, v7;
	v5 =	vsub.f32 v5, v27  }
0x69: {  	v63 =	vmul.f32 v60, v60;
	v11 =	vadd.f32 v12, v11;
	v12 =	vadd.f32 v6, v28  }
0x6a: {  	vm4 =	veq.s32 v47, $0x1;
	v2 =	vsel vm9, v2, v3;
	v5 =	vadd.f32 v5, v7  }
0x6b: {  	v16 =	vand.u32 $0x7F, v33;
	v17 =	vmul.f32 $2.036622430e-08, v63;
	v36 =	vmul.f32 v12, v12  }
0x6c: {  	v16 =	vor.u32 v16, v20;
	v11 =	vmul.f32 v11, v11;
	v5 =	vmul.f32 v5, v5  }
0x6d: {  	v20 =	vadd.s32 v8, v38;
	v26 =	vsub.f32 $2.699822740e-06, v17;
	v21 =	vmul.f32 $2.036622430e-08, v36  }
0x6e: {  	v8 =	vadd.s32 v8, v39;
	v35 =	vmul.f32 $2.197887170e-07, v11;
	v23 =	vmul.f32 $2.197887170e-07, v5  }
0x6f: {  	v58 =	vld [tilespmem:s19+$0x11100];
	v19 =	vor.u32 v19, v20;
	v29 =	vmul.f32 v26, v63;
	v21 =	vsub.f32 $2.699822740e-06, v21  }
0x70: {  	v8 =	vor.u32 v22, v8;
	v6 =	vsub.f32 $2.420439890e-05, v35;
	v23 =	vsub.f32 $2.420439890e-05, v23  }
0x71: {  	v14 =	vld.idx.msk [tilespmem:v14+s2+$0x0], $0xffff;
	v50 =	vsel vm10, v1, v2;
	v13 =	vadd.f32 $-1.980873930e-04, v29;
	v21 =	vmul.f32 v21, v36  }
0x72: {  	v53 =	vmov s11;
	v56 =	vld [tilespmem:s12+$0x12000];
	v6 =	vmul.f32 v6, v11;
	v23 =	vmul.f32 v23, v5  }
0x73: {  	v4 =	vadd.f32 v50, v49;
	v16 =	vld.idx.msk [tilespmem:v16+s2+$0x0], $0xffff;
	v13 =	vmul.f32 v13, v63;
	v21 =	vadd.f32 $-1.980873930e-04, v21  }
0x74: {  	vm7 =	veq.s32 v58, $0x2;
	v19 =	vld.idx.msk [tilespmem:v19+s2+$0x0], $0xffff;
	v6 =	vadd.f32 $-1.385891580e-03, v6;
	v40 =	vadd.f32 $-1.385891580e-03, v23  }
0x75: {  	vm8 =	veq.s32 v58, $0x1;
	v8 =	vld.idx.msk [tilespmem:v8+s2+$0x0], $0xffff;
	v13 =	vadd.f32 $8.332408030e-03, v13;
	v21 =	vmul.f32 v21, v36  }
0x76: {  	vm9 =	veq.s32 v58, $0x0;
	v6 =	vmul.f32 v6, v11;
	v20 =	vmul.f32 v40, v5  }
0x77: {  	vm0 =	veq.s32 v56, $0x0;
	v13 =	vmul.f32 v13, v63;
	v21 =	vadd.f32 $8.332408030e-03, v21  }
0x78: {  	vm5 =	veq.s32 v56, $0x2;
	v6 =	vadd.f32 $4.165982080e-02, v6;
	v20 =	vadd.f32 $4.165982080e-02, v20  }
0x79: {  	s5 =	sadd.s32 s8, s11;
	v30 =	vld [tilespmem:s9+$0x11000];
	v7 =	vmul.f32 v16, v14;
	v13 =	vadd.f32 $-1.666655390e-01, v13;
	v21 =	vmul.f32 v21, v36  }
0x7a: {  	[dreg:$0x15] =	wrdreg s1;
	s1 =	sor.u32 $0x80, s5;
	v8 =	vadd.f32 v8, v19;
	v6 =	vmul.f32 v6, v11;
	v20 =	vmul.f32 v20, v5  }
0x7b: {  	v54 =	vld [tilespmem:s1+$0x10000];
	vm6 =	veq.s32 v56, $0x1;
	v13 =	vmul.f32 v13, v63;
	v42 =	vadd.f32 $-1.666655390e-01, v21  }
0x7c: {  	v57 =	vsel vm15, v7, v8;
	v46 =	vadd.f32 $-4.999942780e-01, v6;
	v63 =	vld [tilespmem:s17+$0x11000];
	v44 =	vadd.f32 $-4.999942780e-01, v20  }
0x7d: {  	v26 =	vsel vm7, v7, v8;
	v45 =	vadd.f32 $9.999995820e-01, v13;
	v3 =	vmul.f32 v42, v36  }
0x7e: {  	vm15 =	veq.s32 v30, $0x1;
	v11 =	vmul.f32 v46, v11;
	v5 =	vmul.f32 v44, v5  }
0x7f: {  	v13 =	vand.u32 $0x7F, v48;
	v1 =	vmul.f32 v45, v60;
	v3 =	vadd.f32 $9.999995820e-01, v3  }
0x80: {  	v2 =	vadd.f32 $9.999992250e-01, v11;
	v60 =	vand.u32 $0xFFFFFF80, v54;
	v6 =	vadd.f32 $9.999992250e-01, v5  }
0x81: {  	v5 =	vmul.f32 v3, v12;
	v3 =	vsel vm11, v7, v8;
	vm11 =	veq.s32 v63, $0x2  }
0x82: {  	v11 =	vand.u32 $0x7F, v54;
	vm10 =	veq.s32 v63, $0x0;
	v33 =	vsel vm11, v7, v8  }
0x83: {  	v3 =	vsel vm12, v6, v3;
	v12 =	vsel vm4, v6, v57;
	v27 =	vsel vm8, v6, v26  }
0x84: {  	s25 =	sand.u32 $0x3, s15;
	vm12 =	veq.s32 v63, $0x1;
	v51 =	vsel vm13, v5, v3;
	v3 =	vmul.f32 v34, v10  }
0x85: {  	s11 =	sshll.u32 s25, $0x5;
	v10 =	vshll.u32 v53, $0x7;
	v61 =	vsel vm14, v5, v12;
	v37 =	vsel vm12, v6, v33  }
0x86: {  	v43 =	vld [tilespmem:s3+$0x10100];
	s26 =	sadd.s32 s31, s11;
	s11 =	sor.u32 $0x180, s5;
	vm13 =	veq.s32 v30, $0x0;
	v52 =	vmul.f32 $1.591549370e-01, v51;
	v17 =	vor.u32 v0, v10  }
0x87: {  	s20 =	sadd.s32 $0xFFFFFFF0, s28;
	v47 =	vld [tilespmem:s11+$0x10000];
	vm14 =	veq.s32 v30, $0x2;
	v24 =	vmul.f32 $1.591549370e-01, v61;
	v14 =	vadd.s32 v17, v55  }
0x88: {  	s25 =	sor.u32 $0x280, s20;
	s23 =	sadd.s32 $0x20, s26;
	v62 =	vadd.s32 v17, v60;
	v9 =	vadd.f32 $1.258291200e+07, v52;
	v13 =	vor.u32 v13, v14  }
0x89: {  	s30 =	sadd.s32 $0x30, s29;
	s26 =	sor.u32 $0x200, s23;
	v42 =	vsel vm14, v7, v8;
	v55 =	vld [tilespmem:s25+$0x10000];
	v11 =	vor.u32 v11, v62;
	v12 =	vadd.f32 $1.258291200e+07, v24  }
0x8a: {  	s16 =	sand.u32 $0x70, s30;
	v25 =	vsel vm5, v3, v4;
	v45 =	vsel vm15, v6, v42;
	v52 =	vld [tilespmem:s26+$0x10000];
	v9 =	vadd.f32 $-1.258291200e+07, v9  }
0x8b: {  	s18 =	sor.u32 s18, s16;
	v24 =	vand.u32 $0x7F, v43;
	v22 =	vsel vm13, v5, v45;
	v28 =	vadd.f32 $-1.258291200e+07, v12  }
0x8c: {  	v30 =	vld [tilespmem:s18+$0x10000];
	v12 =	vsel vm9, v5, v27;
	v27 =	vand.u32 $0xFFFFFF80, v47;
	v59 =	vmul.f32 $6.283185480e+00, v9  }
0x8d: {  	[dreg:$0x14] =	wrdreg s21;
	s21 =	sadd.s32 s8, s30;
	v27 =	vadd.s32 v17, v27;
	v9 =	vmul.f32 $1.748455530e-07, v9;
	v31 =	vmul.f32 $6.283185480e+00, v28;
	v13 =	vld.idx.msk [tilespmem:v13+s2+$0x0], $0xffff  }
0x8e: {  	[dreg:$0x10] =	wrdreg s15;
	s15 =	sor.u32 $0x80, s21;
	v35 =	vmul.f32 $1.748455530e-07, v28;
	v28 =	vmov s30;
	v58 =	vand.u32 $0xFFFFFF80, v55;
	v11 =	vld.idx.msk [tilespmem:v11+s2+$0x0], $0xffff  }
0x8f: {  	v57 =	vand.u32 $0xFFFFFF80, v52;
	v15 =	vsub.f32 v51, v59;
	v34 =	vsub.f32 v61, v31;
	v31 =	vld [tilespmem:s15+$0x10000]  }
0x90: {  	v23 =	vand.u32 $0x7F, v52;
	v28 =	vshll.u32 v28, $0x7;
	v51 =	vand.u32 $0xFFFFFF80, v43;
	v59 =	vld [tilespmem:s10+$0x11000]  }
0x91: {  	v61 =	vand.u32 $0xFFFFFF80, v30;
	v28 =	vor.u32 v0, v28;
	v43 =	vld [tilespmem:s1+$0x11000];
	v10 =	vadd.f32 v15, v9  }
0x92: {  	v30 =	vand.u32 $0x7F, v30;
	v9 =	vsel vm6, v2, v25;
	v16 =	vadd.f32 v34, v35  }
0x93: {  	v15 =	vsel vm10, v5, v37;
	v18 =	vmul.f32 v10, v10;
	v32 =	vmul.f32 $1.591549370e-01, v13  }
0x94: {  	v38 =	vmul.f32 $1.591549370e-01, v11;
	v16 =	vmul.f32 v16, v16;
	v62 =	vand.u32 $0xFFFFFF80, v31  }
0x95: {  	v34 =	vld [tilespmem:s3+$0x11000];
	v31 =	vand.u32 $0x7F, v31;
	vm4 =	veq.s32 v59, $0x2;
	vm5 =	veq.s32 v59, $0x1  }
0x96: {  	vm6 =	veq.s32 v59, $0x0;
	vm10 =	veq.s32 v43, $0x0;
	v40 =	vadd.f32 $1.258291200e+07, v38  }
0x97: {  	vm11 =	veq.s32 v43, $0x2;
	vm12 =	veq.s32 v43, $0x1;
	v29 =	vmul.f32 $2.036622430e-08, v18  }
0x98: {  	v36 =	vadd.f32 $1.258291200e+07, v32;
	v7 =	vsel vm4, v7, v8;
	v21 =	vadd.f32 $-1.258291200e+07, v40  }
0x99: {  	v25 =	vmul.f32 $2.197887170e-07, v16;
	v6 =	vsel vm5, v6, v7;
	v14 =	vsub.f32 $2.699822740e-06, v29  }
0x9a: {  	vm7 =	veq.s32 v34, $0x2;
	v39 =	vadd.f32 $-1.258291200e+07, v36;
	v44 =	vmul.f32 $6.283185480e+00, v21  }
0x9b: {  	vm8 =	veq.s32 v34, $0x1;
	vm9 =	veq.s32 v34, $0x0;
	v14 =	vmul.f32 v14, v18  }
0x9c: {  	v41 =	vmul.f32 $6.283185480e+00, v39;
	v49 =	vmul.f32 $1.748455530e-07, v21;
	v11 =	vsub.f32 v11, v44  }
0x9d: {  	v46 =	vsub.f32 $2.420439890e-05, v25;
	v25 =	vand.u32 $0x7F, v47;
	v14 =	vadd.f32 $-1.980873930e-04, v14  }
0x9e: {  	v19 =	vmul.f32 $1.748455530e-07, v39;
	v13 =	vsub.f32 v13, v41;
	v11 =	vadd.f32 v11, v49  }
0x9f: {  	v25 =	vor.u32 v25, v27;
	v27 =	vadd.s32 v17, v57;
	v14 =	vmul.f32 v14, v18  }
0xa0: {  	v50 =	vmul.f32 v46, v16;
	v19 =	vadd.f32 v13, v19;
	v11 =	vmul.f32 v11, v11  }
0xa1: {  	v21 =	vadd.s32 v17, v51;
	v17 =	vadd.s32 v17, v58;
	v14 =	vadd.f32 $8.332408030e-03, v14  }
0xa2: {  	v54 =	vor.u32 v24, v21;
	v26 =	vmul.f32 v19, v19;
	v29 =	vmul.f32 $2.197887170e-07, v11  }
0xa3: {  	v21 =	vand.u32 $0x7F, v55;
	v53 =	vadd.f32 $-1.385891580e-03, v50;
	v48 =	vmul.f32 v14, v18  }
0xa4: {  	v57 =	vld [tilespmem:s18+$0x10100];
	v17 =	vor.u32 v21, v17;
	v56 =	vmul.f32 $2.036622430e-08, v26;
	v29 =	vsub.f32 $2.420439890e-05, v29  }
0xa5: {  	v23 =	vor.u32 v23, v27;
	v55 =	vld [tilespmem:s11+$0x11000];
	v14 =	vmul.f32 v53, v16;
	v13 =	vadd.f32 $-1.666655390e-01, v48  }
0xa6: {  	v25 =	vld.idx.msk [tilespmem:v25+s2+$0x0], $0xffff;
	v24 =	vsub.f32 $2.699822740e-06, v56;
	v60 =	vmul.f32 v29, v11;
	v29 =	vadd.s32 v28, v61  }
0xa7: {  	v49 =	vld [tilespmem:s3+$0x11100];
	v13 =	vmul.f32 v13, v18;
	v29 =	vor.u32 v30, v29;
	v30 =	vadd.s32 v28, v62  }
0xa8: {  	v39 =	vsel vm6, v5, v6;
	v20 =	vld.idx.msk [tilespmem:v54+s2+$0x0], $0xffff;
	v24 =	vmul.f32 v24, v26;
	v30 =	vor.u32 v31, v30  }
0xa9: {  	v6 =	vmul.f32 v15, v12;
	v17 =	vld.idx.msk [tilespmem:v17+s2+$0x0], $0xffff;
	v63 =	vadd.f32 $4.165982080e-02, v14;
	v35 =	vadd.f32 $9.999995820e-01, v13  }
0xaa: {  	s8 =	sadd.s32 $0x30, s14;
	s14 =	sor.u32 $0x280, s28;
	vm4 =	veq.s32 v55, $0x0;
	v24 =	vadd.f32 $-1.980873930e-04, v24;
	v21 =	vadd.f32 $-1.385891580e-03, v60;
	v31 =	vld.idx.msk [tilespmem:v23+s2+$0x0], $0xffff  }
0xab: {  	vm5 =	veq.s32 v55, $0x2;
	v33 =	vmul.f32 v63, v16;
	v5 =	vmul.f32 v35, v10;
	v35 =	vld [tilespmem:s14+$0x10000]  }
0xac: {  	vm6 =	veq.s32 v55, $0x1;
	v24 =	vmul.f32 v24, v26;
	v21 =	vmul.f32 v21, v11;
	v38 =	vld.idx.msk [tilespmem:v29+s2+$0x0], $0xffff  }
0xad: {  	vm13 =	veq.s32 v49, $0x0;
	vm14 =	veq.s32 v49, $0x2;
	v40 =	vadd.f32 $-4.999942780e-01, v33;
	v41 =	vld.idx.msk [tilespmem:v30+s2+$0x0], $0xffff  }
0xae: {  	vm15 =	veq.s32 v49, $0x1;
	v24 =	vadd.f32 $8.332408030e-03, v24;
	v21 =	vadd.f32 $4.165982080e-02, v21  }
0xaf: {  	s30 =	sor.u32 $0x180, s21;
	v49 =	vld [tilespmem:s15+$0x11000];
	v13 =	vmul.f32 v25, v20;
	v10 =	vmul.f32 v40, v16;
	v14 =	vadd.f32 v17, v31  }
0xb0: {  	v60 =	vld [tilespmem:s30+$0x10000];
	v33 =	vand.u32 $0xFFFFFF80, v57;
	v24 =	vmul.f32 v24, v26;
	v21 =	vmul.f32 v21, v11  }
0xb1: {  	v44 =	vsel vm7, v13, v14;
	v51 =	vsel vm11, v13, v14;
	v45 =	vmul.f32 $1.591549370e-01, v38  }
0xb2: {  	v58 =	vsel vm14, v13, v14;
	v29 =	vand.u32 $0x7F, v35;
	v47 =	vmul.f32 $1.591549370e-01, v41  }
0xb3: {  	v43 =	vsel vm5, v13, v14;
	v32 =	vadd.f32 $-1.666655390e-01, v24;
	v7 =	vadd.f32 $1.258291200e+07, v45  }
0xb4: {  	vm14 =	veq.s32 v49, $0x0;
	v37 =	vadd.f32 $-4.999942780e-01, v21;
	v50 =	vadd.f32 $1.258291200e+07, v47  }
0xb5: {  	v21 =	vand.u32 $0x7F, v57;
	v24 =	vand.u32 $0x7F, v60;
	v52 =	vadd.f32 $-1.258291200e+07, v7  }
0xb6: {  	v36 =	vmul.f32 v32, v26;
	v11 =	vmul.f32 v37, v11;
	v17 =	vadd.f32 $-1.258291200e+07, v50  }
0xb7: {  	v26 =	vadd.s32 v28, v33;
	v37 =	vand.u32 $0xFFFFFF80, v60;
	v54 =	vmul.f32 $6.283185480e+00, v52  }
0xb8: {  	v21 =	vor.u32 v21, v26;
	v26 =	vadd.s32 v28, v37;
	v56 =	vmul.f32 $6.283185480e+00, v17  }
0xb9: {  	v42 =	vadd.f32 $9.999995820e-01, v36;
	v16 =	vmul.f32 $1.748455530e-07, v52;
	v20 =	vsub.f32 v38, v54  }
0xba: {  	v11 =	vadd.f32 $9.999992250e-01, v11;
	v17 =	vmul.f32 $1.748455530e-07, v17;
	v23 =	vsub.f32 v41, v56  }
0xbb: {  	v24 =	vor.u32 v24, v26;
	v7 =	vadd.f32 v39, v22;
	v16 =	vadd.f32 v20, v16  }
0xbc: {  	s16 =	sor.u32 $0x200, s8;
	v39 =	vand.u32 $0xFFFFFF80, v35;
	v8 =	vmul.f32 v42, v19;
	v17 =	vadd.f32 v23, v17  }
0xbd: {  	v62 =	vld [tilespmem:s16+$0x10000];
	v46 =	vsel vm8, v11, v44;
	v18 =	vsel vm12, v11, v51;
	v61 =	vmul.f32 v16, v16  }
0xbe: {  	v47 =	vld [tilespmem:s18+$0x11000];
	v12 =	vsel vm15, v11, v58;
	vm12 =	veq.s32 v49, $0x2;
	v17 =	vmul.f32 v17, v17  }
0xbf: {  	v48 =	vsel vm9, v8, v46;
	v18 =	vsel vm10, v8, v18;
	v34 =	vmul.f32 $2.036622430e-08, v61  }
0xc0: {  	v12 =	vsel vm13, v8, v12;
	v53 =	vmul.f32 $1.591549370e-01, v48;
	v36 =	vmul.f32 $2.197887170e-07, v17  }
0xc1: {  	vm13 =	veq.s32 v49, $0x1;
	v63 =	vmul.f32 $1.591549370e-01, v18;
	v27 =	vsub.f32 $2.699822740e-06, v34  }
0xc2: {  	v38 =	vand.u32 $0xFFFFFF80, v62;
	v19 =	vadd.f32 $1.258291200e+07, v53;
	v30 =	vsub.f32 $2.420439890e-05, v36  }
0xc3: {  	vm9 =	veq.s32 v47, $0x2;
	v26 =	vadd.s32 v28, v38;
	v27 =	vmul.f32 v27, v61  }
0xc4: {  	v20 =	vand.u32 $0x7F, v62;
	v19 =	vadd.f32 $-1.258291200e+07, v19;
	v30 =	vmul.f32 v30, v17  }
0xc5: {  	v21 =	vld.idx.msk [tilespmem:v21+s2+$0x0], $0xffff;
	vm10 =	veq.s32 v47, $0x1;
	v20 =	vor.u32 v20, v26;
	v27 =	vadd.f32 $-1.980873930e-04, v27  }
0xc6: {  	v24 =	vld.idx.msk [tilespmem:v24+s2+$0x0], $0xffff;
	v26 =	vadd.s32 v28, v39;
	v59 =	vmul.f32 $6.283185480e+00, v19;
	v40 =	vadd.f32 $-1.385891580e-03, v30  }
0xc7: {  	v41 =	vld [tilespmem:s26+$0x11000];
	v25 =	vadd.f32 $1.258291200e+07, v63;
	v26 =	vor.u32 v29, v26;
	v27 =	vmul.f32 v27, v61  }
0xc8: {  	v19 =	vmul.f32 $1.748455530e-07, v19;
	v15 =	vsub.f32 v48, v59;
	v42 =	vmul.f32 v40, v17  }
0xc9: {  	vm11 =	veq.s32 v47, $0x0;
	v25 =	vadd.f32 $-1.258291200e+07, v25;
	v27 =	vadd.f32 $8.332408030e-03, v27  }
0xca: {  	v53 =	vld [tilespmem:s25+$0x11000];
	v28 =	vsel vm6, v11, v43;
	v15 =	vadd.f32 v15, v19;
	v19 =	vadd.f32 $4.165982080e-02, v42  }
0xcb: {  	v28 =	vsel vm4, v8, v28;
	v21 =	vmul.f32 v24, v21;
	v20 =	vld.idx.msk [tilespmem:v20+s2+$0x0], $0xffff;
	v27 =	vmul.f32 v27, v61  }
0xcc: {  	v45 =	vmul.f32 $6.283185480e+00, v25;
	vm7 =	veq.s32 v41, $0x2;
	v26 =	vld.idx.msk [tilespmem:v26+s2+$0x0], $0xffff;
	v19 =	vmul.f32 v19, v17  }
0xcd: {  	v25 =	vmul.f32 $1.748455530e-07, v25;
	vm8 =	veq.s32 v41, $0x0;
	v27 =	vadd.f32 $-1.666655390e-01, v27  }
0xce: {  	vm15 =	veq.s32 v41, $0x1;
	v18 =	vsub.f32 v18, v45;
	v19 =	vadd.f32 $-4.999942780e-01, v19  }
0xcf: {  	vm4 =	veq.s32 v53, $0x0;
	vm5 =	veq.s32 v53, $0x2;
	v23 =	vmul.f32 v27, v61  }
0xd0: {  	vm6 =	veq.s32 v53, $0x1;
	v18 =	vadd.f32 v18, v25;
	v17 =	vmul.f32 v19, v17  }
0xd1: {  	v44 =	vmul.f32 v15, v15;
	v20 =	vadd.f32 v26, v20;
	v23 =	vadd.f32 $9.999995820e-01, v23  }
0xd2: {  	v48 =	vsel vm7, v13, v14;
	v18 =	vmul.f32 v18, v18;
	v17 =	vadd.f32 $9.999992250e-01, v17  }
0xd3: {  	v60 =	vld [tilespmem:s18+$0x11100];
	v46 =	vmul.f32 $2.036622430e-08, v44;
	v50 =	vsel vm9, v21, v20;
	v16 =	vmul.f32 v23, v16  }
0xd4: {  	v47 =	vld [tilespmem:s19+$0x12000];
	v51 =	vmul.f32 $2.197887170e-07, v18;
	v26 =	vsel vm12, v21, v20;
	v23 =	vsel vm10, v17, v50  }
0xd5: {  	v31 =	vsub.f32 $2.699822740e-06, v46;
	v26 =	vsel vm13, v17, v26;
	v23 =	vsel vm11, v16, v23  }
0xd6: {  	v63 =	vld [tilespmem:s16+$0x11000];
	v24 =	vsub.f32 $2.420439890e-05, v51;
	v55 =	vsel vm14, v16, v26;
	v56 =	vmul.f32 $1.591549370e-01, v23  }
0xd7: {  	v62 =	vld [tilespmem:s30+$0x11000];
	v13 =	vsel vm5, v13, v14;
	v31 =	vmul.f32 v31, v44;
	v57 =	vmul.f32 $1.591549370e-01, v55  }
0xd8: {  	vm7 =	veq.s32 v60, $0x2;
	v54 =	vmul.f32 v24, v18;
	v26 =	vadd.f32 $1.258291200e+07, v56  }
0xd9: {  	vm5 =	veq.s32 v47, $0x2;
	v52 =	vadd.f32 $-1.980873930e-04, v31;
	v29 =	vadd.f32 $1.258291200e+07, v57  }
0xda: {  	v41 =	vsel vm7, v21, v20;
	v19 =	vadd.f32 $-1.385891580e-03, v54;
	v26 =	vadd.f32 $-1.258291200e+07, v26  }
0xdb: {  	vm9 =	veq.s32 v63, $0x2;
	v25 =	vmul.f32 v52, v44;
	v29 =	vadd.f32 $-1.258291200e+07, v29  }
0xdc: {  	v37 =	vld [tilespmem:s14+$0x11000];
	vm12 =	veq.s32 v62, $0x1;
	v19 =	vmul.f32 v19, v18;
	v59 =	vmul.f32 $6.283185480e+00, v26  }
0xdd: {  	v51 =	vsel vm0, v1, v9;
	v25 =	vadd.f32 $8.332408030e-03, v25;
	v61 =	vmul.f32 $6.283185480e+00, v29  }
0xde: {  	v58 =	vadd.f32 $4.165982080e-02, v19;
	v26 =	vmul.f32 $1.748455530e-07, v26;
	v19 =	vsub.f32 v23, v59  }
0xdf: {  	v9 =	vmul.f32 v28, v12;
	v29 =	vmul.f32 $1.748455530e-07, v29;
	v24 =	vsub.f32 v55, v61  }
0xe0: {  	vm7 =	veq.s32 v62, $0x0;
	v25 =	vmul.f32 v25, v44;
	v19 =	vadd.f32 v19, v26  }
0xe1: {  	v45 =	vsel vm9, v21, v20;
	vm9 =	veq.s32 v37, $0x0;
	v39 =	vadd.f32 v24, v29  }
0xe2: {  	v27 =	vsel vm15, v11, v48;
	v25 =	vadd.f32 $-1.666655390e-01, v25;
	v40 =	vmul.f32 v19, v19  }
0xe3: {  	v11 =	vsel vm6, v11, v13;
	vm15 =	veq.s32 v47, $0x0;
	v42 =	vmul.f32 v39, v39  }
0xe4: {  	vm6 =	veq.s32 v60, $0x0;
	v22 =	vmul.f32 v25, v44;
	v44 =	vmul.f32 $2.036622430e-08, v40  }
0xe5: {  	v27 =	vsel vm8, v8, v27;
	v38 =	vsel vm4, v8, v11;
	v46 =	vmul.f32 $2.197887170e-07, v42  }
0xe6: {  	vm8 =	veq.s32 v62, $0x2;
	vm4 =	veq.s32 v47, $0x1;
	v24 =	vsub.f32 $2.699822740e-06, v44  }
0xe7: {  	v54 =	vsel vm5, v6, v7;
	v43 =	vsel vm8, v21, v20;
	v31 =	vsub.f32 $2.420439890e-05, v46  }
0xe8: {  	vm8 =	veq.s32 v63, $0x0;
	vm10 =	veq.s32 v37, $0x2;
	v48 =	vmul.f32 v24, v40  }
0xe9: {  	v32 =	vsel vm12, v17, v43;
	vm13 =	veq.s32 v63, $0x1;
	v50 =	vmul.f32 v31, v42  }
0xea: {  	v20 =	vsel vm10, v21, v20;
	v14 =	vmul.f32 v58, v18;
	v11 =	vadd.f32 $-1.980873930e-04, v48  }
0xeb: {  	vm11 =	veq.s32 v60, $0x1;
	v49 =	vsel vm13, v17, v45;
	v29 =	vadd.f32 $-1.385891580e-03, v50  }
0xec: {  	vm14 =	veq.s32 v37, $0x1;
	v36 =	vadd.f32 $-4.999942780e-01, v14;
	v52 =	vmul.f32 v11, v40  }
0xed: {  	v58 =	vld [tilespmem:s18+$0x12000];
	v57 =	vsel vm8, v16, v49;
	v22 =	vadd.f32 $9.999995820e-01, v22;
	v53 =	vmul.f32 v29, v42  }
0xee: {  	v13 =	vmul.f32 v36, v18;
	v18 =	vsel vm11, v17, v41;
	v12 =	vadd.f32 $8.332408030e-03, v52  }
0xef: {  	v17 =	vsel vm14, v17, v20;
	v8 =	vmul.f32 v22, v15;
	v55 =	vld [tilespmem:s3+$0x12000];
	v21 =	vadd.f32 $4.165982080e-02, v53  }
0xf0: {  	v18 =	vsel vm6, v16, v18;
	v13 =	vadd.f32 $9.999992250e-01, v13;
	v12 =	vmul.f32 v12, v40  }
0xf1: {  	v23 =	vsel vm7, v16, v32;
	v16 =	vsel vm9, v16, v17;
	v56 =	vmul.f32 v21, v42  }
0xf2: {  	vm13 =	veq.s32 v58, $0x2;
	v16 =	vadd.f32 v16, v57;
	v12 =	vadd.f32 $-1.666655390e-01, v12  }
0xf3: {  	vm14 =	veq.s32 v58, $0x1;
	v11 =	vadd.f32 $9.999992250e-01, v10;
	v14 =	vadd.f32 $-4.999942780e-01, v56  }
0xf4: {  	vm10 =	veq.s32 v55, $0x0;
	vm12 =	veq.s32 v55, $0x2;
	v15 =	vmul.f32 v12, v40  }
0xf5: {  	v10 =	vadd.f32 v38, v27;
	v26 =	vsel vm4, v11, v54;
	v14 =	vmul.f32 v14, v42  }
0xf6: {  	[tilespmem:s12+$0x14000] =	vst v51;
	v59 =	vsel vm15, v5, v26;
	v12 =	vmul.f32 v23, v18;
	v61 =	vadd.f32 $9.999995820e-01, v15  }
0xf7: {  	v62 =	vld [tilespmem:s7+$0x12000];
	vm11 =	veq.s32 v55, $0x1;
	v60 =	vsel vm12, v9, v10;
	[tilespmem:s19+$0x14000] =	vst v59;
	v15 =	vadd.f32 $9.999992250e-01, v14  }
0xf8: {  	v63 =	vld [tilespmem:s24+$0x12000];
	v18 =	vsel vm11, v13, v60;
	v24 =	vsel vm13, v12, v16;
	v14 =	vmul.f32 v61, v19  }
0xf9: {  	vm15 =	veq.s32 v58, $0x0;
	v18 =	vsel vm10, v8, v18;
	v25 =	vsel vm14, v15, v24  }
0xfa: {  	[tilespmem:s3+$0x14000] =	vst v18;
	v17 =	vsel vm15, v14, v25  }
0xfb: {  	v18 =	vld [tilespmem:s1+$0x12000];
	[tilespmem:s18+$0x14000] =	vst v17  }
0xfc: {  	vm5 =	veq.s32 v62, $0x2;
	vm6 =	veq.s32 v62, $0x1;
	v17 =	vld [tilespmem:s15+$0x12000]  }
0xfd: {  	vm4 =	veq.s32 v62, $0x0;
	v26 =	vsel vm5, v3, v4;
	vm7 =	veq.s32 v63, $0x2  }
0xfe: {  	vm8 =	veq.s32 v63, $0x1;
	v27 =	vsel vm7, v6, v7;
	v19 =	vsel vm6, v2, v26  }
0xff: {  	vm9 =	veq.s32 v63, $0x0;
	v20 =	vsel vm8, v11, v27;
	v19 =	vsel vm4, v1, v19  }
0x100: {  	v28 =	vsel vm9, v5, v20;
	[tilespmem:s7+$0x14000] =	vst v19;
	vm10 =	veq.s32 v18, $0x0;
	vm11 =	veq.s32 v18, $0x2  }
0x101: {  	[tilespmem:s24+$0x14000] =	vst v28;
	v29 =	vld [tilespmem:s12+$0x12100];
	vm12 =	veq.s32 v18, $0x1;
	v30 =	vsel vm11, v9, v10;
	vm13 =	veq.s32 v17, $0x2  }
0x102: {  	v31 =	vld [tilespmem:s19+$0x12100];
	v18 =	vsel vm12, v13, v30;
	vm14 =	veq.s32 v17, $0x1;
	v32 =	vsel vm13, v12, v16  }
0x103: {  	v18 =	vsel vm10, v8, v18;
	vm15 =	veq.s32 v17, $0x0;
	v33 =	vsel vm14, v15, v32  }
0x104: {  	[tilespmem:s1+$0x14000] =	vst v18;
	v17 =	vsel vm15, v14, v33  }
0x105: {  	v34 =	vld [tilespmem:s3+$0x12100];
	[tilespmem:s15+$0x14000] =	vst v17  }
0x106: {  	vm4 =	veq.s32 v29, $0x0;
	vm5 =	veq.s32 v29, $0x2;
	v35 =	vld [tilespmem:s18+$0x12100]  }
0x107: {  	vm6 =	veq.s32 v29, $0x1;
	vm7 =	veq.s32 v31, $0x2;
	v36 =	vsel vm5, v3, v4  }
0x108: {  	vm8 =	veq.s32 v31, $0x1;
	v37 =	vsel vm7, v6, v7;
	v19 =	vsel vm6, v2, v36  }
0x109: {  	vm9 =	veq.s32 v31, $0x0;
	v38 =	vsel vm8, v11, v37;
	v19 =	vsel vm4, v1, v19  }
0x10a: {  	v39 =	vsel vm9, v5, v38;
	[tilespmem:s12+$0x14100] =	vst v19;
	vm10 =	veq.s32 v34, $0x0;
	vm11 =	veq.s32 v34, $0x2  }
0x10b: {  	[tilespmem:s19+$0x14100] =	vst v39;
	v40 =	vld [tilespmem:s6+$0x12000];
	vm12 =	veq.s32 v34, $0x1;
	v41 =	vsel vm11, v9, v10;
	vm13 =	veq.s32 v35, $0x2  }
0x10c: {  	v19 =	vld [tilespmem:s17+$0x12000];
	v17 =	vsel vm12, v13, v41;
	vm14 =	veq.s32 v35, $0x1;
	v42 =	vsel vm13, v12, v16  }
0x10d: {  	v17 =	vsel vm10, v8, v17;
	vm15 =	veq.s32 v35, $0x0;
	v43 =	vsel vm14, v15, v42  }
0x10e: {  	[tilespmem:s3+$0x14100] =	vst v17;
	v44 =	vsel vm15, v14, v43  }
0x10f: {  	v45 =	vld [tilespmem:s11+$0x12000];
	[tilespmem:s18+$0x14100] =	vst v44  }
0x110: {  	vm4 =	veq.s32 v40, $0x0;
	vm5 =	veq.s32 v40, $0x2;
	v17 =	vld [tilespmem:s30+$0x12000]  }
0x111: {  	vm6 =	veq.s32 v40, $0x1;
	vm7 =	veq.s32 v19, $0x2;
	v46 =	vsel vm5, v3, v4  }
0x112: {  	vm8 =	veq.s32 v19, $0x1;
	v47 =	vsel vm7, v6, v7;
	v20 =	vsel vm6, v2, v46  }
0x113: {  	vm9 =	veq.s32 v19, $0x0;
	v48 =	vsel vm8, v11, v47;
	v20 =	vsel vm4, v1, v20  }
0x114: {  	v19 =	vsel vm9, v5, v48;
	[tilespmem:s6+$0x14000] =	vst v20;
	vm10 =	veq.s32 v45, $0x0;
	vm11 =	veq.s32 v45, $0x2  }
0x115: {  	[tilespmem:s17+$0x14000] =	vst v19;
	v49 =	vld [tilespmem:s4+$0x12000];
	vm12 =	veq.s32 v45, $0x1;
	v50 =	vsel vm11, v9, v10;
	vm13 =	veq.s32 v17, $0x2  }
0x116: {  	v51 =	vld [tilespmem:s9+$0x12000];
	v18 =	vsel vm12, v13, v50;
	vm14 =	veq.s32 v17, $0x1;
	v52 =	vsel vm13, v12, v16  }
0x117: {  	v18 =	vsel vm10, v8, v18;
	vm15 =	veq.s32 v17, $0x0;
	v53 =	vsel vm14, v15, v52  }
0x118: {  	[tilespmem:s11+$0x14000] =	vst v18;
	v17 =	vsel vm15, v14, v53  }
0x119: {  	v54 =	vld [tilespmem:s26+$0x12000];
	[tilespmem:s30+$0x14000] =	vst v17  }
0x11a: {  	vm4 =	veq.s32 v49, $0x0;
	vm5 =	veq.s32 v49, $0x2;
	v55 =	vld [tilespmem:s16+$0x12000]  }
0x11b: {  	vm6 =	veq.s32 v49, $0x1;
	vm7 =	veq.s32 v51, $0x2;
	v56 =	vsel vm5, v3, v4  }
0x11c: {  	vm8 =	veq.s32 v51, $0x1;
	v57 =	vsel vm7, v6, v7;
	v19 =	vsel vm6, v2, v56  }
0x11d: {  	vm9 =	veq.s32 v51, $0x0;
	v58 =	vsel vm8, v11, v57;
	v19 =	vsel vm4, v1, v19  }
0x11e: {  	v59 =	vsel vm9, v5, v58;
	[tilespmem:s4+$0x14000] =	vst v19;
	vm10 =	veq.s32 v54, $0x0;
	vm11 =	veq.s32 v54, $0x2  }
0x11f: {  	[tilespmem:s9+$0x14000] =	vst v59;
	v60 =	vld [tilespmem:s22+$0x12000];
	vm12 =	veq.s32 v54, $0x1;
	v61 =	vsel vm11, v9, v10;
	vm13 =	veq.s32 v55, $0x2  }
0x120: {  	v62 =	vld [tilespmem:s10+$0x12000];
	v17 =	vsel vm12, v13, v61;
	vm14 =	veq.s32 v55, $0x1;
	v63 =	vsel vm13, v12, v16  }
0x121: {  	v17 =	vsel vm10, v8, v17;
	vm15 =	veq.s32 v55, $0x0;
	v22 =	vsel vm14, v15, v63  }
0x122: {  	[tilespmem:s26+$0x14000] =	vst v17;
	v23 =	vsel vm15, v14, v22  }
0x123: {  	v24 =	vld [tilespmem:s25+$0x12000];
	[tilespmem:s16+$0x14000] =	vst v23  }
0x124: {  	vm4 =	veq.s32 v60, $0x0;
	vm5 =	veq.s32 v60, $0x2;
	v25 =	vld [tilespmem:s14+$0x12000]  }
0x125: {  	vm6 =	veq.s32 v60, $0x1;
	vm7 =	veq.s32 v62, $0x2;
	v26 =	vsel vm5, v3, v4  }
0x126: {  	vm8 =	veq.s32 v62, $0x1;
	v27 =	vsel vm7, v6, v7;
	v19 =	vsel vm6, v2, v26  }
0x127: {  	s11 =	rddreg [dreg:$0x12];
	vm9 =	veq.s32 v62, $0x0;
	v28 =	vsel vm8, v11, v27;
	v19 =	vsel vm4, v1, v19  }
0x128: {  	s17 =	sor.u32 $0x300, s11;
	v29 =	vsel vm9, v5, v28;
	[tilespmem:s22+$0x14000] =	vst v19;
	s16 =	rddreg [dreg:$0x15];
	vm10 =	veq.s32 v24, $0x0;
	vm11 =	veq.s32 v24, $0x2  }
0x129: {  	[tilespmem:s10+$0x14000] =	vst v29;
	v30 =	vld [tilespmem:s17+$0x12000];
	s22 =	sor.u32 $0x300, s16;
	vm12 =	veq.s32 v24, $0x1;
	v31 =	vsel vm11, v9, v10;
	vm13 =	veq.s32 v25, $0x2  }
0x12a: {  	v19 =	vld [tilespmem:s22+$0x12000];
	v17 =	vsel vm12, v13, v31;
	vm14 =	veq.s32 v25, $0x1;
	v32 =	vsel vm13, v12, v16  }
0x12b: {  	v17 =	vsel vm10, v8, v17;
	vm15 =	veq.s32 v25, $0x0;
	v33 =	vsel vm14, v15, v32  }
0x12c: {  	s24 =	sor.u32 $0x300, s23;
	[tilespmem:s25+$0x14000] =	vst v17;
	v34 =	vsel vm15, v14, v33  }
0x12d: {  	s25 =	sor.u32 $0x300, s8;
	v35 =	vld [tilespmem:s24+$0x12000];
	[tilespmem:s14+$0x14000] =	vst v34  }
0x12e: {  	vm4 =	veq.s32 v30, $0x0;
	vm5 =	veq.s32 v30, $0x2;
	v17 =	vld [tilespmem:s25+$0x12000]  }
0x12f: {  	vm6 =	veq.s32 v30, $0x1;
	v36 =	vsel vm5, v3, v4;
	vm7 =	veq.s32 v19, $0x2  }
0x130: {  	v20 =	vsel vm6, v2, v36;
	vm8 =	veq.s32 v19, $0x1;
	v37 =	vsel vm7, v6, v7  }
0x131: {  	s9 =	rddreg [dreg:$0x11];
	vm9 =	veq.s32 v19, $0x0;
	v20 =	vsel vm4, v1, v20;
	v38 =	vsel vm8, v11, v37  }
0x132: {  	s26 =	sor.u32 $0x380, s9;
	[tilespmem:s17+$0x14000] =	vst v20;
	v19 =	vsel vm9, v5, v38;
	s14 =	rddreg [dreg:$0x14];
	vm10 =	veq.s32 v35, $0x0;
	vm11 =	veq.s32 v35, $0x2  }
0x133: {  	v20 =	vld [tilespmem:s26+$0x12000];
	[tilespmem:s22+$0x14000] =	vst v19;
	s30 =	sor.u32 $0x380, s14;
	vm12 =	veq.s32 v35, $0x1;
	v39 =	vsel vm11, v9, v10;
	vm13 =	veq.s32 v17, $0x2  }
0x134: {  	v19 =	vld [tilespmem:s30+$0x12000];
	v18 =	vsel vm12, v13, v39;
	vm14 =	veq.s32 v17, $0x1;
	v40 =	vsel vm13, v12, v16  }
0x135: {  	v18 =	vsel vm10, v8, v18;
	vm15 =	veq.s32 v17, $0x0;
	v41 =	vsel vm14, v15, v40  }
0x136: {  	s10 =	sor.u32 $0x380, s20;
	[tilespmem:s24+$0x14000] =	vst v18;
	v17 =	vsel vm15, v14, v41  }
0x137: {  	s17 =	sor.u32 $0x380, s28;
	v18 =	vld [tilespmem:s10+$0x12000];
	[tilespmem:s25+$0x14000] =	vst v17  }
0x138: {  	vm4 =	veq.s32 v20, $0x0;
	vm5 =	veq.s32 v20, $0x2;
	v17 =	vld [tilespmem:s17+$0x12000]  }
0x139: {  	vm6 =	veq.s32 v20, $0x1;
	v42 =	vsel vm5, v3, v4;
	vm7 =	veq.s32 v19, $0x2  }
0x13a: {  	v20 =	vsel vm6, v2, v42;
	vm8 =	veq.s32 v19, $0x1;
	v43 =	vsel vm7, v6, v7  }
0x13b: {  	vm9 =	veq.s32 v19, $0x0;
	v20 =	vsel vm4, v1, v20;
	v44 =	vsel vm8, v11, v43  }
0x13c: {  	[tilespmem:s26+$0x14000] =	vst v20;
	v19 =	vsel vm9, v5, v44;
	vm10 =	veq.s32 v18, $0x0;
	vm11 =	veq.s32 v18, $0x2  }
0x13d: {  	v20 =	vld [tilespmem:s12+$0x13000];
	[tilespmem:s30+$0x14000] =	vst v19;
	vm12 =	veq.s32 v18, $0x1;
	v45 =	vsel vm11, v9, v10;
	vm13 =	veq.s32 v17, $0x2  }
0x13e: {  	v19 =	vld [tilespmem:s19+$0x13000];
	v18 =	vsel vm12, v13, v45;
	vm14 =	veq.s32 v17, $0x1;
	v46 =	vsel vm13, v12, v16  }
0x13f: {  	v18 =	vsel vm10, v8, v18;
	vm15 =	veq.s32 v17, $0x0;
	v47 =	vsel vm14, v15, v46  }
0x140: {  	[tilespmem:s10+$0x14000] =	vst v18;
	v17 =	vsel vm15, v14, v47  }
0x141: {  	v18 =	vld [tilespmem:s3+$0x13000];
	[tilespmem:s17+$0x14000] =	vst v17  }
0x142: {  	vm4 =	veq.s32 v20, $0x0;
	vm5 =	veq.s32 v20, $0x2;
	v17 =	vld [tilespmem:s18+$0x13000]  }
0x143: {  	vm6 =	veq.s32 v20, $0x1;
	v48 =	vsel vm5, v3, v4;
	vm7 =	veq.s32 v19, $0x2  }
0x144: {  	v20 =	vsel vm6, v2, v48;
	vm8 =	veq.s32 v19, $0x1;
	v49 =	vsel vm7, v6, v7  }
0x145: {  	vm9 =	veq.s32 v19, $0x0;
	v20 =	vsel vm4, v1, v20;
	v50 =	vsel vm8, v11, v49  }
0x146: {  	s22 =	sor.u32 $0x1080, s13;
	s24 =	rddreg [dreg:$0x13];
	[tilespmem:s12+$0x15000] =	vst v20;
	v19 =	vsel vm9, v5, v50;
	vm10 =	veq.s32 v18, $0x0;
	vm11 =	veq.s32 v18, $0x2  }
0x147: {  	s25 =	sor.u32 $0x1080, s24;
	v20 =	vld [tilespmem:s22+$0x12000];
	[tilespmem:s19+$0x15000] =	vst v19;
	vm12 =	veq.s32 v18, $0x1;
	v51 =	vsel vm11, v9, v10;
	vm13 =	veq.s32 v17, $0x2  }
0x148: {  	v19 =	vld [tilespmem:s25+$0x12000];
	v18 =	vsel vm12, v13, v51;
	vm14 =	veq.s32 v17, $0x1;
	v52 =	vsel vm13, v12, v16  }
0x149: {  	v18 =	vsel vm10, v8, v18;
	vm15 =	veq.s32 v17, $0x0;
	v53 =	vsel vm14, v15, v52  }
0x14a: {  	s26 =	sor.u32 $0x1080, s5;
	[tilespmem:s3+$0x15000] =	vst v18;
	v17 =	vsel vm15, v14, v53  }
0x14b: {  	s30 =	sor.u32 $0x1080, s21;
	v18 =	vld [tilespmem:s26+$0x12000];
	[tilespmem:s18+$0x15000] =	vst v17  }
0x14c: {  	vm4 =	veq.s32 v20, $0x0;
	vm5 =	veq.s32 v20, $0x2;
	v17 =	vld [tilespmem:s30+$0x12000]  }
0x14d: {  	vm6 =	veq.s32 v20, $0x1;
	v54 =	vsel vm5, v3, v4;
	vm7 =	veq.s32 v19, $0x2  }
0x14e: {  	v20 =	vsel vm6, v2, v54;
	vm8 =	veq.s32 v19, $0x1;
	v55 =	vsel vm7, v6, v7  }
0x14f: {  	vm9 =	veq.s32 v19, $0x0;
	v20 =	vsel vm4, v1, v20;
	v56 =	vsel vm8, v11, v55  }
0x150: {  	[tilespmem:s22+$0x14000] =	vst v20;
	v19 =	vsel vm9, v5, v56;
	vm10 =	veq.s32 v18, $0x0;
	vm11 =	veq.s32 v18, $0x2  }
0x151: {  	v57 =	vld [tilespmem:s12+$0x13100];
	[tilespmem:s25+$0x14000] =	vst v19;
	vm12 =	veq.s32 v18, $0x1;
	v58 =	vsel vm11, v9, v10;
	vm13 =	veq.s32 v17, $0x2  }
0x152: {  	v59 =	vld [tilespmem:s19+$0x13100];
	v18 =	vsel vm12, v13, v58;
	vm14 =	veq.s32 v17, $0x1;
	v60 =	vsel vm13, v12, v16  }
0x153: {  	v18 =	vsel vm10, v8, v18;
	vm15 =	veq.s32 v17, $0x0;
	v61 =	vsel vm14, v15, v60  }
0x154: {  	[tilespmem:s26+$0x14000] =	vst v18;
	v17 =	vsel vm15, v14, v61  }
0x155: {  	v62 =	vld [tilespmem:s3+$0x13100];
	[tilespmem:s30+$0x14000] =	vst v17  }
0x156: {  	vm4 =	veq.s32 v57, $0x0;
	vm5 =	veq.s32 v57, $0x2;
	v63 =	vld [tilespmem:s18+$0x13100]  }
0x157: {  	vm6 =	veq.s32 v57, $0x1;
	v24 =	vsel vm5, v3, v4;
	vm7 =	veq.s32 v59, $0x2  }
0x158: {  	v19 =	vsel vm6, v2, v24;
	vm8 =	veq.s32 v59, $0x1;
	v25 =	vsel vm7, v6, v7  }
0x159: {  	vm9 =	veq.s32 v59, $0x0;
	v19 =	vsel vm4, v1, v19;
	v26 =	vsel vm8, v11, v25  }
0x15a: {  	s17 =	sor.u32 $0x1180, s13;
	[tilespmem:s12+$0x15100] =	vst v19;
	v27 =	vsel vm9, v5, v26;
	vm10 =	veq.s32 v62, $0x0;
	vm11 =	veq.s32 v62, $0x2  }
0x15b: {  	s22 =	sor.u32 $0x1180, s24;
	v28 =	vld [tilespmem:s17+$0x12000];
	[tilespmem:s19+$0x15100] =	vst v27;
	vm12 =	veq.s32 v62, $0x1;
	v29 =	vsel vm11, v9, v10;
	vm13 =	veq.s32 v63, $0x2  }
0x15c: {  	v30 =	vld [tilespmem:s22+$0x12000];
	v17 =	vsel vm12, v13, v29;
	vm14 =	veq.s32 v63, $0x1;
	v31 =	vsel vm13, v12, v16  }
0x15d: {  	v17 =	vsel vm10, v8, v17;
	vm15 =	veq.s32 v63, $0x0;
	v32 =	vsel vm14, v15, v31  }
0x15e: {  	s24 =	sor.u32 $0x1180, s5;
	[tilespmem:s3+$0x15100] =	vst v17;
	v33 =	vsel vm15, v14, v32  }
0x15f: {  	s25 =	sor.u32 $0x1180, s21;
	v34 =	vld [tilespmem:s24+$0x12000];
	[tilespmem:s18+$0x15100] =	vst v33  }
0x160: {  	vm4 =	veq.s32 v28, $0x0;
	vm5 =	veq.s32 v28, $0x2;
	v17 =	vld [tilespmem:s25+$0x12000]  }
0x161: {  	vm6 =	veq.s32 v28, $0x1;
	v35 =	vsel vm5, v3, v4;
	vm7 =	veq.s32 v30, $0x2  }
0x162: {  	v19 =	vsel vm6, v2, v35;
	vm8 =	veq.s32 v30, $0x1;
	v36 =	vsel vm7, v6, v7  }
0x163: {  	vm9 =	veq.s32 v30, $0x0;
	v19 =	vsel vm4, v1, v19;
	v37 =	vsel vm8, v11, v36  }
0x164: {  	s26 =	sor.u32 $0x1200, s11;
	[tilespmem:s17+$0x14000] =	vst v19;
	v38 =	vsel vm9, v5, v37;
	vm10 =	veq.s32 v34, $0x0;
	vm11 =	veq.s32 v34, $0x2  }
0x165: {  	s30 =	sor.u32 $0x1200, s16;
	v39 =	vld [tilespmem:s26+$0x12000];
	[tilespmem:s22+$0x14000] =	vst v38;
	vm12 =	veq.s32 v34, $0x1;
	v40 =	vsel vm11, v9, v10;
	vm13 =	veq.s32 v17, $0x2  }
0x166: {  	v19 =	vld [tilespmem:s30+$0x12000];
	v18 =	vsel vm12, v13, v40;
	vm14 =	veq.s32 v17, $0x1;
	v41 =	vsel vm13, v12, v16  }
0x167: {  	v18 =	vsel vm10, v8, v18;
	vm15 =	veq.s32 v17, $0x0;
	v42 =	vsel vm14, v15, v41  }
0x168: {  	s6 =	sor.u32 $0x1200, s23;
	[tilespmem:s24+$0x14000] =	vst v18;
	v17 =	vsel vm15, v14, v42  }
0x169: {  	s7 =	sor.u32 $0x1200, s8;
	v18 =	vld [tilespmem:s6+$0x12000];
	[tilespmem:s25+$0x14000] =	vst v17  }
0x16a: {  	vm4 =	veq.s32 v39, $0x0;
	vm5 =	veq.s32 v39, $0x2;
	v17 =	vld [tilespmem:s7+$0x12000]  }
0x16b: {  	vm6 =	veq.s32 v39, $0x1;
	v43 =	vsel vm5, v3, v4;
	vm7 =	veq.s32 v19, $0x2  }
0x16c: {  	v20 =	vsel vm6, v2, v43;
	vm8 =	veq.s32 v19, $0x1;
	v44 =	vsel vm7, v6, v7  }
0x16d: {  	vm9 =	veq.s32 v19, $0x0;
	v20 =	vsel vm4, v1, v20;
	v45 =	vsel vm8, v11, v44  }
0x16e: {  	s10 =	sor.u32 $0x1280, s9;
	[tilespmem:s26+$0x14000] =	vst v20;
	v19 =	vsel vm9, v5, v45;
	vm10 =	veq.s32 v18, $0x0;
	vm11 =	veq.s32 v18, $0x2  }
0x16f: {  	s12 =	sor.u32 $0x1280, s14;
	v20 =	vld [tilespmem:s10+$0x12000];
	[tilespmem:s30+$0x14000] =	vst v19;
	vm12 =	veq.s32 v18, $0x1;
	v46 =	vsel vm11, v9, v10;
	vm13 =	veq.s32 v17, $0x2  }
0x170: {  	v19 =	vld [tilespmem:s12+$0x12000];
	v18 =	vsel vm12, v13, v46;
	vm14 =	veq.s32 v17, $0x1;
	v47 =	vsel vm13, v12, v16  }
0x171: {  	v18 =	vsel vm10, v8, v18;
	vm15 =	veq.s32 v17, $0x0;
	v48 =	vsel vm14, v15, v47  }
0x172: {  	s13 =	sor.u32 $0x1280, s20;
	[tilespmem:s6+$0x14000] =	vst v18;
	v17 =	vsel vm15, v14, v48  }
0x173: {  	s17 =	sor.u32 $0x1280, s28;
	v18 =	vld [tilespmem:s13+$0x12000];
	[tilespmem:s7+$0x14000] =	vst v17  }
0x174: {  	vm4 =	veq.s32 v20, $0x0;
	vm5 =	veq.s32 v20, $0x2;
	v17 =	vld [tilespmem:s17+$0x12000]  }
0x175: {  	vm6 =	veq.s32 v20, $0x1;
	v49 =	vsel vm5, v3, v4;
	vm7 =	veq.s32 v19, $0x2  }
0x176: {  	v20 =	vsel vm6, v2, v49;
	vm8 =	veq.s32 v19, $0x1;
	v50 =	vsel vm7, v6, v7  }
0x177: {  	vm9 =	veq.s32 v19, $0x0;
	v20 =	vsel vm4, v1, v20;
	v51 =	vsel vm8, v11, v50  }
0x178: {  	s18 =	sor.u32 $0x1300, s11;
	[tilespmem:s10+$0x14000] =	vst v20;
	v19 =	vsel vm9, v5, v51;
	vm10 =	veq.s32 v18, $0x0;
	vm11 =	veq.s32 v18, $0x2  }
0x179: {  	s19 =	sor.u32 $0x1300, s16;
	v20 =	vld [tilespmem:s18+$0x12000];
	[tilespmem:s12+$0x14000] =	vst v19;
	vm12 =	veq.s32 v18, $0x1;
	v52 =	vsel vm11, v9, v10;
	vm13 =	veq.s32 v17, $0x2  }
0x17a: {  	v19 =	vld [tilespmem:s19+$0x12000];
	v18 =	vsel vm12, v13, v52;
	vm14 =	veq.s32 v17, $0x1;
	v53 =	vsel vm13, v12, v16  }
0x17b: {  	v18 =	vsel vm10, v8, v18;
	vm15 =	veq.s32 v17, $0x0;
	v54 =	vsel vm14, v15, v53  }
0x17c: {  	s21 =	sor.u32 $0x1300, s23;
	[tilespmem:s13+$0x14000] =	vst v18;
	v17 =	vsel vm15, v14, v54  }
0x17d: {  	s22 =	sor.u32 $0x1300, s8;
	v18 =	vld [tilespmem:s21+$0x12000];
	[tilespmem:s17+$0x14000] =	vst v17  }
0x17e: {  	vm4 =	veq.s32 v20, $0x0;
	vm5 =	veq.s32 v20, $0x2;
	v17 =	vld [tilespmem:s22+$0x12000]  }
0x17f: {  	vm6 =	veq.s32 v20, $0x1;
	v55 =	vsel vm5, v3, v4;
	vm7 =	veq.s32 v19, $0x2  }
0x180: {  	v20 =	vsel vm6, v2, v55;
	vm8 =	veq.s32 v19, $0x1;
	v56 =	vsel vm7, v6, v7  }
0x181: {  	vm9 =	veq.s32 v19, $0x0;
	v20 =	vsel vm4, v1, v20;
	v57 =	vsel vm8, v11, v56  }
0x182: {  	s23 =	sor.u32 $0x1380, s9;
	[tilespmem:s18+$0x14000] =	vst v20;
	v19 =	vsel vm9, v5, v57;
	vm10 =	veq.s32 v18, $0x0;
	vm11 =	veq.s32 v18, $0x2  }
0x183: {  	s24 =	sor.u32 $0x1380, s14;
	v20 =	vld [tilespmem:s23+$0x12000];
	[tilespmem:s19+$0x14000] =	vst v19;
	vm12 =	veq.s32 v18, $0x1;
	v58 =	vsel vm11, v9, v10;
	vm13 =	veq.s32 v17, $0x2  }
0x184: {  	v19 =	vld [tilespmem:s24+$0x12000];
	v18 =	vsel vm12, v13, v58;
	vm14 =	veq.s32 v17, $0x1;
	v59 =	vsel vm13, v12, v16  }
0x185: {  	v60 =	vsel vm10, v8, v18;
	vm15 =	veq.s32 v17, $0x0;
	v61 =	vsel vm14, v15, v59  }
0x186: {  	s25 =	sor.u32 $0x1380, s20;
	[tilespmem:s21+$0x14000] =	vst v60;
	v62 =	vsel vm15, v14, v61  }
0x187: {  	s26 =	sor.u32 $0x1380, s28;
	v63 =	vld [tilespmem:s25+$0x12000];
	[tilespmem:s22+$0x14000] =	vst v62  }
0x188: {  	vm4 =	veq.s32 v20, $0x0;
	vm5 =	veq.s32 v20, $0x2;
	v17 =	vld [tilespmem:s26+$0x12000]  }
0x189: {  	vm6 =	veq.s32 v20, $0x1;
	v3 =	vsel vm5, v3, v4;
	vm7 =	veq.s32 v19, $0x2  }
0x18a: {  	s30 =	rddreg [dreg:$0xf];
	v2 =	vsel vm6, v2, v3;
	vm8 =	veq.s32 v19, $0x1;
	v3 =	vsel vm7, v6, v7  }
0x18b: {  	s1 =	sadd.s32 $0x4, s30;
	vm9 =	veq.s32 v19, $0x0;
	v1 =	vsel vm4, v1, v2;
	v2 =	vsel vm8, v11, v3  }
0x18c: {  	p1 =	slt.u32 s1, $0xC;
	v2 =	vsel vm9, v5, v2;
	vm10 =	veq.s32 v63, $0x0;
	vm11 =	veq.s32 v63, $0x2  }
.Ltmp0:
0x18d: {  	vm12 =	veq.s32 v63, $0x1;
	v3 =	vsel vm11, v9, v10;
	vm13 =	veq.s32 v17, $0x2;
	(pc) =	sbr.rel @p1 .LBB2_2-.Ltmp0, $4  }
0x18e: {  	[tilespmem:s23+$0x14000] =	vst v1;
	v1 =	vsel vm12, v13, v3;
	vm14 =	veq.s32 v17, $0x1;
	v3 =	vsel vm13, v12, v16  }
0x18f: {  	s0 =	sadd.s32 $0x4, s0;
	[tilespmem:s24+$0x14000] =	vst v2;
	v1 =	vsel vm10, v8, v1;
	vm15 =	veq.s32 v17, $0x0;
	v2 =	vsel vm14, v15, v3  }
0x190: {  	p0 =	por !p0, !p0;
	s29 =	sadd.s32 $0x40, s29;
	s15 =	rddreg [dreg:$0x10];
	[tilespmem:s25+$0x14000] =	vst v1;
	v1 =	vsel vm15, v14, v2  }
0x191: {  	s31 =	sadd.s32 $0x200, s31;
	s15 =	sadd.s32 $0x2, s15;
	s28 =	sadd.s32 $0x240, s28;
	[tilespmem:s26+$0x14000] =	vst v1  }
0x192: {  	s26 =	simm.s32 $0x0;
	s0 =	rddreg [dreg:$0xb];
	s1 =	simm.s32 $0x14000  }
0x193: {  	[hbm4b:s0+s26] =	stream.linear.scatter [tilespmem:s1], [sflag:$0x2], $0x800, $0x38;
	[tilespmem:$0x16000] =	vst v63  }
0x194: {  	s24 =	simm.s32 $0x15000;
	s25 =	simm.s32 $0x4;
	s0 =	sadd.s32 $0x4000, s0  }
0x195: {  	[hbm4b:s0+s26] =	stream.linear.scatter [tilespmem:s24], [sflag:$0x2], $0x800, $0x38;
	[tilespmem:$0x16000] =	vst v63  }
0x196: {  	s28 =	simm.s32 $0x800;
	s29 =	simm.s32 $0x930;
	_ =	swait.ge [sflag:s25], $0x8000  }
0x197: {  	p0 =	por $0x0, $0x0;
	s30 =	simm.s32 $0x130;
	[sflag:s25] =	ssyncset.done $0x0  }
0x198: {  	s31 =	simm.s32 $0x0;
	s0 =	simm.s32 $0xC;
	[sflag:s25] =	ssyncadd.s32 $0xFFFF8000  }
.LBB2_4:
0x199: {  	s1 =	sadd.s32 $0xFFFFFFD0, s30  }
0x19a: {  	s9 =	sand.u32 $0xC00, s28;
	s3 =	sand.u32 $0x40, s1  }
0x19b: {  	s12 =	sor.u32 s3, s9  }
0x19c: {  	v1 =	vld [tilespmem:s12+$0x10000]  }
0x19d: {  	v2 =	vld [tilespmem:s12+$0x10080];
	_ =	sdelay $0x1  }
0x19e: {  	v3 =	vmov s1  }
0x19f: {  	v3 =	vshll.u32 v3, $0x7  }
0x1a0: {  	v3 =	vor.u32 v0, v3;
	v4 =	vand.u32 $0xFFFFFF80, v1  }
0x1a1: {  	v1 =	vand.u32 $0x7F, v1;
	v5 =	vand.u32 $0xFFFFFF80, v2;
	v4 =	vadd.s32 v3, v4  }
0x1a2: {  	v2 =	vand.u32 $0x7F, v2;
	v57 =	vadd.s32 v3, v5;
	v1 =	vor.u32 v1, v4  }
0x1a3: {  	v2 =	vor.u32 v2, v57;
	_ =	sdelay $0x3  }
0x1a4: {  	v1 =	vld.idx.msk [tilespmem:v1+s2+$0x0], $0xffff  }
0x1a5: {  	v2 =	vld.idx.msk [tilespmem:v2+s2+$0x0], $0xffff;
	_ =	sdelay $0x3  }
0x1a6: {  	v58 =	vmul.f32 $1.591549370e-01, v1  }
0x1a7: {  	v59 =	vmul.f32 $1.591549370e-01, v2  }
0x1a8: {  	v4 =	vadd.f32 $1.258291200e+07, v58  }
0x1a9: {  	v5 =	vadd.f32 $1.258291200e+07, v59  }
0x1aa: {  	v4 =	vadd.f32 $-1.258291200e+07, v4  }
0x1ab: {  	s23 =	sand.u32 $0xFFFFFC00, s28;
	s3 =	simm.s32 $0x1;
	v5 =	vadd.f32 $-1.258291200e+07, v5  }
0x1ac: {  	s11 =	sadd.s32 s30, s23;
	s3 =	simm.s32 @!p0 $0x0;
	v6 =	vmul.f32 $6.283185480e+00, v4  }
0x1ad: {  	s13 =	sadd.s32 $0xFFFFFFD0, s11;
	s24 =	sshll.u32 s3, $0x6;
	v7 =	vmul.f32 $6.283185480e+00, v5  }
0x1ae: {  	v60 =	vld [tilespmem:s12+$0x10100];
	s4 =	sor.u32 $0x180, s13;
	s1 =	sadd.s32 s28, s24;
	v4 =	vmul.f32 $1.748455530e-07, v4;
	v1 =	vsub.f32 v1, v6  }
0x1af: {  	v61 =	vld [tilespmem:s4+$0x10000];
	s19 =	sor.u32 $0x200, s1;
	v5 =	vmul.f32 $1.748455530e-07, v5;
	v2 =	vsub.f32 v2, v7  }
0x1b0: {  	s25 =	sor.u32 $0x280, s1;
	v63 =	vld [tilespmem:s19+$0x10000];
	v1 =	vadd.f32 v1, v4  }
0x1b1: {  	v10 =	vld [tilespmem:s25+$0x10000];
	v2 =	vadd.f32 v2, v5  }
0x1b2: {  	v62 =	vmul.f32 v1, v1  }
0x1b3: {  	v2 =	vmul.f32 v2, v2  }
0x1b4: {  	v8 =	vand.u32 $0xFFFFFF80, v60;
	v9 =	vmul.f32 $2.036622430e-08, v62  }
0x1b5: {  	v8 =	vadd.s32 v3, v8;
	v12 =	vand.u32 $0xFFFFFF80, v61;
	v11 =	vmul.f32 $2.197887170e-07, v2  }
0x1b6: {  	v13 =	vand.u32 $0xFFFFFF80, v63;
	v14 =	vand.u32 $0xFFFFFF80, v10;
	v9 =	vsub.f32 $2.699822740e-06, v9  }
0x1b7: {  	v10 =	vand.u32 $0x7F, v10;
	v6 =	vand.u32 $0x7F, v60;
	v11 =	vsub.f32 $2.420439890e-05, v11  }
0x1b8: {  	v7 =	vand.u32 $0x7F, v63;
	v6 =	vor.u32 v6, v8;
	v9 =	vmul.f32 v9, v62  }
0x1b9: {  	v8 =	vadd.s32 v3, v12;
	v4 =	vand.u32 $0x7F, v61;
	v11 =	vmul.f32 v11, v2  }
0x1ba: {  	v4 =	vor.u32 v4, v8;
	v8 =	vadd.s32 v3, v13;
	v9 =	vadd.f32 $-1.980873930e-04, v9  }
0x1bb: {  	v3 =	vadd.s32 v3, v14;
	v7 =	vor.u32 v7, v8;
	v15 =	vadd.f32 $-1.385891580e-03, v11  }
0x1bc: {  	v3 =	vor.u32 v10, v3;
	v9 =	vmul.f32 v9, v62  }
0x1bd: {  	v16 =	vld [tilespmem:s12+$0x11000];
	v8 =	vmul.f32 v15, v2  }
0x1be: {  	v6 =	vld.idx.msk [tilespmem:v6+s2+$0x0], $0xffff;
	v9 =	vadd.f32 $8.332408030e-03, v9  }
0x1bf: {  	v4 =	vld.idx.msk [tilespmem:v4+s2+$0x0], $0xffff;
	v8 =	vadd.f32 $4.165982080e-02, v8  }
0x1c0: {  	v7 =	vld.idx.msk [tilespmem:v7+s2+$0x0], $0xffff;
	v9 =	vmul.f32 v9, v62  }
0x1c1: {  	v3 =	vld.idx.msk [tilespmem:v3+s2+$0x0], $0xffff;
	v8 =	vmul.f32 v8, v2  }
0x1c2: {  	v9 =	vadd.f32 $-1.666655390e-01, v9  }
0x1c3: {  	v17 =	vld [tilespmem:s12+$0x11080];
	v8 =	vadd.f32 $-4.999942780e-01, v8  }
0x1c4: {  	s5 =	sadd.s32 $0xFFFFFFE0, s30;
	v5 =	vmul.f32 v9, v62  }
0x1c5: {  	s6 =	sand.u32 $0x50, s5;
	v27 =	vmov s5;
	vm0 =	veq.s32 v16, $0x2;
	v2 =	vmul.f32 v8, v2  }
0x1c6: {  	s15 =	sor.u32 s9, s6;
	v4 =	vmul.f32 v4, v6;
	v3 =	vadd.f32 v3, v7;
	v5 =	vadd.f32 $9.999995820e-01, v5  }
0x1c7: {  	s20 =	sand.u32 $0x7, s31;
	v24 =	vld [tilespmem:s15+$0x10000];
	vm1 =	veq.s32 v16, $0x1;
	vm9 =	veq.s32 v16, $0x0;
	v2 =	vadd.f32 $9.999992250e-01, v2  }
0x1c8: {  	s5 =	sshll.u32 s20, $0x4;
	v29 =	vld [tilespmem:s12+$0x11100];
	vm10 =	veq.s32 v17, $0x2;
	v18 =	vsel vm0, v4, v3;
	v1 =	vmul.f32 v5, v1  }
0x1c9: {  	s16 =	sadd.s32 $0xFFFFFFE0, s11;
	s22 =	sadd.s32 s28, s5;
	v42 =	vld [tilespmem:s15+$0x10100];
	vm11 =	veq.s32 v17, $0x1;
	v20 =	vsel vm10, v4, v3;
	v5 =	vsel vm1, v2, v18  }
0x1ca: {  	s17 =	sor.u32 $0x180, s16;
	s14 =	sadd.s32 $0x10, s22;
	v31 =	vld [tilespmem:s4+$0x11000];
	vm12 =	veq.s32 v17, $0x0;
	v21 =	vsel vm11, v2, v20;
	v5 =	vsel vm9, v1, v5  }
0x1cb: {  	v44 =	vld [tilespmem:s17+$0x10000];
	s8 =	sor.u32 $0x200, s14;
	v6 =	vsel vm12, v1, v21;
	v19 =	vmul.f32 $1.591549370e-01, v5  }
0x1cc: {  	v28 =	vshll.u32 v27, $0x7;
	s6 =	sor.u32 $0x280, s14;
	v47 =	vld [tilespmem:s8+$0x10000];
	v22 =	vmul.f32 $1.591549370e-01, v6  }
0x1cd: {  	v51 =	vld [tilespmem:s6+$0x10000];
	vm13 =	veq.s32 v29, $0x2;
	vm14 =	veq.s32 v29, $0x1;
	v7 =	vadd.f32 $1.258291200e+07, v19  }
0x1ce: {  	v25 =	vld [tilespmem:s15+$0x10080];
	vm15 =	veq.s32 v29, $0x0;
	v48 =	vand.u32 $0xFFFFFF80, v42;
	v8 =	vadd.f32 $1.258291200e+07, v22  }
0x1cf: {  	v50 =	vand.u32 $0x7F, v42;
	vm4 =	veq.s32 v31, $0x2;
	v7 =	vadd.f32 $-1.258291200e+07, v7  }
0x1d0: {  	vm5 =	veq.s32 v31, $0x1;
	vm6 =	veq.s32 v31, $0x0;
	v8 =	vadd.f32 $-1.258291200e+07, v8  }
0x1d1: {  	v53 =	vand.u32 $0xFFFFFF80, v44;
	v55 =	vand.u32 $0xFFFFFF80, v47;
	v23 =	vmul.f32 $6.283185480e+00, v7  }
0x1d2: {  	v54 =	vld [tilespmem:s12+$0x12000];
	v56 =	vand.u32 $0xFFFFFF80, v51;
	v13 =	vand.u32 $0xFFFFFF80, v24;
	v26 =	vmul.f32 $6.283185480e+00, v8  }
0x1d3: {  	v38 =	vld [tilespmem:s25+$0x11000];
	v14 =	vand.u32 $0xFFFFFF80, v25;
	v7 =	vmul.f32 $1.748455530e-07, v7;
	v5 =	vsub.f32 v5, v23  }
0x1d4: {  	v57 =	vld [tilespmem:s12+$0x12080];
	v10 =	vand.u32 $0x7F, v25;
	v8 =	vmul.f32 $1.748455530e-07, v8;
	v6 =	vsub.f32 v6, v26  }
0x1d5: {  	v15 =	vld [tilespmem:s19+$0x11000];
	v34 =	vsel vm13, v4, v3;
	v5 =	vadd.f32 v5, v7;
	v7 =	vor.u32 v0, v28  }
0x1d6: {  	v9 =	vand.u32 $0x7F, v24;
	v6 =	vadd.f32 v6, v8;
	v13 =	vadd.s32 v7, v13  }
0x1d7: {  	v30 =	vadd.s32 v7, v14;
	v12 =	vmul.f32 v5, v5;
	v9 =	vor.u32 v9, v13  }
0x1d8: {  	v16 =	vsel vm4, v4, v3;
	vm10 =	veq.s32 v38, $0x1;
	v32 =	vor.u32 v10, v30  }
0x1d9: {  	vm13 =	veq.s32 v54, $0x1;
	v6 =	vmul.f32 v6, v6;
	v33 =	vmul.f32 $2.036622430e-08, v12  }
0x1da: {  	vm4 =	veq.s32 v57, $0x2;
	vm7 =	veq.s32 v15, $0x0;
	vm8 =	veq.s32 v15, $0x1  }
0x1db: {  	v60 =	vld [tilespmem:s12+$0x12100];
	vm2 =	veq.s32 v15, $0x2;
	v36 =	vmul.f32 $2.197887170e-07, v6;
	v10 =	vsub.f32 $2.699822740e-06, v33  }
0x1dc: {  	v35 =	vsel vm14, v2, v34;
	v37 =	vsel vm5, v2, v16;
	v18 =	vsel vm2, v4, v3;
	v9 =	vld.idx.msk [tilespmem:v9+s2+$0x0], $0xffff  }
0x1dd: {  	vm11 =	veq.s32 v38, $0x2;
	v13 =	vsub.f32 $2.420439890e-05, v36;
	v8 =	vld.idx.msk [tilespmem:v32+s2+$0x0], $0xffff;
	v10 =	vmul.f32 v10, v12  }
0x1de: {  	vm14 =	veq.s32 v54, $0x0;
	vm5 =	veq.s32 v57, $0x1;
	v18 =	vsel vm8, v2, v18  }
0x1df: {  	v3 =	vsel vm11, v4, v3;
	v13 =	vmul.f32 v13, v6;
	v10 =	vadd.f32 $-1.980873930e-04, v10  }
0x1e0: {  	vm8 =	veq.s32 v60, $0x0;
	v11 =	vsel vm15, v1, v35;
	v18 =	vsel vm7, v1, v18  }
0x1e1: {  	vm9 =	veq.s32 v38, $0x0;
	v13 =	vadd.f32 $-1.385891580e-03, v13;
	v10 =	vmul.f32 v10, v12  }
0x1e2: {  	v2 =	vsel vm10, v2, v3;
	v17 =	vmul.f32 $1.591549370e-01, v9;
	v39 =	vmul.f32 $1.591549370e-01, v8  }
0x1e3: {  	vm12 =	veq.s32 v54, $0x2;
	v13 =	vmul.f32 v13, v6;
	v10 =	vadd.f32 $8.332408030e-03, v10  }
0x1e4: {  	vm15 =	veq.s32 v57, $0x0;
	v17 =	vadd.f32 $1.258291200e+07, v17;
	v15 =	vadd.f32 $1.258291200e+07, v39  }
0x1e5: {  	vm7 =	veq.s32 v60, $0x1;
	v45 =	vsel vm9, v1, v2;
	v13 =	vadd.f32 $4.165982080e-02, v13  }
0x1e6: {  	v10 =	vmul.f32 v10, v12;
	v17 =	vadd.f32 $-1.258291200e+07, v17;
	v15 =	vadd.f32 $-1.258291200e+07, v15  }
0x1e7: {  	v4 =	vadd.f32 v45, v18;
	v14 =	vsel vm6, v1, v37;
	v13 =	vmul.f32 v13, v6  }
0x1e8: {  	v10 =	vadd.f32 $-1.666655390e-01, v10;
	v19 =	vmul.f32 $6.283185480e+00, v17;
	v40 =	vmul.f32 $6.283185480e+00, v15  }
0x1e9: {  	v41 =	vmul.f32 $1.748455530e-07, v17;
	v13 =	vadd.f32 $-4.999942780e-01, v13;
	v15 =	vmul.f32 $1.748455530e-07, v15  }
0x1ea: {  	v10 =	vmul.f32 v10, v12;
	v9 =	vsub.f32 v9, v19;
	v8 =	vsub.f32 v8, v40  }
0x1eb: {  	v3 =	vmul.f32 v13, v6;
	v6 =	vand.u32 $0x7F, v44;
	v13 =	vadd.s32 v7, v53  }
0x1ec: {  	vm6 =	veq.s32 v60, $0x2;
	v6 =	vor.u32 v6, v13;
	v43 =	vadd.f32 $9.999995820e-01, v10  }
0x1ed: {  	v13 =	vadd.s32 v7, v55;
	v9 =	vadd.f32 v9, v41;
	v8 =	vadd.f32 v8, v15  }
0x1ee: {  	v2 =	vadd.f32 $9.999992250e-01, v3;
	v3 =	vmul.f32 v14, v11;
	v10 =	vadd.s32 v7, v48  }
0x1ef: {  	v11 =	vand.u32 $0x7F, v47;
	v14 =	vand.u32 $0x7F, v51;
	v7 =	vadd.s32 v7, v56  }
0x1f0: {  	s21 =	sadd.s32 $0xFFFFFFF0, s30;
	v10 =	vor.u32 v50, v10;
	v11 =	vor.u32 v11, v13;
	v46 =	vmul.f32 v9, v9  }
0x1f1: {  	s23 =	sand.u32 $0x60, s21;
	v7 =	vor.u32 v14, v7;
	v1 =	vmul.f32 v43, v5;
	v8 =	vmul.f32 v8, v8  }
0x1f2: {  	s5 =	sor.u32 s9, s23;
	v59 =	vsel vm12, v3, v4;
	v61 =	vsel vm4, v3, v4;
	v49 =	vmul.f32 $2.036622430e-08, v46  }
0x1f3: {  	v31 =	vld [tilespmem:s5+$0x10000];
	v18 =	vsel vm6, v3, v4;
	v14 =	vsel vm13, v2, v59;
	v52 =	vmul.f32 $2.197887170e-07, v8  }
0x1f4: {  	v62 =	vld [tilespmem:s15+$0x11000];
	v16 =	vsel vm5, v2, v61;
	v14 =	vsel vm14, v1, v14;
	v12 =	vsub.f32 $2.699822740e-06, v49  }
0x1f5: {  	v33 =	vld [tilespmem:s5+$0x10080];
	v63 =	vsel vm7, v2, v18;
	v16 =	vsel vm15, v1, v16;
	[tilespmem:s12+$0x14000] =	vst v14;
	v15 =	vsub.f32 $2.420439890e-05, v52  }
0x1f6: {  	v6 =	vld.idx.msk [tilespmem:v6+s2+$0x0], $0xffff;
	v18 =	vsel vm8, v1, v63;
	[tilespmem:s12+$0x14080] =	vst v16;
	v12 =	vmul.f32 v12, v46  }
0x1f7: {  	[tilespmem:s12+$0x14100] =	vst v18;
	v10 =	vld.idx.msk [tilespmem:v10+s2+$0x0], $0xffff;
	v15 =	vmul.f32 v15, v8  }
0x1f8: {  	v20 =	vld [tilespmem:s4+$0x12000];
	v12 =	vadd.f32 $-1.980873930e-04, v12  }
0x1f9: {  	vm11 =	veq.s32 v62, $0x0;
	vm10 =	veq.s32 v62, $0x1;
	v58 =	vadd.f32 $-1.385891580e-03, v15  }
0x1fa: {  	v35 =	vmov s21;
	v38 =	vand.u32 $0xFFFFFF80, v31;
	v11 =	vld.idx.msk [tilespmem:v11+s2+$0x0], $0xffff;
	v12 =	vmul.f32 v12, v46  }
0x1fb: {  	vm9 =	veq.s32 v62, $0x2;
	v39 =	vand.u32 $0xFFFFFF80, v33;
	v7 =	vld.idx.msk [tilespmem:v7+s2+$0x0], $0xffff;
	v13 =	vmul.f32 v58, v8  }
0x1fc: {  	v19 =	vld [tilespmem:s15+$0x11080];
	v40 =	vand.u32 $0x7F, v33;
	v33 =	vmov s30;
	v12 =	vadd.f32 $8.332408030e-03, v12  }
0x1fd: {  	v36 =	vld [tilespmem:s15+$0x11100];
	v6 =	vmul.f32 v6, v10;
	vm15 =	veq.s32 v20, $0x2;
	v13 =	vadd.f32 $4.165982080e-02, v13  }
0x1fe: {  	v59 =	vld [tilespmem:s5+$0x10100];
	vm4 =	veq.s32 v20, $0x1;
	v23 =	vsel vm15, v3, v4;
	v12 =	vmul.f32 v12, v46  }
0x1ff: {  	v52 =	vld [tilespmem:s15+$0x12000];
	vm5 =	veq.s32 v20, $0x0;
	v25 =	vsel vm4, v2, v23;
	v13 =	vmul.f32 v13, v8  }
0x200: {  	v7 =	vadd.f32 v7, v11;
	v20 =	vld [tilespmem:s17+$0x11000];
	v10 =	vsel vm5, v1, v25;
	v12 =	vadd.f32 $-1.666655390e-01, v12  }
0x201: {  	v57 =	vld [tilespmem:s15+$0x12080];
	vm12 =	veq.s32 v19, $0x2;
	vm13 =	veq.s32 v19, $0x1;
	[tilespmem:s4+$0x14000] =	vst v10;
	v13 =	vadd.f32 $-4.999942780e-01, v13  }
0x202: {  	vm14 =	veq.s32 v19, $0x0;
	v21 =	vsel vm9, v6, v7;
	v28 =	vld [tilespmem:s19+$0x12000];
	v5 =	vmul.f32 v12, v46  }
0x203: {  	s24 =	sand.u32 $0x3, s26;
	v11 =	vsel vm12, v6, v7;
	vm9 =	veq.s32 v36, $0x2;
	v8 =	vmul.f32 v13, v8  }
0x204: {  	v44 =	vsel vm9, v6, v7;
	vm9 =	veq.s32 v52, $0x0;
	s4 =	sshll.u32 s24, $0x5;
	v5 =	vadd.f32 $9.999995820e-01, v5  }
0x205: {  	v47 =	vld [tilespmem:s6+$0x11000];
	v25 =	vand.u32 $0xFFFFFF80, v59;
	vm12 =	veq.s32 v20, $0x2;
	s4 =	sadd.s32 s28, s4;
	v8 =	vadd.f32 $9.999992250e-01, v8  }
0x206: {  	s4 =	sadd.s32 $0x20, s4;
	v46 =	vsel vm12, v6, v7;
	vm12 =	veq.s32 v57, $0x2;
	v5 =	vmul.f32 v5, v9  }
0x207: {  	s20 =	sor.u32 $0x200, s4;
	vm6 =	veq.s32 v28, $0x0;
	vm7 =	veq.s32 v28, $0x1;
	v9 =	vsel vm10, v8, v21  }
0x208: {  	v63 =	vld [tilespmem:s20+$0x10000];
	vm8 =	veq.s32 v28, $0x2;
	v11 =	vsel vm13, v8, v11;
	v9 =	vsel vm11, v5, v9  }
0x209: {  	v14 =	vsel vm8, v3, v4;
	v11 =	vsel vm14, v5, v11;
	v22 =	vmul.f32 $1.591549370e-01, v9  }
0x20a: {  	vm8 =	veq.s32 v47, $0x2;
	v14 =	vsel vm7, v2, v14;
	v24 =	vmul.f32 $1.591549370e-01, v11  }
0x20b: {  	vm7 =	veq.s32 v47, $0x1;
	v42 =	vsel vm6, v1, v14;
	v12 =	vadd.f32 $1.258291200e+07, v22  }
0x20c: {  	vm10 =	veq.s32 v36, $0x1;
	vm13 =	veq.s32 v20, $0x1;
	v26 =	vadd.f32 $1.258291200e+07, v24  }
0x20d: {  	vm6 =	veq.s32 v47, $0x0;
	v28 =	vand.u32 $0xFFFFFF80, v63;
	v12 =	vadd.f32 $-1.258291200e+07, v12  }
0x20e: {  	v45 =	vsel vm10, v8, v44;
	v19 =	vsel vm13, v8, v46;
	v13 =	vadd.f32 $-1.258291200e+07, v26  }
0x20f: {  	vm10 =	veq.s32 v52, $0x2;
	vm13 =	veq.s32 v57, $0x0;
	v27 =	vmul.f32 $6.283185480e+00, v12  }
0x210: {  	vm11 =	veq.s32 v36, $0x0;
	vm14 =	veq.s32 v20, $0x0;
	v30 =	vmul.f32 $6.283185480e+00, v13  }
0x211: {  	v29 =	vmul.f32 $1.748455530e-07, v12;
	v12 =	vshll.u32 v35, $0x7;
	v9 =	vsub.f32 v9, v27  }
0x212: {  	v21 =	vld [tilespmem:s8+$0x11000];
	v32 =	vmul.f32 $1.748455530e-07, v13;
	v12 =	vor.u32 v0, v12;
	v11 =	vsub.f32 v11, v30  }
0x213: {  	s7 =	sadd.s32 $0xFFFFFFF0, s11;
	v18 =	vadd.s32 v12, v38;
	v41 =	vadd.s32 v12, v39;
	v10 =	vadd.f32 v9, v29  }
0x214: {  	s21 =	sor.u32 $0x180, s7;
	v13 =	vor.u32 v40, v41;
	v11 =	vadd.f32 v11, v32;
	v9 =	vand.u32 $0x7F, v31  }
0x215: {  	v61 =	vld [tilespmem:s21+$0x10000];
	[tilespmem:s19+$0x14000] =	vst v42;
	v16 =	vsel vm11, v5, v45;
	v18 =	vor.u32 v9, v18;
	v34 =	vmul.f32 v10, v10  }
0x216: {  	s18 =	sor.u32 $0x280, s4;
	v36 =	vld [tilespmem:s25+$0x12000];
	v19 =	vsel vm14, v5, v19;
	vm11 =	veq.s32 v52, $0x1;
	v11 =	vmul.f32 v11, v11  }
0x217: {  	vm14 =	veq.s32 v57, $0x1;
	vm15 =	veq.s32 v21, $0x0;
	v26 =	vld [tilespmem:s18+$0x10000];
	v37 =	vmul.f32 $2.036622430e-08, v34  }
0x218: {  	vm4 =	veq.s32 v21, $0x1;
	vm5 =	veq.s32 v21, $0x2;
	v29 =	vld [tilespmem:s15+$0x12100];
	v43 =	vmul.f32 $2.197887170e-07, v11  }
0x219: {  	v21 =	vsel vm5, v6, v7;
	v6 =	vsel vm8, v6, v7;
	v13 =	vld.idx.msk [tilespmem:v13+s2+$0x0], $0xffff;
	v17 =	vsub.f32 $2.699822740e-06, v37  }
0x21a: {  	v21 =	vsel vm4, v8, v21;
	v6 =	vsel vm7, v8, v6;
	v14 =	vsub.f32 $2.420439890e-05, v43;
	v18 =	vld.idx.msk [tilespmem:v18+s2+$0x0], $0xffff  }
0x21b: {  	s10 =	sand.u32 $0x70, s30;
	v21 =	vsel vm15, v5, v21;
	v56 =	vsel vm6, v5, v6;
	v17 =	vmul.f32 v17, v34  }
0x21c: {  	s10 =	sor.u32 s9, s10;
	vm0 =	veq.s32 v36, $0x0;
	v8 =	vadd.f32 v56, v21;
	v14 =	vmul.f32 v14, v11  }
0x21d: {  	v21 =	vadd.s32 v12, v25;
	v27 =	vand.u32 $0xFFFFFF80, v61;
	v31 =	vld [tilespmem:s10+$0x10000];
	v17 =	vadd.f32 $-1.980873930e-04, v17  }
0x21e: {  	v30 =	vand.u32 $0xFFFFFF80, v26;
	v23 =	vmul.f32 $1.591549370e-01, v13;
	v14 =	vadd.f32 $-1.385891580e-03, v14  }
0x21f: {  	vm15 =	veq.s32 v29, $0x0;
	v22 =	vmul.f32 $1.591549370e-01, v18;
	v17 =	vmul.f32 v17, v34  }
0x220: {  	vm4 =	veq.s32 v29, $0x1;
	v23 =	vadd.f32 $1.258291200e+07, v23;
	v14 =	vmul.f32 v14, v11  }
0x221: {  	vm5 =	veq.s32 v29, $0x2;
	v22 =	vadd.f32 $1.258291200e+07, v22;
	v17 =	vadd.f32 $8.332408030e-03, v17  }
0x222: {  	v25 =	vand.u32 $0xFFFFFF80, v31;
	v48 =	vadd.f32 $-1.258291200e+07, v23;
	v14 =	vadd.f32 $4.165982080e-02, v14  }
0x223: {  	v23 =	vshll.u32 v33, $0x7;
	v22 =	vadd.f32 $-1.258291200e+07, v22;
	v17 =	vmul.f32 v17, v34  }
0x224: {  	v32 =	vld [tilespmem:s10+$0x10080];
	v23 =	vor.u32 v0, v23;
	v53 =	vmul.f32 $6.283185480e+00, v48;
	v14 =	vmul.f32 v14, v11  }
0x225: {  	v25 =	vadd.s32 v23, v25;
	v50 =	vmul.f32 $6.283185480e+00, v22;
	v17 =	vadd.f32 $-1.666655390e-01, v17  }
0x226: {  	v55 =	vmul.f32 $1.748455530e-07, v22;
	v13 =	vsub.f32 v13, v53;
	v49 =	vadd.f32 $-4.999942780e-01, v14  }
0x227: {  	v22 =	vand.u32 $0x7F, v26;
	v54 =	vsub.f32 v18, v50;
	v15 =	vmul.f32 v17, v34  }
0x228: {  	v26 =	vld [tilespmem:s5+$0x11000];
	v7 =	vmul.f32 v49, v11;
	v17 =	vmul.f32 $1.748455530e-07, v48;
	v11 =	vand.u32 $0x7F, v59  }
0x229: {  	v34 =	vand.u32 $0x7F, v32;
	v58 =	vadd.f32 v54, v55;
	v11 =	vor.u32 v11, v21  }
0x22a: {  	v56 =	vld [tilespmem:s10+$0x10100];
	v21 =	vadd.s32 v12, v27;
	v27 =	vand.u32 $0xFFFFFF80, v32;
	v51 =	vadd.f32 $9.999995820e-01, v15  }
0x22b: {  	v6 =	vadd.f32 $9.999992250e-01, v7;
	v7 =	vmul.f32 v19, v16;
	v13 =	vadd.f32 v13, v17  }
0x22c: {  	v16 =	vand.u32 $0x7F, v61;
	v19 =	vand.u32 $0x7F, v63;
	v35 =	vadd.s32 v23, v27  }
0x22d: {  	vm6 =	veq.s32 v26, $0x2;
	vm7 =	veq.s32 v26, $0x1;
	vm8 =	veq.s32 v26, $0x0  }
0x22e: {  	v14 =	vmul.f32 v58, v58;
	v16 =	vor.u32 v16, v21;
	v21 =	vadd.s32 v12, v28  }
0x22f: {  	v40 =	vld [tilespmem:s5+$0x11080];
	v12 =	vadd.s32 v12, v30;
	v30 =	vand.u32 $0xFFFFFF80, v56;
	v5 =	vmul.f32 v51, v10  }
0x230: {  	v43 =	vld [tilespmem:s5+$0x11100];
	v60 =	vsel vm10, v7, v8;
	v13 =	vmul.f32 v13, v13;
	v18 =	vsel vm12, v7, v8  }
0x231: {  	v19 =	vor.u32 v19, v21;
	v12 =	vor.u32 v22, v12;
	v21 =	vand.u32 $0x7F, v31  }
0x232: {  	s9 =	sadd.s32 $0x30, s22;
	v22 =	vor.u32 v34, v35;
	vm10 =	veq.s32 v36, $0x2;
	v62 =	vmul.f32 $2.036622430e-08, v14  }
0x233: {  	s22 =	sor.u32 $0x200, s9;
	v30 =	vadd.s32 v23, v30;
	v15 =	vsel vm11, v6, v60;
	v21 =	vor.u32 v21, v25  }
0x234: {  	s19 =	sor.u32 $0x280, s9;
	v61 =	vld [tilespmem:s22+$0x10000];
	v18 =	vsel vm14, v6, v18;
	v24 =	vmul.f32 $2.197887170e-07, v13;
	v17 =	vsub.f32 $2.699822740e-06, v62  }
0x235: {  	v31 =	vld [tilespmem:s19+$0x10000];
	v44 =	vsel vm10, v3, v4;
	vm11 =	veq.s32 v40, $0x2;
	vm14 =	veq.s32 v43, $0x2  }
0x236: {  	v15 =	vsel vm9, v5, v15;
	v11 =	vld.idx.msk [tilespmem:v11+s2+$0x0], $0xffff;
	v20 =	vsub.f32 $2.420439890e-05, v24;
	v17 =	vmul.f32 v17, v14  }
0x237: {  	v18 =	vsel vm13, v5, v18;
	vm9 =	veq.s32 v36, $0x1;
	v24 =	vsel vm5, v7, v8;
	v42 =	vld.idx.msk [tilespmem:v22+s2+$0x0], $0xffff  }
0x238: {  	v37 =	vsel vm4, v6, v24;
	v20 =	vmul.f32 v20, v13;
	v41 =	vld.idx.msk [tilespmem:v21+s2+$0x0], $0xffff;
	v17 =	vadd.f32 $-1.980873930e-04, v17  }
0x239: {  	vm13 =	veq.s32 v40, $0x1;
	[tilespmem:s15+$0x14000] =	vst v15;
	v63 =	vand.u32 $0xFFFFFF80, v61;
	v16 =	vld.idx.msk [tilespmem:v16+s2+$0x0], $0xffff;
	v38 =	vsel vm15, v5, v37  }
0x23a: {  	v26 =	vand.u32 $0x7F, v61;
	[tilespmem:s15+$0x14100] =	vst v38;
	v38 =	vld [tilespmem:s20+$0x11000];
	v20 =	vadd.f32 $-1.385891580e-03, v20;
	v17 =	vmul.f32 v17, v14  }
0x23b: {  	[tilespmem:s15+$0x14080] =	vst v18;
	vm5 =	veq.s32 v43, $0x0;
	vm4 =	veq.s32 v43, $0x1;
	v36 =	vand.u32 $0xFFFFFF80, v31  }
0x23c: {  	v9 =	vld [tilespmem:s17+$0x12000];
	v20 =	vmul.f32 v20, v13;
	v49 =	vmul.f32 $1.591549370e-01, v42;
	v17 =	vadd.f32 $8.332408030e-03, v17  }
0x23d: {  	v19 =	vld.idx.msk [tilespmem:v19+s2+$0x0], $0xffff;
	v31 =	vand.u32 $0x7F, v31;
	vm15 =	veq.s32 v40, $0x0;
	v48 =	vmul.f32 $1.591549370e-01, v41  }
0x23e: {  	v12 =	vld.idx.msk [tilespmem:v12+s2+$0x0], $0xffff;
	v20 =	vadd.f32 $4.165982080e-02, v20;
	v25 =	vadd.f32 $1.258291200e+07, v49;
	v17 =	vmul.f32 v17, v14  }
0x23f: {  	v16 =	vmul.f32 v16, v11;
	vm10 =	veq.s32 v38, $0x2;
	v24 =	vadd.f32 $1.258291200e+07, v48  }
0x240: {  	v20 =	vmul.f32 v20, v13;
	v53 =	vadd.f32 $-1.258291200e+07, v25;
	v17 =	vadd.f32 $-1.666655390e-01, v17  }
0x241: {  	v51 =	vld [tilespmem:s21+$0x11000];
	vm12 =	veq.s32 v9, $0x2;
	vm1 =	veq.s32 v9, $0x0;
	v24 =	vadd.f32 $-1.258291200e+07, v24  }
0x242: {  	v43 =	vld [tilespmem:s10+$0x11000];
	v20 =	vadd.f32 $-4.999942780e-01, v20;
	v55 =	vmul.f32 $6.283185480e+00, v53;
	v14 =	vmul.f32 v17, v14  }
0x243: {  	v17 =	vadd.f32 v12, v19;
	v54 =	vmul.f32 $6.283185480e+00, v24;
	v24 =	vmul.f32 $1.748455530e-07, v24  }
0x244: {  	v13 =	vmul.f32 v20, v13;
	v19 =	vsub.f32 v42, v55;
	v20 =	vmul.f32 $1.748455530e-07, v53  }
0x245: {  	v39 =	vadd.f32 $9.999995820e-01, v14;
	v12 =	vsel vm6, v16, v17;
	v46 =	vsel vm11, v16, v17  }
0x246: {  	v50 =	vsel vm14, v16, v17;
	v18 =	vsub.f32 v41, v54;
	vm6 =	veq.s32 v51, $0x0  }
0x247: {  	v42 =	vsel vm10, v16, v17;
	vm11 =	veq.s32 v38, $0x1;
	vm14 =	veq.s32 v43, $0x0  }
0x248: {  	v14 =	vadd.f32 $9.999992250e-01, v13;
	v13 =	vsel vm12, v7, v8;
	v19 =	vadd.f32 v19, v20  }
0x249: {  	v48 =	vld [tilespmem:s18+$0x11000];
	vm12 =	veq.s32 v43, $0x2;
	v10 =	vmul.f32 v39, v58;
	v18 =	vadd.f32 v18, v24  }
0x24a: {  	v53 =	vld [tilespmem:s10+$0x11100];
	v12 =	vsel vm7, v14, v12;
	v21 =	vsel vm13, v14, v46;
	v11 =	vsel vm4, v14, v50  }
0x24b: {  	vm7 =	veq.s32 v51, $0x2;
	v19 =	vmul.f32 v19, v19;
	v15 =	vsel vm8, v10, v12  }
0x24c: {  	vm13 =	veq.s32 v43, $0x1;
	v12 =	vsel vm9, v2, v44;
	v45 =	vmul.f32 $1.591549370e-01, v15  }
0x24d: {  	s23 =	sor.u32 $0x180, s11;
	v21 =	vsel vm15, v10, v21;
	v11 =	vsel vm5, v10, v11;
	v59 =	vsel vm7, v16, v17  }
0x24e: {  	v58 =	vld [tilespmem:s23+$0x10000];
	vm8 =	veq.s32 v51, $0x1;
	v29 =	vmul.f32 v18, v18;
	v47 =	vadd.f32 $1.258291200e+07, v45  }
0x24f: {  	vm9 =	veq.s32 v38, $0x0;
	vm7 =	veq.s32 v48, $0x1;
	vm10 =	veq.s32 v53, $0x1  }
0x250: {  	v28 =	vmul.f32 $1.591549370e-01, v21;
	v33 =	vmul.f32 $2.197887170e-07, v19;
	v22 =	vadd.f32 $-1.258291200e+07, v47  }
0x251: {  	v24 =	vsel vm8, v14, v59;
	vm8 =	veq.s32 v48, $0x0;
	v32 =	vmul.f32 $2.036622430e-08, v29  }
0x252: {  	v24 =	vsel vm6, v10, v24;
	vm6 =	veq.s32 v48, $0x2;
	v52 =	vmul.f32 $6.283185480e+00, v22  }
0x253: {  	v28 =	vadd.f32 $1.258291200e+07, v28;
	v62 =	vand.u32 $0xFFFFFF80, v58;
	v33 =	vsub.f32 $2.420439890e-05, v33  }
0x254: {  	v32 =	vsub.f32 $2.699822740e-06, v32;
	v22 =	vmul.f32 $1.748455530e-07, v22;
	v15 =	vsub.f32 v15, v52  }
0x255: {  	v27 =	vand.u32 $0x7F, v58;
	v33 =	vmul.f32 v33, v19;
	v28 =	vadd.f32 $-1.258291200e+07, v28  }
0x256: {  	v32 =	vmul.f32 v32, v29;
	v15 =	vadd.f32 v15, v22;
	v22 =	vand.u32 $0x7F, v56  }
0x257: {  	v33 =	vadd.f32 $-1.385891580e-03, v33;
	v22 =	vor.u32 v22, v30;
	v30 =	vadd.s32 v23, v62  }
0x258: {  	v37 =	vadd.f32 $-1.980873930e-04, v32;
	v27 =	vor.u32 v27, v30;
	v30 =	vadd.s32 v23, v63  }
0x259: {  	v44 =	vld [tilespmem:s10+$0x11080];
	v57 =	vmul.f32 v15, v15;
	v23 =	vadd.s32 v23, v36;
	v26 =	vor.u32 v26, v30  }
0x25a: {  	v39 =	vmul.f32 $6.283185480e+00, v28;
	v23 =	vor.u32 v31, v23;
	v30 =	vmul.f32 v37, v29  }
0x25b: {  	v48 =	vsel vm0, v1, v12;
	v58 =	vld [tilespmem:s23+$0x11000];
	v33 =	vmul.f32 v33, v19;
	v60 =	vmul.f32 $2.036622430e-08, v57  }
0x25c: {  	v28 =	vmul.f32 $1.748455530e-07, v28;
	v21 =	vsub.f32 v21, v39;
	v30 =	vadd.f32 $8.332408030e-03, v30;
	v22 =	vld.idx.msk [tilespmem:v22+s2+$0x0], $0xffff  }
0x25d: {  	v16 =	vsel vm6, v16, v17;
	v40 =	vadd.f32 $4.165982080e-02, v33;
	v20 =	vsub.f32 $2.699822740e-06, v60;
	v27 =	vld.idx.msk [tilespmem:v27+s2+$0x0], $0xffff  }
0x25e: {  	vm15 =	veq.s32 v44, $0x2;
	v21 =	vadd.f32 v21, v28;
	v30 =	vmul.f32 v30, v29;
	v26 =	vld.idx.msk [tilespmem:v26+s2+$0x0], $0xffff  }
0x25f: {  	vm4 =	veq.s32 v44, $0x1;
	v41 =	vmul.f32 v40, v19;
	v20 =	vmul.f32 v20, v57;
	v23 =	vld.idx.msk [tilespmem:v23+s2+$0x0], $0xffff  }
0x260: {  	vm5 =	veq.s32 v44, $0x0;
	v21 =	vmul.f32 v21, v21;
	v30 =	vadd.f32 $-1.666655390e-01, v30  }
0x261: {  	v31 =	vsel vm11, v14, v42;
	v28 =	vadd.f32 $-4.999942780e-01, v41;
	v20 =	vadd.f32 $-1.980873930e-04, v20  }
0x262: {  	v14 =	vsel vm7, v14, v16;
	vm11 =	veq.s32 v58, $0x2;
	v29 =	vmul.f32 v30, v29  }
0x263: {  	v31 =	vsel vm9, v10, v31;
	v19 =	vmul.f32 v28, v19;
	v20 =	vmul.f32 v20, v57  }
0x264: {  	v22 =	vmul.f32 v27, v22;
	v46 =	vadd.f32 $9.999995820e-01, v29;
	v23 =	vadd.f32 v23, v26  }
0x265: {  	v42 =	vld [tilespmem:s5+$0x12000];
	v45 =	vmul.f32 $2.197887170e-07, v21;
	v14 =	vsel vm8, v10, v14;
	v19 =	vadd.f32 $9.999992250e-01, v19  }
0x266: {  	v20 =	vadd.f32 $8.332408030e-03, v20;
	v18 =	vmul.f32 v46, v18;
	v49 =	vsel vm12, v22, v23  }
0x267: {  	vm9 =	veq.s32 v53, $0x2;
	v50 =	vsel vm15, v22, v23;
	v28 =	vsel vm13, v19, v49  }
0x268: {  	v20 =	vmul.f32 v20, v57;
	v29 =	vsel vm4, v19, v50;
	v28 =	vsel vm14, v18, v28  }
0x269: {  	v47 =	vsub.f32 $2.420439890e-05, v45;
	v60 =	vld [tilespmem:s22+$0x11000];
	v29 =	vsel vm5, v18, v29;
	v51 =	vmul.f32 $1.591549370e-01, v28  }
0x26a: {  	vm6 =	veq.s32 v42, $0x0;
	v20 =	vadd.f32 $-1.666655390e-01, v20;
	v54 =	vmul.f32 $1.591549370e-01, v29  }
0x26b: {  	vm7 =	veq.s32 v42, $0x1;
	v26 =	vmul.f32 v47, v21;
	v30 =	vadd.f32 $1.258291200e+07, v51  }
0x26c: {  	v61 =	vld [tilespmem:s19+$0x11000];
	vm8 =	veq.s32 v42, $0x2;
	v20 =	vmul.f32 v20, v57;
	v57 =	vadd.f32 $1.258291200e+07, v54  }
0x26d: {  	v52 =	vadd.f32 $-1.385891580e-03, v26;
	v62 =	vsel vm9, v22, v23;
	v55 =	vadd.f32 $-1.258291200e+07, v30  }
0x26e: {  	v37 =	vsel vm11, v22, v23;
	vm12 =	veq.s32 v60, $0x2;
	v17 =	vadd.f32 $-1.258291200e+07, v57  }
0x26f: {  	vm15 =	veq.s32 v60, $0x1;
	vm9 =	veq.s32 v53, $0x0;
	v30 =	vmul.f32 $6.283185480e+00, v55  }
0x270: {  	vm11 =	veq.s32 v60, $0x0;
	v34 =	vsel vm12, v22, v23;
	v63 =	vmul.f32 $6.283185480e+00, v17  }
0x271: {  	vm13 =	veq.s32 v61, $0x2;
	v25 =	vmul.f32 $1.748455530e-07, v55;
	v28 =	vsub.f32 v28, v30  }
0x272: {  	v56 =	vmul.f32 v52, v21;
	v17 =	vmul.f32 $1.748455530e-07, v17;
	v36 =	vsub.f32 v29, v63  }
0x273: {  	vm4 =	veq.s32 v61, $0x1;
	vm12 =	veq.s32 v61, $0x0;
	v25 =	vadd.f32 v28, v25  }
0x274: {  	v22 =	vsel vm13, v22, v23;
	v59 =	vadd.f32 $4.165982080e-02, v56;
	v17 =	vadd.f32 v36, v17  }
0x275: {  	vm14 =	veq.s32 v58, $0x1;
	v41 =	vsel vm15, v19, v34;
	v38 =	vmul.f32 v25, v25  }
0x276: {  	vm5 =	veq.s32 v9, $0x1;
	v10 =	vmul.f32 v59, v21;
	v17 =	vmul.f32 v17, v17  }
0x277: {  	v40 =	vsel vm14, v19, v37;
	v51 =	vld [tilespmem:s5+$0x12080];
	v20 =	vadd.f32 $9.999995820e-01, v20;
	v39 =	vmul.f32 $2.036622430e-08, v38  }
0x278: {  	v13 =	vsel vm5, v6, v13;
	v54 =	vld [tilespmem:s5+$0x12100];
	v10 =	vadd.f32 $-4.999942780e-01, v10;
	v43 =	vmul.f32 $2.197887170e-07, v17  }
0x279: {  	v13 =	vsel vm1, v5, v13;
	v9 =	vmul.f32 v20, v15;
	v23 =	vsub.f32 $2.699822740e-06, v39  }
0x27a: {  	v55 =	vsel vm11, v18, v41;
	v45 =	vmul.f32 v10, v21;
	v46 =	vsub.f32 $2.420439890e-05, v43  }
0x27b: {  	v59 =	vld [tilespmem:s10+$0x12080];
	v10 =	vmul.f32 v24, v11;
	v11 =	vadd.f32 v14, v31;
	v44 =	vmul.f32 v23, v38  }
0x27c: {  	vm13 =	veq.s32 v51, $0x0;
	vm14 =	veq.s32 v51, $0x2;
	v49 =	vmul.f32 v46, v17  }
0x27d: {  	vm15 =	veq.s32 v51, $0x1;
	vm5 =	veq.s32 v54, $0x2;
	v47 =	vadd.f32 $-1.980873930e-04, v44  }
0x27e: {  	v30 =	vsel vm10, v19, v62;
	v19 =	vsel vm4, v19, v22;
	v15 =	vadd.f32 $-1.385891580e-03, v49  }
0x27f: {  	v57 =	vld [tilespmem:s10+$0x12000];
	vm10 =	veq.s32 v58, $0x0;
	vm4 =	veq.s32 v54, $0x0;
	v14 =	vmul.f32 v47, v38  }
0x280: {  	vm11 =	veq.s32 v59, $0x2;
	v12 =	vadd.f32 $9.999992250e-01, v45;
	v15 =	vmul.f32 v15, v17  }
0x281: {  	v50 =	vsel vm8, v10, v11;
	v52 =	vsel vm9, v18, v30;
	v14 =	vadd.f32 $8.332408030e-03, v14  }
0x282: {  	v53 =	vsel vm10, v18, v40;
	v18 =	vsel vm12, v18, v19;
	v15 =	vadd.f32 $4.165982080e-02, v15  }
0x283: {  	v56 =	vsel vm14, v10, v11;
	v58 =	vsel vm5, v10, v11;
	v14 =	vmul.f32 v14, v38  }
0x284: {  	vm8 =	veq.s32 v57, $0x1;
	vm9 =	veq.s32 v57, $0x0;
	v15 =	vmul.f32 v15, v17  }
0x285: {  	vm10 =	veq.s32 v59, $0x0;
	v16 =	vadd.f32 v18, v55;
	v14 =	vadd.f32 $-1.666655390e-01, v14  }
0x286: {  	v61 =	vld [tilespmem:s10+$0x12100];
	v20 =	vsel vm7, v12, v50;
	v19 =	vsel vm15, v12, v56;
	v15 =	vadd.f32 $-4.999942780e-01, v15  }
0x287: {  	[tilespmem:s17+$0x14000] =	vst v13;
	v20 =	vsel vm6, v9, v20;
	vm6 =	veq.s32 v54, $0x1;
	v14 =	vmul.f32 v14, v38  }
0x288: {  	v19 =	vsel vm13, v9, v19;
	v62 =	vsel vm6, v12, v58;
	[tilespmem:s5+$0x14000] =	vst v20;
	v15 =	vmul.f32 v15, v17  }
0x289: {  	[tilespmem:s5+$0x14080] =	vst v19;
	v29 =	vsel vm4, v9, v62;
	v60 =	vadd.f32 $9.999995820e-01, v14;
	v14 =	vmul.f32 v53, v52  }
0x28a: {  	vm12 =	veq.s32 v59, $0x1;
	v28 =	vld [tilespmem:s8+$0x12000];
	vm7 =	veq.s32 v57, $0x2;
	[tilespmem:s5+$0x14100] =	vst v29;
	v15 =	vadd.f32 $9.999992250e-01, v15  }
0x28b: {  	vm14 =	veq.s32 v61, $0x1;
	v31 =	vld [tilespmem:s21+$0x12000];
	v13 =	vmul.f32 v60, v25;
	v63 =	vsel vm7, v14, v16  }
0x28c: {  	vm13 =	veq.s32 v61, $0x2;
	v32 =	vsel vm11, v14, v16;
	v20 =	vsel vm8, v15, v63  }
0x28d: {  	[tilespmem:s25+$0x14000] =	vst v48;
	v33 =	vsel vm13, v14, v16;
	v17 =	vsel vm12, v15, v32;
	v30 =	vsel vm9, v13, v20  }
0x28e: {  	vm15 =	veq.s32 v61, $0x0;
	v34 =	vsel vm14, v15, v33;
	v17 =	vsel vm10, v13, v17;
	[tilespmem:s10+$0x14000] =	vst v30  }
0x28f: {  	s25 =	sor.u32 $0x300, s1;
	vm4 =	veq.s32 v28, $0x2;
	vm5 =	veq.s32 v28, $0x1;
	v35 =	vsel vm15, v13, v34;
	[tilespmem:s10+$0x14080] =	vst v17  }
0x290: {  	v36 =	vld [tilespmem:s25+$0x12000];
	vm6 =	veq.s32 v28, $0x0;
	v37 =	vsel vm4, v7, v8;
	vm7 =	veq.s32 v31, $0x2;
	[tilespmem:s10+$0x14100] =	vst v35  }
0x291: {  	v38 =	vsel vm5, v6, v37;
	vm8 =	veq.s32 v31, $0x1;
	v40 =	vsel vm7, v10, v11;
	v39 =	vld [tilespmem:s23+$0x12000]  }
0x292: {  	vm9 =	veq.s32 v31, $0x0;
	v41 =	vsel vm8, v12, v40;
	v17 =	vsel vm6, v5, v38  }
0x293: {  	[tilespmem:s8+$0x14000] =	vst v17;
	v17 =	vsel vm9, v9, v41  }
0x294: {  	v42 =	vld [tilespmem:s6+$0x12000];
	[tilespmem:s21+$0x14000] =	vst v17  }
0x295: {  	vm11 =	veq.s32 v36, $0x2;
	vm12 =	veq.s32 v36, $0x1;
	v44 =	vld [tilespmem:s20+$0x12000]  }
0x296: {  	v43 =	vsel vm11, v3, v4;
	vm10 =	veq.s32 v36, $0x0;
	vm13 =	veq.s32 v39, $0x2  }
0x297: {  	v17 =	vsel vm12, v2, v43;
	vm14 =	veq.s32 v39, $0x1;
	v45 =	vsel vm13, v14, v16  }
0x298: {  	s3 =	sadd.s32 $0xFFFFFFD0, s29;
	v17 =	vsel vm10, v1, v17;
	vm15 =	veq.s32 v39, $0x0;
	v46 =	vsel vm14, v15, v45  }
0x299: {  	s24 =	sor.u32 $0x380, s3;
	[tilespmem:s25+$0x14000] =	vst v17;
	vm4 =	veq.s32 v42, $0x2;
	vm5 =	veq.s32 v42, $0x1;
	v47 =	vsel vm15, v13, v46  }
0x29a: {  	v48 =	vld [tilespmem:s24+$0x12000];
	vm6 =	veq.s32 v42, $0x0;
	v49 =	vsel vm4, v7, v8;
	vm7 =	veq.s32 v44, $0x2;
	[tilespmem:s23+$0x14000] =	vst v47  }
0x29b: {  	vm8 =	veq.s32 v44, $0x1;
	v19 =	vsel vm5, v6, v49;
	v51 =	vsel vm7, v10, v11;
	v50 =	vld [tilespmem:s22+$0x12000]  }
0x29c: {  	vm9 =	veq.s32 v44, $0x0;
	v19 =	vsel vm6, v5, v19;
	v52 =	vsel vm8, v12, v51  }
0x29d: {  	s25 =	sor.u32 $0x300, s14;
	[tilespmem:s6+$0x14000] =	vst v19;
	v18 =	vsel vm9, v9, v52  }
0x29e: {  	v19 =	vld [tilespmem:s25+$0x12000];
	[tilespmem:s20+$0x14000] =	vst v18  }
0x29f: {  	vm10 =	veq.s32 v48, $0x0;
	vm11 =	veq.s32 v48, $0x2;
	v18 =	vld [tilespmem:s18+$0x12000]  }
0x2a0: {  	vm14 =	veq.s32 v48, $0x1;
	v53 =	vsel vm11, v3, v4;
	vm12 =	veq.s32 v50, $0x2  }
0x2a1: {  	v56 =	vsel vm14, v2, v53;
	vm13 =	veq.s32 v50, $0x1;
	v54 =	vsel vm12, v14, v16  }
0x2a2: {  	v57 =	vsel vm10, v1, v56;
	vm15 =	veq.s32 v50, $0x0;
	v55 =	vsel vm13, v15, v54  }
0x2a3: {  	[tilespmem:s24+$0x14000] =	vst v57;
	vm4 =	veq.s32 v19, $0x2;
	vm5 =	veq.s32 v19, $0x1;
	v17 =	vsel vm15, v13, v55  }
0x2a4: {  	v63 =	vld [tilespmem:s12+$0x13000];
	vm6 =	veq.s32 v19, $0x0;
	v58 =	vsel vm4, v7, v8;
	vm7 =	veq.s32 v18, $0x2;
	[tilespmem:s22+$0x14000] =	vst v17  }
0x2a5: {  	vm8 =	veq.s32 v18, $0x1;
	v59 =	vsel vm5, v6, v58;
	v62 =	vsel vm7, v10, v11;
	v60 =	vld [tilespmem:s19+$0x12000]  }
0x2a6: {  	s6 =	sadd.s32 $0xFFFFFFE0, s29;
	vm9 =	veq.s32 v18, $0x0;
	v61 =	vsel vm6, v5, v59;
	v25 =	vsel vm8, v12, v62  }
0x2a7: {  	s17 =	sor.u32 $0x380, s6;
	[tilespmem:s25+$0x14000] =	vst v61;
	v17 =	vsel vm9, v9, v25  }
0x2a8: {  	s20 =	sor.u32 $0x300, s4;
	v26 =	vld [tilespmem:s17+$0x12000];
	[tilespmem:s18+$0x14000] =	vst v17  }
0x2a9: {  	v17 =	vld [tilespmem:s20+$0x12000]  }
0x2aa: {  	vm13 =	veq.s32 v63, $0x1;
	vm15 =	veq.s32 v63, $0x2;
	vm10 =	veq.s32 v60, $0x2  }
0x2ab: {  	v30 =	vsel vm15, v3, v4;
	vm11 =	veq.s32 v60, $0x1;
	v27 =	vsel vm10, v14, v16  }
0x2ac: {  	v33 =	vld [tilespmem:s12+$0x13100];
	vm9 =	veq.s32 v63, $0x0;
	vm12 =	veq.s32 v60, $0x0;
	v19 =	vsel vm11, v15, v27  }
0x2ad: {  	vm14 =	veq.s32 v26, $0x2;
	vm4 =	veq.s32 v26, $0x1;
	v19 =	vsel vm12, v13, v19  }
0x2ae: {  	s21 =	sor.u32 $0x300, s9;
	v28 =	vld [tilespmem:s12+$0x13080];
	vm6 =	veq.s32 v26, $0x0;
	v29 =	vsel vm14, v7, v8;
	vm5 =	veq.s32 v17, $0x2;
	[tilespmem:s19+$0x14000] =	vst v19  }
0x2af: {  	vm7 =	veq.s32 v17, $0x1;
	v22 =	vsel vm4, v6, v29;
	v32 =	vsel vm5, v10, v11;
	v31 =	vld [tilespmem:s21+$0x12000]  }
0x2b0: {  	vm8 =	veq.s32 v17, $0x0;
	v22 =	vsel vm6, v5, v22;
	v34 =	vsel vm7, v12, v32  }
0x2b1: {  	s8 =	sadd.s32 $0xFFFFFFF0, s29;
	vm15 =	veq.s32 v33, $0x2;
	v35 =	vsel vm13, v2, v30;
	[tilespmem:s17+$0x14000] =	vst v22;
	v17 =	vsel vm8, v9, v34  }
0x2b2: {  	s22 =	sor.u32 $0x380, s8;
	v40 =	vsel vm15, v3, v4;
	v18 =	vsel vm9, v1, v35;
	v36 =	vld [tilespmem:s15+$0x13000];
	[tilespmem:s20+$0x14000] =	vst v17  }
0x2b3: {  	vm10 =	veq.s32 v28, $0x0;
	vm11 =	veq.s32 v28, $0x2;
	vm12 =	veq.s32 v28, $0x1;
	v38 =	vld [tilespmem:s22+$0x12000]  }
0x2b4: {  	v37 =	vsel vm11, v3, v4;
	vm5 =	veq.s32 v33, $0x1;
	vm13 =	veq.s32 v31, $0x2  }
0x2b5: {  	vm6 =	veq.s32 v33, $0x0;
	vm14 =	veq.s32 v31, $0x1;
	v39 =	vsel vm13, v14, v16  }
0x2b6: {  	v22 =	vsel vm5, v2, v40;
	v41 =	vld [tilespmem:s15+$0x13080];
	vm4 =	veq.s32 v31, $0x0;
	v21 =	vsel vm14, v15, v39  }
0x2b7: {  	v17 =	vsel vm12, v2, v37;
	v42 =	vsel vm6, v1, v22;
	v46 =	vld [tilespmem:s15+$0x13100];
	v21 =	vsel vm4, v13, v21  }
0x2b8: {  	s23 =	sor.u32 $0x380, s29;
	v17 =	vsel vm10, v1, v17;
	vm7 =	veq.s32 v36, $0x1;
	vm8 =	veq.s32 v38, $0x2;
	[tilespmem:s21+$0x14000] =	vst v21  }
0x2b9: {  	vm9 =	veq.s32 v36, $0x2;
	vm10 =	veq.s32 v38, $0x1;
	v44 =	vsel vm8, v10, v11;
	v43 =	vld [tilespmem:s23+$0x12000]  }
0x2ba: {  	vm12 =	veq.s32 v36, $0x0;
	vm11 =	veq.s32 v38, $0x0;
	v47 =	vsel vm10, v12, v44  }
0x2bb: {  	vm13 =	veq.s32 v41, $0x0;
	vm15 =	veq.s32 v41, $0x1;
	v20 =	vsel vm11, v9, v47  }
0x2bc: {  	vm6 =	veq.s32 v46, $0x2;
	v45 =	vsel vm9, v7, v8;
	vm14 =	veq.s32 v41, $0x2;
	[tilespmem:s22+$0x14000] =	vst v20  }
0x2bd: {  	v53 =	vsel vm6, v7, v8;
	vm9 =	veq.s32 v46, $0x0;
	v48 =	vsel vm7, v6, v45;
	v50 =	vld [tilespmem:s5+$0x13000]  }
0x2be: {  	v49 =	vsel vm14, v7, v8;
	vm8 =	veq.s32 v46, $0x1;
	v51 =	vld [tilespmem:s5+$0x13080];
	vm4 =	veq.s32 v43, $0x2  }
0x2bf: {  	v19 =	vsel vm12, v5, v48;
	v54 =	vld [tilespmem:s5+$0x13100];
	vm5 =	veq.s32 v43, $0x1;
	v52 =	vsel vm4, v14, v16  }
0x2c0: {  	v22 =	vsel vm8, v6, v53;
	vm7 =	veq.s32 v43, $0x0;
	v25 =	vsel vm5, v15, v52  }
0x2c1: {  	v22 =	vsel vm9, v5, v22;
	v20 =	vsel vm15, v6, v49;
	v25 =	vsel vm7, v13, v25  }
0x2c2: {  	v20 =	vsel vm13, v5, v20;
	vm10 =	veq.s32 v50, $0x0;
	vm11 =	veq.s32 v50, $0x2;
	[tilespmem:s23+$0x14000] =	vst v25  }
0x2c3: {  	[tilespmem:s12+$0x15000] =	vst v18;
	vm12 =	veq.s32 v50, $0x1;
	vm13 =	veq.s32 v51, $0x2;
	vm14 =	veq.s32 v51, $0x1;
	v55 =	vld [tilespmem:s10+$0x13000]  }
0x2c4: {  	[tilespmem:s12+$0x15100] =	vst v42;
	vm15 =	veq.s32 v51, $0x0;
	vm4 =	veq.s32 v54, $0x0;
	vm5 =	veq.s32 v54, $0x2;
	v61 =	vld [tilespmem:s10+$0x13080]  }
0x2c5: {  	[tilespmem:s12+$0x15080] =	vst v17;
	vm6 =	veq.s32 v54, $0x1;
	v56 =	vsel vm11, v10, v11;
	v58 =	vsel vm13, v10, v11;
	v62 =	vld [tilespmem:s10+$0x13100]  }
0x2c6: {  	[tilespmem:s15+$0x15000] =	vst v19;
	v63 =	vsel vm5, v10, v11;
	v57 =	vsel vm12, v12, v56;
	v60 =	vsel vm14, v12, v58  }
0x2c7: {  	[tilespmem:s15+$0x15100] =	vst v22;
	v19 =	vsel vm6, v12, v63;
	v59 =	vsel vm10, v9, v57;
	v18 =	vsel vm15, v9, v60  }
0x2c8: {  	s24 =	sor.u32 $0x1180, s13;
	[tilespmem:s15+$0x15080] =	vst v20;
	v19 =	vsel vm4, v9, v19;
	vm7 =	veq.s32 v55, $0x2;
	vm8 =	veq.s32 v55, $0x1  }
0x2c9: {  	v26 =	vld [tilespmem:s24+$0x12000];
	[tilespmem:s5+$0x15000] =	vst v59;
	vm9 =	veq.s32 v55, $0x0;
	vm10 =	veq.s32 v61, $0x0;
	vm11 =	veq.s32 v61, $0x2  }
0x2ca: {  	s25 =	sor.u32 $0x1180, s16;
	[tilespmem:s5+$0x15080] =	vst v18;
	vm12 =	veq.s32 v61, $0x1;
	vm13 =	veq.s32 v62, $0x2;
	v24 =	vsel vm7, v14, v16  }
0x2cb: {  	s7 =	sor.u32 $0x1180, s7;
	v28 =	vld [tilespmem:s25+$0x12000];
	[tilespmem:s5+$0x15100] =	vst v19;
	vm14 =	veq.s32 v62, $0x1;
	v27 =	vsel vm11, v14, v16;
	v20 =	vsel vm8, v15, v24  }
0x2cc: {  	v33 =	vld [tilespmem:s7+$0x12000];
	v29 =	vsel vm13, v14, v16;
	v18 =	vsel vm12, v15, v27;
	v25 =	vsel vm9, v13, v20  }
0x2cd: {  	vm15 =	veq.s32 v62, $0x0;
	v31 =	vsel vm14, v15, v29;
	v30 =	vsel vm10, v13, v18;
	[tilespmem:s10+$0x15000] =	vst v25  }
0x2ce: {  	vm5 =	veq.s32 v26, $0x2;
	v32 =	vsel vm15, v13, v31;
	[tilespmem:s10+$0x15080] =	vst v30  }
0x2cf: {  	vm6 =	veq.s32 v26, $0x1;
	v35 =	vsel vm5, v3, v4;
	[tilespmem:s10+$0x15100] =	vst v32;
	s10 =	sor.u32 $0x1180, s11  }
0x2d0: {  	vm4 =	veq.s32 v26, $0x0;
	vm7 =	veq.s32 v28, $0x2;
	vm8 =	veq.s32 v28, $0x1;
	v34 =	vld [tilespmem:s10+$0x12000]  }
0x2d1: {  	v36 =	vsel vm7, v7, v8;
	vm11 =	veq.s32 v33, $0x2;
	v20 =	vsel vm6, v2, v35  }
0x2d2: {  	vm9 =	veq.s32 v28, $0x0;
	v37 =	vsel vm8, v6, v36;
	v20 =	vsel vm4, v1, v20  }
0x2d3: {  	vm12 =	veq.s32 v33, $0x1;
	v38 =	vsel vm11, v10, v11;
	s11 =	sor.u32 $0x1200, s1;
	v19 =	vsel vm9, v5, v37;
	[tilespmem:s24+$0x14000] =	vst v20  }
0x2d4: {  	s12 =	sor.u32 $0x1200, s14;
	vm10 =	veq.s32 v33, $0x0;
	v17 =	vsel vm12, v12, v38;
	[tilespmem:s25+$0x14000] =	vst v19;
	v20 =	vld [tilespmem:s11+$0x12000]  }
0x2d5: {  	v17 =	vsel vm10, v9, v17;
	v19 =	vld [tilespmem:s12+$0x12000];
	vm13 =	veq.s32 v34, $0x2  }
0x2d6: {  	s13 =	sor.u32 $0x1200, s4;
	[tilespmem:s7+$0x14000] =	vst v17;
	vm14 =	veq.s32 v34, $0x1;
	v39 =	vsel vm13, v14, v16  }
0x2d7: {  	v42 =	vld [tilespmem:s13+$0x12000];
	vm15 =	veq.s32 v34, $0x0;
	v40 =	vsel vm14, v15, v39  }
0x2d8: {  	v41 =	vsel vm15, v13, v40  }
0x2d9: {  	s15 =	sor.u32 $0x1200, s9;
	vm4 =	veq.s32 v20, $0x0;
	vm5 =	veq.s32 v20, $0x2;
	vm6 =	veq.s32 v20, $0x1;
	[tilespmem:s10+$0x14000] =	vst v41  }
0x2da: {  	vm7 =	veq.s32 v19, $0x2;
	vm8 =	veq.s32 v19, $0x1;
	v43 =	vsel vm5, v3, v4;
	v17 =	vld [tilespmem:s15+$0x12000]  }
0x2db: {  	vm9 =	veq.s32 v19, $0x0;
	v44 =	vsel vm7, v7, v8;
	v20 =	vsel vm6, v2, v43  }
0x2dc: {  	vm11 =	veq.s32 v42, $0x2;
	v45 =	vsel vm8, v6, v44;
	v20 =	vsel vm4, v1, v20  }
0x2dd: {  	s16 =	sor.u32 $0x1280, s1;
	vm12 =	veq.s32 v42, $0x1;
	v46 =	vsel vm11, v10, v11;
	v19 =	vsel vm9, v5, v45;
	[tilespmem:s11+$0x14000] =	vst v20  }
0x2de: {  	s17 =	sor.u32 $0x1280, s14;
	vm10 =	veq.s32 v42, $0x0;
	v18 =	vsel vm12, v12, v46;
	[tilespmem:s12+$0x14000] =	vst v19;
	v20 =	vld [tilespmem:s16+$0x12000]  }
0x2df: {  	v18 =	vsel vm10, v9, v18;
	v19 =	vld [tilespmem:s17+$0x12000];
	vm13 =	veq.s32 v17, $0x2  }
0x2e0: {  	s18 =	sor.u32 $0x1280, s4;
	[tilespmem:s13+$0x14000] =	vst v18;
	vm14 =	veq.s32 v17, $0x1;
	v47 =	vsel vm13, v14, v16  }
0x2e1: {  	v18 =	vld [tilespmem:s18+$0x12000];
	vm15 =	veq.s32 v17, $0x0;
	v48 =	vsel vm14, v15, v47  }
0x2e2: {  	v17 =	vsel vm15, v13, v48  }
0x2e3: {  	s19 =	sor.u32 $0x1280, s9;
	vm4 =	veq.s32 v20, $0x0;
	vm5 =	veq.s32 v20, $0x2;
	vm6 =	veq.s32 v20, $0x1;
	[tilespmem:s15+$0x14000] =	vst v17  }
0x2e4: {  	vm7 =	veq.s32 v19, $0x2;
	vm8 =	veq.s32 v19, $0x1;
	v49 =	vsel vm5, v3, v4;
	v17 =	vld [tilespmem:s19+$0x12000]  }
0x2e5: {  	vm9 =	veq.s32 v19, $0x0;
	v50 =	vsel vm7, v7, v8;
	v20 =	vsel vm6, v2, v49  }
0x2e6: {  	vm11 =	veq.s32 v18, $0x2;
	v51 =	vsel vm8, v6, v50;
	v20 =	vsel vm4, v1, v20  }
0x2e7: {  	s1 =	sor.u32 $0x1300, s1;
	vm12 =	veq.s32 v18, $0x1;
	v52 =	vsel vm11, v10, v11;
	v19 =	vsel vm9, v5, v51;
	[tilespmem:s16+$0x14000] =	vst v20  }
0x2e8: {  	s20 =	sor.u32 $0x1300, s14;
	vm10 =	veq.s32 v18, $0x0;
	v18 =	vsel vm12, v12, v52;
	[tilespmem:s17+$0x14000] =	vst v19;
	v20 =	vld [tilespmem:s1+$0x12000]  }
0x2e9: {  	v18 =	vsel vm10, v9, v18;
	v19 =	vld [tilespmem:s20+$0x12000];
	vm13 =	veq.s32 v17, $0x2  }
0x2ea: {  	s4 =	sor.u32 $0x1300, s4;
	[tilespmem:s18+$0x14000] =	vst v18;
	vm14 =	veq.s32 v17, $0x1;
	v53 =	vsel vm13, v14, v16  }
0x2eb: {  	v18 =	vld [tilespmem:s4+$0x12000];
	vm15 =	veq.s32 v17, $0x0;
	v54 =	vsel vm14, v15, v53  }
0x2ec: {  	v17 =	vsel vm15, v13, v54  }
0x2ed: {  	s21 =	sor.u32 $0x1300, s9;
	vm4 =	veq.s32 v20, $0x0;
	vm5 =	veq.s32 v20, $0x2;
	[tilespmem:s19+$0x14000] =	vst v17  }
0x2ee: {  	vm6 =	veq.s32 v20, $0x1;
	vm7 =	veq.s32 v19, $0x2;
	vm8 =	veq.s32 v19, $0x1;
	v17 =	vld [tilespmem:s21+$0x12000]  }
0x2ef: {  	vm9 =	veq.s32 v19, $0x0;
	v55 =	vsel vm5, v3, v4;
	v56 =	vsel vm7, v7, v8  }
0x2f0: {  	vm11 =	veq.s32 v18, $0x2;
	vm12 =	veq.s32 v18, $0x1;
	v20 =	vsel vm6, v2, v55  }
0x2f1: {  	v57 =	vsel vm8, v6, v56;
	v58 =	vsel vm11, v10, v11;
	v20 =	vsel vm4, v1, v20  }
0x2f2: {  	s22 =	sor.u32 $0x1380, s3;
	vm10 =	veq.s32 v18, $0x0;
	v19 =	vsel vm9, v5, v57;
	v18 =	vsel vm12, v12, v58;
	[tilespmem:s1+$0x14000] =	vst v20  }
0x2f3: {  	s23 =	sor.u32 $0x1380, s6;
	[tilespmem:s20+$0x14000] =	vst v19;
	v60 =	vsel vm10, v9, v18;
	v20 =	vld [tilespmem:s22+$0x12000];
	vm13 =	veq.s32 v17, $0x2  }
0x2f4: {  	s24 =	sor.u32 $0x1380, s8;
	v19 =	vld [tilespmem:s23+$0x12000];
	[tilespmem:s4+$0x14000] =	vst v60;
	vm14 =	veq.s32 v17, $0x1;
	v59 =	vsel vm13, v14, v16  }
0x2f5: {  	v63 =	vld [tilespmem:s24+$0x12000];
	vm15 =	veq.s32 v17, $0x0;
	v61 =	vsel vm14, v15, v59  }
0x2f6: {  	v62 =	vsel vm15, v13, v61  }
0x2f7: {  	s25 =	sor.u32 $0x1380, s29;
	[tilespmem:s21+$0x14000] =	vst v62  }
0x2f8: {  	vm4 =	veq.s32 v20, $0x0;
	vm5 =	veq.s32 v20, $0x2;
	v17 =	vld [tilespmem:s25+$0x12000]  }
0x2f9: {  	vm6 =	veq.s32 v20, $0x1;
	vm7 =	veq.s32 v19, $0x2;
	vm8 =	veq.s32 v19, $0x1  }
0x2fa: {  	vm9 =	veq.s32 v19, $0x0;
	v3 =	vsel vm5, v3, v4;
	vm10 =	veq.s32 v63, $0x0  }
0x2fb: {  	s0 =	sadd.s32 $0x4, s0;
	vm11 =	veq.s32 v63, $0x2;
	v2 =	vsel vm6, v2, v3;
	v3 =	vsel vm7, v7, v8  }
0x2fc: {  	p1 =	slt.u32 s0, $0x1C;
	vm12 =	veq.s32 v63, $0x1;
	v1 =	vsel vm4, v1, v2;
	v2 =	vsel vm8, v6, v3  }
.Ltmp1:
0x2fd: {  	v3 =	vsel vm11, v10, v11;
	v2 =	vsel vm9, v5, v2;
	vm13 =	veq.s32 v17, $0x2;
	(pc) =	sbr.rel @p1 .LBB2_4-.Ltmp1, $4  }
0x2fe: {  	[tilespmem:s22+$0x14000] =	vst v1;
	v1 =	vsel vm12, v12, v3;
	vm14 =	veq.s32 v17, $0x1;
	v3 =	vsel vm13, v14, v16  }
0x2ff: {  	[tilespmem:s23+$0x14000] =	vst v2;
	v1 =	vsel vm10, v9, v1;
	vm15 =	veq.s32 v17, $0x0;
	v2 =	vsel vm14, v15, v3  }
0x300: {  	s31 =	sadd.s32 $0x4, s31;
	p0 =	por !p0, !p0;
	s26 =	sadd.s32 $0x2, s26;
	[tilespmem:s24+$0x14000] =	vst v1;
	v1 =	vsel vm15, v13, v2  }
0x301: {  	s30 =	sadd.s32 $0x40, s30;
	s28 =	sadd.s32 $0x200, s28;
	s29 =	sadd.s32 $0x240, s29;
	[tilespmem:s25+$0x14000] =	vst v1  }
0x302: {  	s0 =	rddreg [dreg:$0xc];
	s1 =	simm.s32 $0x14800  }
0x303: {  	[hbm4b:s0+s2] =	stream.linear.scatter [tilespmem:s1], [sflag:$0x2], $0x800, $0x38;
	[tilespmem:$0x16000] =	vst v63  }
0x304: {  	s29 =	simm.s32 $0x15800;
	s30 =	simm.s32 $0x2;
	s0 =	sadd.s32 $0x4000, s0  }
0x305: {  	[hbm4b:s0+s2] =	stream.linear.scatter [tilespmem:s29], [sflag:$0x2], $0x800, $0x38;
	[tilespmem:$0x16000] =	vst v63  }
0x306: {  	_ =	swait.ge [sflag:s30], $0x1000  }
0x307: {  	[sflag:s30] =	ssyncset.done $0x0  }
0x308: {  	[sflag:s30] =	ssyncadd.s32 $0xFFFFF000  }
0x309: {  	_ =	swait.ge [sflag:s30], $0x1000  }
0x30a: {  	s3 =	rddreg [dreg:$0xe]  }
0x30b: {  	s31 =	rddreg [dreg:$0xd];
	s3 =	sadd.s32 $0x1, s3  }
0x30c: {  	p0 =	sne.s32 s3, s31  }
.Ltmp2:
0x30d: {  	_ = 	snop;
	(pc) =	sbr.rel @p0 .LBB2_1-.Ltmp2, $3  }
0x30e: {  	_ =	sdelay $0x1  }
0x30f: {  	[sflag:s30] =	ssyncset.done $0x0  }
0x310: {  	[sflag:s30] =	ssyncadd.s32 $0xFFFFF000  }
0x311: {  	_ =	sfence.sel $0x180000  }
0x312: {  	[bflag:$0x0] =	sbarrier.arrive $0xFFFF  }
0x313: {  	_ =	strace $0x90000047  }
0x314: {  	s0 =	stileid.u32;
	[bflag:$0x2] =	sbarrier.arrive $0xFFFF  }
0x315: {  	p0 =	sne.s32 s0, $0x0;
	s0 =	rddreg [dreg:$0x5]  }
0x316: {  	s0 =	sadd.s32 @!p0 $0x100000, s0  }
0x317: {  	[sflag:s0] =	ssyncadd.tile.s32 @!p0 $0x1;
	_ =	shalt  }
.Lfunc_end2:
_tile_overlayer_lowered:
.L_overlay_start_2:
0x318: {  	(tag) =	ssettag $0x2  }
0x319: {  	s0 =	rddreg [dreg:$0x0];
	s2 =	stileid.u32  }
0x31a: {  	s1 =	rddreg [dreg:$0x1];
	p0 =	sne.s32 s2, $0x0  }
0x31b: {  	s3 =	rddreg [dreg:$0x2];
	[bflag:$0x3] =	sbarrier.arrive $0xFFFF;
	s2 =	simm.s32 @!p0 $0x1C05  }
0x31c: {  	[timem:s3], [sflag:s2] =	dma.local @!p0 [hbm:s0], s1  }
0x31d: {  	s0 =	simm.s32 @!p0 $0x5  }
0x31e: {  	_ =	swait.ge @!p0 [sflag:s0], s1  }
0x31f: {  	s1 =	ssub.s32 @!p0 $0x0, s1;
	[sflag:s0] =	ssyncset.done @!p0 $0x0  }
0x320: {  	[sflag:s0] =	ssyncadd.s32 @!p0 s1  }
0x321: {  	[bflag:$0x3] =	sbarrier.arrive $0xFFFF  }
0x322: {  	_ =	shalt  }

</sc_bundles>
